<compile_context>
chip_gen: v7x
topology: tpu7x:2x2x1
jax: 0.10.2.dev20260603
libtpu: 0.0.44.dev20260713+nightly
codegen_flags: <defaults>
</compile_context>

<pallas_src>
import functools

import jax
import jax.numpy as jnp
import numpy as np
from jax import lax
from jax.experimental import pallas as pl
from jax.experimental.pallas import tpu as pltpu
from jax.experimental.pallas import tpu_sc as plsc

N = 10000
E = 160000
DF = 128
DE = 16
H = 16
T = 16
NG = 64
ML = 64
RL = 64

NC = 2
NS = 16
NW = NC * NS
EPW = E // NW
RPW = N // NS

PK = 128 // H
E2 = E // 2
EPW2 = E2 // NW
TE = 8000
TB = TE // PK
NB = N // PK
EB2 = E2 // PK

_mesh = plsc.VectorSubcoreMesh(
    core_axis_name="c", subcore_axis_name="s", num_cores=NC, num_subcores=NS
)


def _unpack(xf, k):
    return jnp.concatenate([xf[:, 16 * b:16 * (b + 1)] for b in range(PK)], axis=0)


def _pack(x, k):
    return jnp.concatenate([x[b * k:(b + 1) * k, :] for b in range(PK)], axis=1)



@functools.partial(
    pl.kernel,
    out_type=jax.ShapeDtypeStruct((E2, H), jnp.float32),
    mesh=_mesh,
    compiler_params=pltpu.CompilerParams(use_tc_tiling_on_sc=False),
    scratch_types=[
        pltpu.VMEM((EPW2,), jnp.int32),
        pltpu.VMEM((EPW2,), jnp.int32),
        pltpu.VMEM((EPW2, H), jnp.float32),
        pltpu.SemaphoreType.DMA,
    ],
)
def _sc_gather(h_hbm, src_hbm, phi_hbm, out_hbm, idx_v, phi_v, rows_v, sem):
    wid = lax.axis_index("s") * NC + lax.axis_index("c")
    pltpu.sync_copy(src_hbm.at[wid], idx_v)
    pltpu.sync_copy(phi_hbm.at[wid], phi_v)
    pltpu.async_copy(h_hbm.at[idx_v], rows_v, sem).wait()
    pltpu.sync_copy(rows_v, out_hbm.at[phi_v])


@functools.partial(
    pl.kernel,
    out_type=jax.ShapeDtypeStruct((NC, N, H), jnp.float32),
    mesh=_mesh,
    compiler_params=pltpu.CompilerParams(use_tc_tiling_on_sc=False),
    scratch_types=[
        pltpu.VMEM((EPW2,), jnp.int32),
        pltpu.VMEM((EPW2,), jnp.int32),
        pltpu.VMEM((EPW2, H), jnp.float32),
        pltpu.VMEM_SHARED((N, H), jnp.float32),
        pltpu.SemaphoreType.DMA,
    ],
)
def _sc_scatter(msg_hbm, dst_hbm, phi_hbm, zeros_hbm, out_hbm,
                idx_v, phi_v, rows_v, acc_sh, sem):
    c = lax.axis_index("c")
    s = lax.axis_index("s")
    wid = s * NC + c
    pltpu.sync_copy(zeros_hbm.at[pl.ds(s * RPW, RPW)], acc_sh.at[pl.ds(s * RPW, RPW)])
    plsc.subcore_barrier()
    pltpu.sync_copy(dst_hbm.at[wid], idx_v)
    pltpu.sync_copy(phi_hbm.at[wid], phi_v)
    pltpu.async_copy(msg_hbm.at[phi_v], rows_v, sem).wait()
    pltpu.sync_copy(rows_v, acc_sh.at[idx_v], add=True)
    plsc.subcore_barrier()
    pltpu.sync_copy(acc_sh.at[pl.ds(s * RPW, RPW)], out_hbm.at[c, pl.ds(s * RPW, RPW)])



def _enc_body(xf_ref, wbd_ref, bf_ref, o_ref):
    o_ref[...] = xf_ref[...] @ wbd_ref[...] + bf_ref[...]


def _enc(xf, enc_Wbd, enc_bf):
    return pl.pallas_call(
        _enc_body,
        grid=(1,),
        in_specs=[
            pl.BlockSpec((NB, PK * DF), lambda i: (0, 0)),
            pl.BlockSpec((PK * DF, 128), lambda i: (0, 0)),
            pl.BlockSpec((1, 128), lambda i: (0, 0)),
        ],
        out_specs=pl.BlockSpec((NB, 128), lambda i: (0, 0)),
        out_shape=jax.ShapeDtypeStruct((NB, 128), jnp.float32),
    )(xf, enc_Wbd, enc_bf)


def _msg_body(af_ref, hgf_ref, w1_ref, b1_ref, w2_ref, b2_ref, q_ref, r_ref, o_ref):
    attr = af_ref[...]
    hg = _unpack(hgf_ref[...], TB)
    zp = lax.dot_general(attr.astype(jnp.bfloat16), w1_ref[...],
                         (((1,), (0,)), ((), ())),
                         preferred_element_type=jnp.float32)
    z = jnp.maximum(zp + b1_ref[...], 0.0)
    w = lax.dot_general(z.astype(jnp.bfloat16), w2_ref[...],
                        (((1,), (0,)), ((), ())),
                        preferred_element_type=jnp.float32) + b2_ref[...]
    hrep = hg @ q_ref[...]
    msg = lax.dot_general((hrep * w).astype(jnp.bfloat16), r_ref[...],
                          (((1,), (0,)), ((), ())),
                          preferred_element_type=jnp.float32)
    o_ref[...] = _pack(msg, TB)


def _msg(attrf, hgf, w1, b1, w2, b2, q, r, off):
    return pl.pallas_call(
        _msg_body,
        grid=(E2 // TE,),
        in_specs=[
            pl.BlockSpec((TE, DE), lambda i: (i + off, 0)),
            pl.BlockSpec((TB, 128), lambda i: (i, 0)),
            pl.BlockSpec((DE, ML), lambda i: (0, 0)),
            pl.BlockSpec((1, ML), lambda i: (0, 0)),
            pl.BlockSpec((ML, H * H), lambda i: (0, 0)),
            pl.BlockSpec((1, H * H), lambda i: (0, 0)),
            pl.BlockSpec((H, H * H), lambda i: (0, 0)),
            pl.BlockSpec((H * H, H), lambda i: (0, 0)),
        ],
        out_specs=pl.BlockSpec((TB, 128), lambda i: (i, 0)),
        out_shape=jax.ShapeDtypeStruct((EB2, 128), jnp.float32),
    )(attrf, hgf, w1, b1, w2, b2, q, r)


def _upd_body(pa0_ref, pa1_ref, pb0_ref, pb1_ref, hf_ref, wbd_ref, bf_ref, o_ref):
    o_ref[...] = (pa0_ref[0] + pa1_ref[0] + pb0_ref[0] + pb1_ref[0]
                  + hf_ref[...] @ wbd_ref[...] + bf_ref[...])


def _upd(parta, partb, hf, root_Wbd, conv_bf):
    fix = lambda i: (0, 0)
    return pl.pallas_call(
        _upd_body,
        grid=(1,),
        in_specs=[
            pl.BlockSpec((1, NB, 128), lambda i: (0, 0, 0)),
            pl.BlockSpec((1, NB, 128), lambda i: (1, 0, 0)),
            pl.BlockSpec((1, NB, 128), lambda i: (0, 0, 0)),
            pl.BlockSpec((1, NB, 128), lambda i: (1, 0, 0)),
            pl.BlockSpec((NB, 128), fix),
            pl.BlockSpec((128, 128), fix),
            pl.BlockSpec((1, 128), fix),
        ],
        out_specs=pl.BlockSpec((NB, 128), fix),
        out_shape=jax.ShapeDtypeStruct((NB, 128), jnp.float32),
    )(parta, parta, partb, partb, hf, root_Wbd, conv_bf)


def _readout_body(h0_ref, h1_ref, p0_ref, p1_ref, p2_ref, p3_ref, bw_ref,
                  rw_ref, rb_ref,
                  w1a_ref, w1b_ref, b1_ref, w1c_ref, b1c_ref,
                  w2a_ref, b2_ref, w2c_ref, b2c_ref,
                  o_ref):
    h0f = h0_ref[...]
    h2f = (p0_ref[0] + p1_ref[0] + p2_ref[0] + p3_ref[0]
           + h1_ref[...] @ rw_ref[...] + rb_ref[...])
    t1 = jnp.maximum(h0f @ w1a_ref[...] + h2f @ w1b_ref[...] + b1_ref[...], 0.0)
    r1 = t1 @ w1c_ref[...] + b1c_ref[...]
    t2 = jnp.maximum(h2f @ w2a_ref[...] + b2_ref[...], 0.0)
    r2 = t2 @ w2c_ref[...] + b2c_ref[...]
    resf = (1.0 / (1.0 + jnp.exp(-r1))) * r2
    resw = _unpack(resf, NB)
    h0w = _unpack(h0_ref[...], NB)
    maskw = (jnp.sum(h0w, axis=1, keepdims=True) > 0.0).astype(jnp.float32)
    resw = resw * maskw
    gids = lax.broadcasted_iota(jnp.int32, (N, NG), 1).astype(jnp.float32)
    onehot = (bw_ref[...] == gids).astype(jnp.float32)
    o_ref[...] = lax.dot_general(onehot, resw, (((0,), (0,)), ((), ())),
                                 preferred_element_type=jnp.float32)


def _readout(h0f, h1f, parta, partb, batchw,
             root_Wbd, conv_bf,
             w1abd, w1bbd, b1f, w1cbd, b1cf,
             w2abd, b2f, w2cbd, b2cf):
    fix = lambda i: (0, 0)
    return pl.pallas_call(
        _readout_body,
        grid=(1,),
        in_specs=[
            pl.BlockSpec((NB, 128), fix),
            pl.BlockSpec((NB, 128), fix),
            pl.BlockSpec((1, NB, 128), lambda i: (0, 0, 0)),
            pl.BlockSpec((1, NB, 128), lambda i: (1, 0, 0)),
            pl.BlockSpec((1, NB, 128), lambda i: (0, 0, 0)),
            pl.BlockSpec((1, NB, 128), lambda i: (1, 0, 0)),
            pl.BlockSpec((N, 1), fix),
            pl.BlockSpec((128, 128), fix),
            pl.BlockSpec((1, 128), fix),
            pl.BlockSpec((128, PK * RL), fix),
            pl.BlockSpec((128, PK * RL), fix),
            pl.BlockSpec((1, PK * RL), fix),
            pl.BlockSpec((PK * RL, 128), fix),
            pl.BlockSpec((1, 128), fix),
            pl.BlockSpec((128, PK * RL), fix),
            pl.BlockSpec((1, PK * RL), fix),
            pl.BlockSpec((PK * RL, 128), fix),
            pl.BlockSpec((1, 128), fix),
        ],
        out_specs=pl.BlockSpec((NG, T), fix),
        out_shape=jax.ShapeDtypeStruct((NG, T), jnp.float32),
    )(h0f, h1f, parta, parta, partb, partb, batchw,
      root_Wbd, conv_bf,
      w1abd, w1bbd, b1f, w1cbd, b1cf,
      w2abd, b2f, w2cbd, b2cf)



def _bd8(m):
    return jnp.kron(jnp.eye(PK, dtype=jnp.float32), m)


def _t8(v):
    return jnp.tile(v, PK).reshape(1, PK * v.shape[0])


@jax.jit
def kernel(x, edge_index, edge_attr, batch,
           enc_W, enc_b,
           edge_W1, edge_b1, edge_W2, edge_b2,
           root_W, conv_b,
           rf1_W1, rf1_b1, rf1_W2, rf1_b2,
           rf2_W1, rf2_b1, rf2_W2, rf2_b2):
    src = edge_index[0]
    dst = edge_index[1]
    zeros_nh = jnp.zeros((N, H), jnp.float32)
    q_sel = jnp.kron(jnp.eye(H, dtype=jnp.float32), jnp.ones((1, H), jnp.float32))
    r_sel = jnp.kron(jnp.ones((H, 1), jnp.float32),
                     jnp.eye(H, dtype=jnp.float32)).astype(jnp.bfloat16)
    w1b = edge_W1.astype(jnp.bfloat16)
    w2b = edge_W2.astype(jnp.bfloat16)
    b1r = edge_b1.reshape(1, ML)
    b2r = edge_b2.reshape(1, H * H)

    xf = x.reshape(NB, PK * DF)

    j = jnp.arange(E2, dtype=jnp.int32)
    u = j % TE
    phi = (j // TE) * TE + (u % TB) * PK + u // TB
    src_a = src[:E2].reshape(NW, EPW2)
    src_b = src[E2:].reshape(NW, EPW2)
    dst_a = dst[:E2].reshape(NW, EPW2)
    dst_b = dst[E2:].reshape(NW, EPW2)
    phi2d = phi.reshape(NW, EPW2)

    batchw = batch.reshape(NB, PK).T.astype(jnp.float32).reshape(N, 1)

    enc_Wbd = _bd8(enc_W)
    enc_bf = _t8(enc_b)
    root_Wbd = _bd8(root_W)
    conv_bf = _t8(conv_b)

    h0f = _enc(xf, enc_Wbd, enc_bf)

    def edge_pass(hf):
        h_lin = hf.reshape(N, H)
        hga = _sc_gather(h_lin, src_a, phi2d).reshape(EB2, 128)
        hgb = _sc_gather(h_lin, src_b, phi2d).reshape(EB2, 128)
        msga = _msg(edge_attr, hga, w1b, b1r, w2b, b2r, q_sel, r_sel, 0)
        msgb = _msg(edge_attr, hgb, w1b, b1r, w2b, b2r, q_sel, r_sel, E2 // TE)
        pa = _sc_scatter(msga.reshape(E2, H), dst_a, phi2d, zeros_nh)
        pb = _sc_scatter(msgb.reshape(E2, H), dst_b, phi2d, zeros_nh)
        return pa.reshape(NC, NB, 128), pb.reshape(NC, NB, 128)

    pa1, pb1 = edge_pass(h0f)
    h1f = _upd(pa1, pb1, h0f, root_Wbd, conv_bf)
    pa2, pb2 = edge_pass(h1f)

    return _readout(h0f, h1f, pa2, pb2, batchw,
                    root_Wbd, conv_bf,
                    _bd8(rf1_W1[:H]), _bd8(rf1_W1[H:]), _t8(rf1_b1),
                    _bd8(rf1_W2), _t8(rf1_b2),
                    _bd8(rf2_W1), _t8(rf2_b1), _bd8(rf2_W2), _t8(rf2_b2))

# --- scband reference (transcript-rebuilt; emitter-appended) ---
"""Pipeline reference for scband-conv-gnn-23613730194115 (READ-ONLY COPY).

The authoritative reference and input builder live on the scoring server;
editing this copy changes nothing except your own understanding.
"""

import jax, jax.numpy as jnp
import numpy as np

N = 10000
E = 160000
DF = 128
DE = 16
H = 16
T = 16
NG = 64
NUP = 2
ML = 64
RL = 64


def _glorot(key, shape):
    fan_in = shape[0]
    return jax.random.normal(key, shape, dtype=jnp.float32) * (1.0 / np.sqrt(fan_in))


def setup_inputs(seed: int = 0) -> dict:
    key = jax.random.key(seed)
    ks = jax.random.split(key, 24)
    x = jax.random.normal(ks[0], (N, DF), dtype=jnp.float32)
    edge_index = jax.random.randint(ks[1], (2, E), 0, N)
    edge_attr = jax.random.normal(ks[2], (E, DE), dtype=jnp.float32)
    batch = jnp.sort(jax.random.randint(ks[3], (N,), 0, NG))
    inp = {
        "x": x,
        "edge_index": edge_index,
        "edge_attr": edge_attr,
        "batch": batch,
        # state encoder: Linear(DF, H)
        "enc_W": _glorot(ks[4], (DF, H)),
        "enc_b": jnp.zeros((H,), dtype=jnp.float32),
        # edge nn: Linear(DE, ML) -> ReLU -> Dropout(0) -> Linear(ML, H*H)
        "edge_W1": _glorot(ks[5], (DE, ML)),
        "edge_b1": jnp.zeros((ML,), dtype=jnp.float32),
        "edge_W2": _glorot(ks[6], (ML, H * H)),
        "edge_b2": jnp.zeros((H * H,), dtype=jnp.float32),
        # NNConv root weight + bias
        "root_W": _glorot(ks[7], (H, H)),
        "conv_b": jnp.zeros((H,), dtype=jnp.float32),
        # readout_func1: Linear(2H, RL) -> ReLU -> Linear(RL, T)
        "rf1_W1": _glorot(ks[8], (2 * H, RL)),
        "rf1_b1": jnp.zeros((RL,), dtype=jnp.float32),
        "rf1_W2": _glorot(ks[9], (RL, T)),
        "rf1_b2": jnp.zeros((T,), dtype=jnp.float32),
        # readout_func2: Linear(H, RL) -> ReLU -> Linear(RL, T)
        "rf2_W1": _glorot(ks[10], (H, RL)),
        "rf2_b1": jnp.zeros((RL,), dtype=jnp.float32),
        "rf2_W2": _glorot(ks[11], (RL, T)),
        "rf2_b2": jnp.zeros((T,), dtype=jnp.float32),
    }
    return inp


def reference(x, edge_index, edge_attr, batch,
              enc_W, enc_b,
              edge_W1, edge_b1, edge_W2, edge_b2,
              root_W, conv_b,
              rf1_W1, rf1_b1, rf1_W2, rf1_b2,
              rf2_W1, rf2_b1, rf2_W2, rf2_b2):
    # state encoder
    h0 = x @ enc_W + enc_b
    # edge network -> per-edge weight matrices [E, H, H]
    w_e = jax.nn.relu(edge_attr @ edge_W1 + edge_b1) @ edge_W2 + edge_b2
    w_e = w_e.reshape(-1, H, H)
    src = edge_index[0]
    dst = edge_index[1]
    h = h0
    for _ in range(NUP):
        # NNConv: message_j->i = x_j @ W(e_ji), aggregated at dst with add
        msg = jnp.einsum('ei,eio->eo', jnp.take(h, src, axis=0), w_e)
        aggr = jax.ops.segment_sum(msg, dst, num_segments=N)
        h = aggr + h @ root_W + conv_b
    # readout
    cat = jnp.concatenate([h0, h], axis=1)
    r1 = jax.nn.relu(cat @ rf1_W1 + rf1_b1) @ rf1_W2 + rf1_b2
    r2 = jax.nn.relu(h @ rf2_W1 + rf2_b1) @ rf2_W2 + rf2_b2
    res = jax.nn.sigmoid(r1) * r2
    mask = (jnp.sum(h0, axis=1, keepdims=True) > 0).astype(res.dtype)
    res = mask * res
    # global_add_pool
    out = jax.ops.segment_sum(res, batch, num_segments=NG)
    return out

if __name__ == "__main__":
    import jax
    _d = setup_inputs()
    print(jax.jit(kernel)(*tuple(_d.values())))

</pallas_src>

<mosaic_0001>
#map = affine_map<(d0, d1) -> (0, 0)>
module attributes {stable_mosaic.version = 14 : i64} {
  func.func @_sc_gather(%arg0: i32, %arg1: i32, %arg2: memref<10000x16xf32, #tpu.memory_space<hbm>>, %arg3: memref<32x2500xi32, #tpu.memory_space<hbm>>, %arg4: memref<32x2500xi32, #tpu.memory_space<hbm>>, %arg5: memref<80000x16xf32, #tpu.memory_space<hbm>>, %arg6: memref<2500xi32, #tpu.memory_space<vmem>>, %arg7: memref<2500xi32, #tpu.memory_space<vmem>>, %arg8: memref<2500x16xf32, #tpu.memory_space<vmem>>, %arg9: memref<!tpu.dma_semaphore, #tpu.memory_space<semaphore_mem>>) attributes {dimension_semantics = [#tpu.dimension_semantics<core_parallel>, #tpu.dimension_semantics<subcore_parallel>], iteration_bounds = array<i64: 2, 16>, scalar_prefetch = 0 : i64, scratch_operands = 4 : i64, tpu.core_type = #tpu.core_type<sc_vector_subcore>, window_params = [{transform_indices = #map}, {transform_indices = #map}, {transform_indices = #map}, {transform_indices = #map}]} {
    %mul3A = arith.constant 2 : i32
    %mul3A_0 = arith.muli %arg1, %mul3A : i32
    %add3A = arith.addi %mul3A_0, %arg0 : i32
    "tpu.region"() ({
      %run_scoped3A = tpu.sem_alloc : memref<!tpu.dma_semaphore, #tpu.memory_space<semaphore_mem>>
      %dma_start3A_5 = arith.constant 0 : i32
      %dma_start3A_6 = tpu.memref_slice %arg3[%add3A, %dma_start3A_5] : memref<32x2500xi32, #tpu.memory_space<hbm>> -> memref<1x2500xi32, #tpu.memory_space<hbm>>
      %dma_start3A_7 = tpu.memref_squeeze %dma_start3A_6 : memref<1x2500xi32, #tpu.memory_space<hbm>> -> memref<2500xi32, #tpu.memory_space<hbm>>
      %dma_start3A_8 = arith.constant 0 : i32
      %dma_start3A_9 = tpu.memref_slice %arg3[%add3A, %dma_start3A_8] : memref<32x2500xi32, #tpu.memory_space<hbm>> -> memref<1x2500xi32, #tpu.memory_space<hbm>>
      %dma_start3A_10 = tpu.memref_squeeze %dma_start3A_9 : memref<1x2500xi32, #tpu.memory_space<hbm>> -> memref<2500xi32, #tpu.memory_space<hbm>>
      tpu.enqueue_dma source(%dma_start3A_10 : memref<2500xi32, #tpu.memory_space<hbm>>) target(%arg6 : memref<2500xi32, #tpu.memory_space<vmem>>) target_semaphore(%run_scoped3A : memref<!tpu.dma_semaphore, #tpu.memory_space<semaphore_mem>>)
      %dma_wait3A_11 = arith.constant 0 : i32
      %dma_wait3A_12 = tpu.memref_slice %arg3[%add3A, %dma_wait3A_11] : memref<32x2500xi32, #tpu.memory_space<hbm>> -> memref<1x2500xi32, #tpu.memory_space<hbm>>
      %dma_wait3A_13 = tpu.memref_squeeze %dma_wait3A_12 : memref<1x2500xi32, #tpu.memory_space<hbm>> -> memref<2500xi32, #tpu.memory_space<hbm>>
      %dma_wait3A_14 = arith.constant 0 : i32
      %dma_wait3A_15 = tpu.memref_slice %arg3[%add3A, %dma_wait3A_14] : memref<32x2500xi32, #tpu.memory_space<hbm>> -> memref<1x2500xi32, #tpu.memory_space<hbm>>
      %dma_wait3A_16 = tpu.memref_squeeze %dma_wait3A_15 : memref<1x2500xi32, #tpu.memory_space<hbm>> -> memref<2500xi32, #tpu.memory_space<hbm>>
      tpu.wait_dma2 semaphore(%run_scoped3A : memref<!tpu.dma_semaphore, #tpu.memory_space<semaphore_mem>>) src(%dma_wait3A_16 : memref<2500xi32, #tpu.memory_space<hbm>>) dst(%arg6 : memref<2500xi32, #tpu.memory_space<vmem>>)
      tpu.yield
    }) : () -> ()
    "tpu.region"() ({
      %run_scoped3A = tpu.sem_alloc : memref<!tpu.dma_semaphore, #tpu.memory_space<semaphore_mem>>
      %dma_start3A_5 = arith.constant 0 : i32
      %dma_start3A_6 = tpu.memref_slice %arg4[%add3A, %dma_start3A_5] : memref<32x2500xi32, #tpu.memory_space<hbm>> -> memref<1x2500xi32, #tpu.memory_space<hbm>>
      %dma_start3A_7 = tpu.memref_squeeze %dma_start3A_6 : memref<1x2500xi32, #tpu.memory_space<hbm>> -> memref<2500xi32, #tpu.memory_space<hbm>>
      %dma_start3A_8 = arith.constant 0 : i32
      %dma_start3A_9 = tpu.memref_slice %arg4[%add3A, %dma_start3A_8] : memref<32x2500xi32, #tpu.memory_space<hbm>> -> memref<1x2500xi32, #tpu.memory_space<hbm>>
      %dma_start3A_10 = tpu.memref_squeeze %dma_start3A_9 : memref<1x2500xi32, #tpu.memory_space<hbm>> -> memref<2500xi32, #tpu.memory_space<hbm>>
      tpu.enqueue_dma source(%dma_start3A_10 : memref<2500xi32, #tpu.memory_space<hbm>>) target(%arg7 : memref<2500xi32, #tpu.memory_space<vmem>>) target_semaphore(%run_scoped3A : memref<!tpu.dma_semaphore, #tpu.memory_space<semaphore_mem>>)
      %dma_wait3A_11 = arith.constant 0 : i32
      %dma_wait3A_12 = tpu.memref_slice %arg4[%add3A, %dma_wait3A_11] : memref<32x2500xi32, #tpu.memory_space<hbm>> -> memref<1x2500xi32, #tpu.memory_space<hbm>>
      %dma_wait3A_13 = tpu.memref_squeeze %dma_wait3A_12 : memref<1x2500xi32, #tpu.memory_space<hbm>> -> memref<2500xi32, #tpu.memory_space<hbm>>
      %dma_wait3A_14 = arith.constant 0 : i32
      %dma_wait3A_15 = tpu.memref_slice %arg4[%add3A, %dma_wait3A_14] : memref<32x2500xi32, #tpu.memory_space<hbm>> -> memref<1x2500xi32, #tpu.memory_space<hbm>>
      %dma_wait3A_16 = tpu.memref_squeeze %dma_wait3A_15 : memref<1x2500xi32, #tpu.memory_space<hbm>> -> memref<2500xi32, #tpu.memory_space<hbm>>
      tpu.wait_dma2 semaphore(%run_scoped3A : memref<!tpu.dma_semaphore, #tpu.memory_space<semaphore_mem>>) src(%dma_wait3A_16 : memref<2500xi32, #tpu.memory_space<hbm>>) dst(%arg7 : memref<2500xi32, #tpu.memory_space<vmem>>)
      tpu.yield
    }) : () -> ()
    %dma_start3A = arith.constant 0 : i32
    %dma_start3A_1 = arith.constant 0 : i32
    %dma_start3A_2 = tpu.memref_slice %arg2[%dma_start3A, %dma_start3A_1] : memref<10000x16xf32, #tpu.memory_space<hbm>> -> memref<10000x16xf32, #tpu.memory_space<hbm>>
    tpu.enqueue_indirect_dma source(%dma_start3A_2 : memref<10000x16xf32, #tpu.memory_space<hbm>>) target(%arg8 : memref<2500x16xf32, #tpu.memory_space<vmem>>) offsets(%arg6 : memref<2500xi32, #tpu.memory_space<vmem>>) semaphore(%arg9 : memref<!tpu.dma_semaphore, #tpu.memory_space<semaphore_mem>>)
    %dma_wait3A = arith.constant 0 : i32
    %dma_wait3A_3 = arith.constant 0 : i32
    %dma_wait3A_4 = tpu.memref_slice %arg2[%dma_wait3A, %dma_wait3A_3] : memref<10000x16xf32, #tpu.memory_space<hbm>> -> memref<10000x16xf32, #tpu.memory_space<hbm>>
    tpu.wait_indirect_dma semaphore(%arg9 : memref<!tpu.dma_semaphore, #tpu.memory_space<semaphore_mem>>) src(%dma_wait3A_4 : memref<10000x16xf32, #tpu.memory_space<hbm>>) dst(%arg8 : memref<2500x16xf32, #tpu.memory_space<vmem>>)
    "tpu.region"() ({
      %run_scoped3A = tpu.sem_alloc : memref<!tpu.dma_semaphore, #tpu.memory_space<semaphore_mem>>
      %dma_start3A_5 = arith.constant 0 : i32
      %dma_start3A_6 = arith.constant 0 : i32
      %dma_start3A_7 = tpu.memref_slice %arg5[%dma_start3A_5, %dma_start3A_6] : memref<80000x16xf32, #tpu.memory_space<hbm>> -> memref<80000x16xf32, #tpu.memory_space<hbm>>
      tpu.enqueue_indirect_dma source(%arg8 : memref<2500x16xf32, #tpu.memory_space<vmem>>) target(%dma_start3A_7 : memref<80000x16xf32, #tpu.memory_space<hbm>>) offsets(%arg7 : memref<2500xi32, #tpu.memory_space<vmem>>) semaphore(%run_scoped3A : memref<!tpu.dma_semaphore, #tpu.memory_space<semaphore_mem>>)
      %dma_wait3A_8 = arith.constant 0 : i32
      %dma_wait3A_9 = arith.constant 0 : i32
      %dma_wait3A_10 = tpu.memref_slice %arg5[%dma_wait3A_8, %dma_wait3A_9] : memref<80000x16xf32, #tpu.memory_space<hbm>> -> memref<80000x16xf32, #tpu.memory_space<hbm>>
      tpu.wait_indirect_dma semaphore(%run_scoped3A : memref<!tpu.dma_semaphore, #tpu.memory_space<semaphore_mem>>) src(%arg8 : memref<2500x16xf32, #tpu.memory_space<vmem>>) dst(%dma_wait3A_10 : memref<80000x16xf32, #tpu.memory_space<hbm>>)
      tpu.yield
    }) : () -> ()
    return
  }
}

#map = affine_map<(d0, d1) -> (0, 0)>
module attributes {stable_mosaic.version = 14 : i64} {
  func.func @_sc_gather(%arg0: i32, %arg1: i32, %arg2: memref<10000x16xf32, #tpu.memory_space<hbm>>, %arg3: memref<32x2500xi32, #tpu.memory_space<hbm>>, %arg4: memref<32x2500xi32, #tpu.memory_space<hbm>>, %arg5: memref<80000x16xf32, #tpu.memory_space<hbm>>, %arg6: memref<2500xi32, #tpu.memory_space<vmem>>, %arg7: memref<2500xi32, #tpu.memory_space<vmem>>, %arg8: memref<2500x16xf32, #tpu.memory_space<vmem>>, %arg9: memref<!tpu.dma_semaphore, #tpu.memory_space<semaphore_mem>>) attributes {dimension_semantics = [#tpu.dimension_semantics<core_parallel>, #tpu.dimension_semantics<subcore_parallel>], iteration_bounds = array<i64: 2, 16>, scalar_prefetch = 0 : i64, scratch_operands = 4 : i64, tpu.core_type = #tpu.core_type<sc_vector_subcore>, window_params = [{transform_indices = #map}, {transform_indices = #map}, {transform_indices = #map}, {transform_indices = #map}]} {
    %mul3A = arith.constant 2 : i32
    %mul3A_0 = arith.muli %arg1, %mul3A : i32
    %add3A = arith.addi %mul3A_0, %arg0 : i32
    "tpu.region"() ({
      %run_scoped3A = tpu.sem_alloc : memref<!tpu.dma_semaphore, #tpu.memory_space<semaphore_mem>>
      %dma_start3A_5 = arith.constant 0 : i32
      %dma_start3A_6 = tpu.memref_slice %arg3[%add3A, %dma_start3A_5] : memref<32x2500xi32, #tpu.memory_space<hbm>> -> memref<1x2500xi32, #tpu.memory_space<hbm>>
      %dma_start3A_7 = tpu.memref_squeeze %dma_start3A_6 : memref<1x2500xi32, #tpu.memory_space<hbm>> -> memref<2500xi32, #tpu.memory_space<hbm>>
      %dma_start3A_8 = arith.constant 0 : i32
      %dma_start3A_9 = tpu.memref_slice %arg3[%add3A, %dma_start3A_8] : memref<32x2500xi32, #tpu.memory_space<hbm>> -> memref<1x2500xi32, #tpu.memory_space<hbm>>
      %dma_start3A_10 = tpu.memref_squeeze %dma_start3A_9 : memref<1x2500xi32, #tpu.memory_space<hbm>> -> memref<2500xi32, #tpu.memory_space<hbm>>
      tpu.enqueue_dma source(%dma_start3A_10 : memref<2500xi32, #tpu.memory_space<hbm>>) target(%arg6 : memref<2500xi32, #tpu.memory_space<vmem>>) target_semaphore(%run_scoped3A : memref<!tpu.dma_semaphore, #tpu.memory_space<semaphore_mem>>)
      %dma_wait3A_11 = arith.constant 0 : i32
      %dma_wait3A_12 = tpu.memref_slice %arg3[%add3A, %dma_wait3A_11] : memref<32x2500xi32, #tpu.memory_space<hbm>> -> memref<1x2500xi32, #tpu.memory_space<hbm>>
      %dma_wait3A_13 = tpu.memref_squeeze %dma_wait3A_12 : memref<1x2500xi32, #tpu.memory_space<hbm>> -> memref<2500xi32, #tpu.memory_space<hbm>>
      %dma_wait3A_14 = arith.constant 0 : i32
      %dma_wait3A_15 = tpu.memref_slice %arg3[%add3A, %dma_wait3A_14] : memref<32x2500xi32, #tpu.memory_space<hbm>> -> memref<1x2500xi32, #tpu.memory_space<hbm>>
      %dma_wait3A_16 = tpu.memref_squeeze %dma_wait3A_15 : memref<1x2500xi32, #tpu.memory_space<hbm>> -> memref<2500xi32, #tpu.memory_space<hbm>>
      tpu.wait_dma2 semaphore(%run_scoped3A : memref<!tpu.dma_semaphore, #tpu.memory_space<semaphore_mem>>) src(%dma_wait3A_16 : memref<2500xi32, #tpu.memory_space<hbm>>) dst(%arg6 : memref<2500xi32, #tpu.memory_space<vmem>>)
      tpu.yield
    }) : () -> ()
    "tpu.region"() ({
      %run_scoped3A = tpu.sem_alloc : memref<!tpu.dma_semaphore, #tpu.memory_space<semaphore_mem>>
      %dma_start3A_5 = arith.constant 0 : i32
      %dma_start3A_6 = tpu.memref_slice %arg4[%add3A, %dma_start3A_5] : memref<32x2500xi32, #tpu.memory_space<hbm>> -> memref<1x2500xi32, #tpu.memory_space<hbm>>
      %dma_start3A_7 = tpu.memref_squeeze %dma_start3A_6 : memref<1x2500xi32, #tpu.memory_space<hbm>> -> memref<2500xi32, #tpu.memory_space<hbm>>
      %dma_start3A_8 = arith.constant 0 : i32
      %dma_start3A_9 = tpu.memref_slice %arg4[%add3A, %dma_start3A_8] : memref<32x2500xi32, #tpu.memory_space<hbm>> -> memref<1x2500xi32, #tpu.memory_space<hbm>>
      %dma_start3A_10 = tpu.memref_squeeze %dma_start3A_9 : memref<1x2500xi32, #tpu.memory_space<hbm>> -> memref<2500xi32, #tpu.memory_space<hbm>>
      tpu.enqueue_dma source(%dma_start3A_10 : memref<2500xi32, #tpu.memory_space<hbm>>) target(%arg7 : memref<2500xi32, #tpu.memory_space<vmem>>) target_semaphore(%run_scoped3A : memref<!tpu.dma_semaphore, #tpu.memory_space<semaphore_mem>>)
      %dma_wait3A_11 = arith.constant 0 : i32
      %dma_wait3A_12 = tpu.memref_slice %arg4[%add3A, %dma_wait3A_11] : memref<32x2500xi32, #tpu.memory_space<hbm>> -> memref<1x2500xi32, #tpu.memory_space<hbm>>
      %dma_wait3A_13 = tpu.memref_squeeze %dma_wait3A_12 : memref<1x2500xi32, #tpu.memory_space<hbm>> -> memref<2500xi32, #tpu.memory_space<hbm>>
      %dma_wait3A_14 = arith.constant 0 : i32
      %dma_wait3A_15 = tpu.memref_slice %arg4[%add3A, %dma_wait3A_14] : memref<32x2500xi32, #tpu.memory_space<hbm>> -> memref<1x2500xi32, #tpu.memory_space<hbm>>
      %dma_wait3A_16 = tpu.memref_squeeze %dma_wait3A_15 : memref<1x2500xi32, #tpu.memory_space<hbm>> -> memref<2500xi32, #tpu.memory_space<hbm>>
      tpu.wait_dma2 semaphore(%run_scoped3A : memref<!tpu.dma_semaphore, #tpu.memory_space<semaphore_mem>>) src(%dma_wait3A_16 : memref<2500xi32, #tpu.memory_space<hbm>>) dst(%arg7 : memref<2500xi32, #tpu.memory_space<vmem>>)
      tpu.yield
    }) : () -> ()
    %dma_start3A = arith.constant 0 : i32
    %dma_start3A_1 = arith.constant 0 : i32
    %dma_start3A_2 = tpu.memref_slice %arg2[%dma_start3A, %dma_start3A_1] : memref<10000x16xf32, #tpu.memory_space<hbm>> -> memref<10000x16xf32, #tpu.memory_space<hbm>>
    tpu.enqueue_indirect_dma source(%dma_start3A_2 : memref<10000x16xf32, #tpu.memory_space<hbm>>) target(%arg8 : memref<2500x16xf32, #tpu.memory_space<vmem>>) offsets(%arg6 : memref<2500xi32, #tpu.memory_space<vmem>>) semaphore(%arg9 : memref<!tpu.dma_semaphore, #tpu.memory_space<semaphore_mem>>)
    %dma_wait3A = arith.constant 0 : i32
    %dma_wait3A_3 = arith.constant 0 : i32
    %dma_wait3A_4 = tpu.memref_slice %arg2[%dma_wait3A, %dma_wait3A_3] : memref<10000x16xf32, #tpu.memory_space<hbm>> -> memref<10000x16xf32, #tpu.memory_space<hbm>>
    tpu.wait_indirect_dma semaphore(%arg9 : memref<!tpu.dma_semaphore, #tpu.memory_space<semaphore_mem>>) src(%dma_wait3A_4 : memref<10000x16xf32, #tpu.memory_space<hbm>>) dst(%arg8 : memref<2500x16xf32, #tpu.memory_space<vmem>>)
    "tpu.region"() ({
      %run_scoped3A = tpu.sem_alloc : memref<!tpu.dma_semaphore, #tpu.memory_space<semaphore_mem>>
      %dma_start3A_5 = arith.constant 0 : i32
      %dma_start3A_6 = arith.constant 0 : i32
      %dma_start3A_7 = tpu.memref_slice %arg5[%dma_start3A_5, %dma_start3A_6] : memref<80000x16xf32, #tpu.memory_space<hbm>> -> memref<80000x16xf32, #tpu.memory_space<hbm>>
      tpu.enqueue_indirect_dma source(%arg8 : memref<2500x16xf32, #tpu.memory_space<vmem>>) target(%dma_start3A_7 : memref<80000x16xf32, #tpu.memory_space<hbm>>) offsets(%arg7 : memref<2500xi32, #tpu.memory_space<vmem>>) semaphore(%run_scoped3A : memref<!tpu.dma_semaphore, #tpu.memory_space<semaphore_mem>>)
      %dma_wait3A_8 = arith.constant 0 : i32
      %dma_wait3A_9 = arith.constant 0 : i32
      %dma_wait3A_10 = tpu.memref_slice %arg5[%dma_wait3A_8, %dma_wait3A_9] : memref<80000x16xf32, #tpu.memory_space<hbm>> -> memref<80000x16xf32, #tpu.memory_space<hbm>>
      tpu.wait_indirect_dma semaphore(%run_scoped3A : memref<!tpu.dma_semaphore, #tpu.memory_space<semaphore_mem>>) src(%arg8 : memref<2500x16xf32, #tpu.memory_space<vmem>>) dst(%dma_wait3A_10 : memref<80000x16xf32, #tpu.memory_space<hbm>>)
      tpu.yield
    }) : () -> ()
    return
  }
}

#map = affine_map<(d0, d1) -> (0, 0)>
#map1 = affine_map<(d0, d1) -> (0, 0, 0)>
module attributes {stable_mosaic.version = 14 : i64} {
  func.func @_sc_scatter(%arg0: i32, %arg1: i32, %arg2: memref<80000x16xf32, #tpu.memory_space<hbm>>, %arg3: memref<32x2500xi32, #tpu.memory_space<hbm>>, %arg4: memref<32x2500xi32, #tpu.memory_space<hbm>>, %arg5: memref<10000x16xf32, #tpu.memory_space<hbm>>, %arg6: memref<2x10000x16xf32, #tpu.memory_space<hbm>>, %arg7: memref<2500xi32, #tpu.memory_space<vmem>>, %arg8: memref<2500xi32, #tpu.memory_space<vmem>>, %arg9: memref<2500x16xf32, #tpu.memory_space<vmem>>, %arg10: memref<10000x16xf32, #tpu.memory_space<vmem_shared>>, %arg11: memref<!tpu.dma_semaphore, #tpu.memory_space<semaphore_mem>>) attributes {dimension_semantics = [#tpu.dimension_semantics<core_parallel>, #tpu.dimension_semantics<subcore_parallel>], iteration_bounds = array<i64: 2, 16>, scalar_prefetch = 0 : i64, scratch_operands = 5 : i64, tpu.core_type = #tpu.core_type<sc_vector_subcore>, window_params = [{transform_indices = #map}, {transform_indices = #map}, {transform_indices = #map}, {transform_indices = #map}, {transform_indices = #map1}]} {
    %mul3A = arith.constant 2 : i32
    %mul3A_0 = arith.muli %arg1, %mul3A : i32
    %add3A = arith.addi %mul3A_0, %arg0 : i32
    %mul3A_1 = arith.constant 625 : i32
    %mul3A_2 = arith.muli %arg1, %mul3A_1 : i32
    %mul3A_3 = arith.constant 625 : i32
    %mul3A_4 = arith.muli %arg1, %mul3A_3 : i32
    "tpu.region"() ({
      %run_scoped3A = tpu.sem_alloc : memref<!tpu.dma_semaphore, #tpu.memory_space<semaphore_mem>>
      %dma_start3A_14 = arith.constant 0 : i32
      %dma_start3A_15 = tpu.memref_slice %arg10[%mul3A_4, %dma_start3A_14] : memref<10000x16xf32, #tpu.memory_space<vmem_shared>> -> memref<625x16xf32, #tpu.memory_space<vmem_shared>>
      %dma_start3A_16 = arith.constant 0 : i32
      %dma_start3A_17 = tpu.memref_slice %arg5[%mul3A_2, %dma_start3A_16] : memref<10000x16xf32, #tpu.memory_space<hbm>> -> memref<625x16xf32, #tpu.memory_space<hbm>>
      tpu.enqueue_dma source(%dma_start3A_17 : memref<625x16xf32, #tpu.memory_space<hbm>>) target(%dma_start3A_15 : memref<625x16xf32, #tpu.memory_space<vmem_shared>>) target_semaphore(%run_scoped3A : memref<!tpu.dma_semaphore, #tpu.memory_space<semaphore_mem>>)
      %dma_wait3A_18 = arith.constant 0 : i32
      %dma_wait3A_19 = tpu.memref_slice %arg10[%mul3A_4, %dma_wait3A_18] : memref<10000x16xf32, #tpu.memory_space<vmem_shared>> -> memref<625x16xf32, #tpu.memory_space<vmem_shared>>
      %dma_wait3A_20 = arith.constant 0 : i32
      %dma_wait3A_21 = tpu.memref_slice %arg5[%mul3A_2, %dma_wait3A_20] : memref<10000x16xf32, #tpu.memory_space<hbm>> -> memref<625x16xf32, #tpu.memory_space<hbm>>
      tpu.wait_dma2 semaphore(%run_scoped3A : memref<!tpu.dma_semaphore, #tpu.memory_space<semaphore_mem>>) src(%dma_wait3A_21 : memref<625x16xf32, #tpu.memory_space<hbm>>) dst(%dma_wait3A_19 : memref<625x16xf32, #tpu.memory_space<vmem_shared>>)
      tpu.yield
    }) : () -> ()
    %barrier3A = arith.constant 0 : index
    tpu.barrier barrier_id(%barrier3A)
    "tpu.region"() ({
      %run_scoped3A = tpu.sem_alloc : memref<!tpu.dma_semaphore, #tpu.memory_space<semaphore_mem>>
      %dma_start3A_14 = arith.constant 0 : i32
      %dma_start3A_15 = tpu.memref_slice %arg3[%add3A, %dma_start3A_14] : memref<32x2500xi32, #tpu.memory_space<hbm>> -> memref<1x2500xi32, #tpu.memory_space<hbm>>
      %dma_start3A_16 = tpu.memref_squeeze %dma_start3A_15 : memref<1x2500xi32, #tpu.memory_space<hbm>> -> memref<2500xi32, #tpu.memory_space<hbm>>
      %dma_start3A_17 = arith.constant 0 : i32
      %dma_start3A_18 = tpu.memref_slice %arg3[%add3A, %dma_start3A_17] : memref<32x2500xi32, #tpu.memory_space<hbm>> -> memref<1x2500xi32, #tpu.memory_space<hbm>>
      %dma_start3A_19 = tpu.memref_squeeze %dma_start3A_18 : memref<1x2500xi32, #tpu.memory_space<hbm>> -> memref<2500xi32, #tpu.memory_space<hbm>>
      tpu.enqueue_dma source(%dma_start3A_19 : memref<2500xi32, #tpu.memory_space<hbm>>) target(%arg7 : memref<2500xi32, #tpu.memory_space<vmem>>) target_semaphore(%run_scoped3A : memref<!tpu.dma_semaphore, #tpu.memory_space<semaphore_mem>>)
      %dma_wait3A_20 = arith.constant 0 : i32
      %dma_wait3A_21 = tpu.memref_slice %arg3[%add3A, %dma_wait3A_20] : memref<32x2500xi32, #tpu.memory_space<hbm>> -> memref<1x2500xi32, #tpu.memory_space<hbm>>
      %dma_wait3A_22 = tpu.memref_squeeze %dma_wait3A_21 : memref<1x2500xi32, #tpu.memory_space<hbm>> -> memref<2500xi32, #tpu.memory_space<hbm>>
      %dma_wait3A_23 = arith.constant 0 : i32
      %dma_wait3A_24 = tpu.memref_slice %arg3[%add3A, %dma_wait3A_23] : memref<32x2500xi32, #tpu.memory_space<hbm>> -> memref<1x2500xi32, #tpu.memory_space<hbm>>
      %dma_wait3A_25 = tpu.memref_squeeze %dma_wait3A_24 : memref<1x2500xi32, #tpu.memory_space<hbm>> -> memref<2500xi32, #tpu.memory_space<hbm>>
      tpu.wait_dma2 semaphore(%run_scoped3A : memref<!tpu.dma_semaphore, #tpu.memory_space<semaphore_mem>>) src(%dma_wait3A_25 : memref<2500xi32, #tpu.memory_space<hbm>>) dst(%arg7 : memref<2500xi32, #tpu.memory_space<vmem>>)
      tpu.yield
    }) : () -> ()
    "tpu.region"() ({
      %run_scoped3A = tpu.sem_alloc : memref<!tpu.dma_semaphore, #tpu.memory_space<semaphore_mem>>
      %dma_start3A_14 = arith.constant 0 : i32
      %dma_start3A_15 = tpu.memref_slice %arg4[%add3A, %dma_start3A_14] : memref<32x2500xi32, #tpu.memory_space<hbm>> -> memref<1x2500xi32, #tpu.memory_space<hbm>>
      %dma_start3A_16 = tpu.memref_squeeze %dma_start3A_15 : memref<1x2500xi32, #tpu.memory_space<hbm>> -> memref<2500xi32, #tpu.memory_space<hbm>>
      %dma_start3A_17 = arith.constant 0 : i32
      %dma_start3A_18 = tpu.memref_slice %arg4[%add3A, %dma_start3A_17] : memref<32x2500xi32, #tpu.memory_space<hbm>> -> memref<1x2500xi32, #tpu.memory_space<hbm>>
      %dma_start3A_19 = tpu.memref_squeeze %dma_start3A_18 : memref<1x2500xi32, #tpu.memory_space<hbm>> -> memref<2500xi32, #tpu.memory_space<hbm>>
      tpu.enqueue_dma source(%dma_start3A_19 : memref<2500xi32, #tpu.memory_space<hbm>>) target(%arg8 : memref<2500xi32, #tpu.memory_space<vmem>>) target_semaphore(%run_scoped3A : memref<!tpu.dma_semaphore, #tpu.memory_space<semaphore_mem>>)
      %dma_wait3A_20 = arith.constant 0 : i32
      %dma_wait3A_21 = tpu.memref_slice %arg4[%add3A, %dma_wait3A_20] : memref<32x2500xi32, #tpu.memory_space<hbm>> -> memref<1x2500xi32, #tpu.memory_space<hbm>>
      %dma_wait3A_22 = tpu.memref_squeeze %dma_wait3A_21 : memref<1x2500xi32, #tpu.memory_space<hbm>> -> memref<2500xi32, #tpu.memory_space<hbm>>
      %dma_wait3A_23 = arith.constant 0 : i32
      %dma_wait3A_24 = tpu.memref_slice %arg4[%add3A, %dma_wait3A_23] : memref<32x2500xi32, #tpu.memory_space<hbm>> -> memref<1x2500xi32, #tpu.memory_space<hbm>>
      %dma_wait3A_25 = tpu.memref_squeeze %dma_wait3A_24 : memref<1x2500xi32, #tpu.memory_space<hbm>> -> memref<2500xi32, #tpu.memory_space<hbm>>
      tpu.wait_dma2 semaphore(%run_scoped3A : memref<!tpu.dma_semaphore, #tpu.memory_space<semaphore_mem>>) src(%dma_wait3A_25 : memref<2500xi32, #tpu.memory_space<hbm>>) dst(%arg8 : memref<2500xi32, #tpu.memory_space<vmem>>)
      tpu.yield
    }) : () -> ()
    %dma_start3A = arith.constant 0 : i32
    %dma_start3A_5 = arith.constant 0 : i32
    %dma_start3A_6 = tpu.memref_slice %arg2[%dma_start3A, %dma_start3A_5] : memref<80000x16xf32, #tpu.memory_space<hbm>> -> memref<80000x16xf32, #tpu.memory_space<hbm>>
    tpu.enqueue_indirect_dma source(%dma_start3A_6 : memref<80000x16xf32, #tpu.memory_space<hbm>>) target(%arg9 : memref<2500x16xf32, #tpu.memory_space<vmem>>) offsets(%arg8 : memref<2500xi32, #tpu.memory_space<vmem>>) semaphore(%arg11 : memref<!tpu.dma_semaphore, #tpu.memory_space<semaphore_mem>>)
    %dma_wait3A = arith.constant 0 : i32
    %dma_wait3A_7 = arith.constant 0 : i32
    %dma_wait3A_8 = tpu.memref_slice %arg2[%dma_wait3A, %dma_wait3A_7] : memref<80000x16xf32, #tpu.memory_space<hbm>> -> memref<80000x16xf32, #tpu.memory_space<hbm>>
    tpu.wait_indirect_dma semaphore(%arg11 : memref<!tpu.dma_semaphore, #tpu.memory_space<semaphore_mem>>) src(%dma_wait3A_8 : memref<80000x16xf32, #tpu.memory_space<hbm>>) dst(%arg9 : memref<2500x16xf32, #tpu.memory_space<vmem>>)
    "tpu.region"() ({
      %run_scoped3A = tpu.sem_alloc : memref<!tpu.dma_semaphore, #tpu.memory_space<semaphore_mem>>
      %dma_start3A_14 = arith.constant 0 : i32
      %dma_start3A_15 = arith.constant 0 : i32
      %dma_start3A_16 = tpu.memref_slice %arg10[%dma_start3A_14, %dma_start3A_15] : memref<10000x16xf32, #tpu.memory_space<vmem_shared>> -> memref<10000x16xf32, #tpu.memory_space<vmem_shared>>
      tpu.enqueue_indirect_dma source(%arg9 : memref<2500x16xf32, #tpu.memory_space<vmem>>) target(%dma_start3A_16 : memref<10000x16xf32, #tpu.memory_space<vmem_shared>>) offsets(%arg7 : memref<2500xi32, #tpu.memory_space<vmem>>) semaphore(%run_scoped3A : memref<!tpu.dma_semaphore, #tpu.memory_space<semaphore_mem>>) {add = true}
      %dma_wait3A_17 = arith.constant 0 : i32
      %dma_wait3A_18 = arith.constant 0 : i32
      %dma_wait3A_19 = tpu.memref_slice %arg10[%dma_wait3A_17, %dma_wait3A_18] : memref<10000x16xf32, #tpu.memory_space<vmem_shared>> -> memref<10000x16xf32, #tpu.memory_space<vmem_shared>>
      tpu.wait_indirect_dma semaphore(%run_scoped3A : memref<!tpu.dma_semaphore, #tpu.memory_space<semaphore_mem>>) src(%arg9 : memref<2500x16xf32, #tpu.memory_space<vmem>>) dst(%dma_wait3A_19 : memref<10000x16xf32, #tpu.memory_space<vmem_shared>>)
      tpu.yield
    }) : () -> ()
    %barrier3A_9 = arith.constant 0 : index
    tpu.barrier barrier_id(%barrier3A_9)
    %mul3A_10 = arith.constant 625 : i32
    %mul3A_11 = arith.muli %arg1, %mul3A_10 : i32
    %mul3A_12 = arith.constant 625 : i32
    %mul3A_13 = arith.muli %arg1, %mul3A_12 : i32
    "tpu.region"() ({
      %run_scoped3A = tpu.sem_alloc : memref<!tpu.dma_semaphore, #tpu.memory_space<semaphore_mem>>
      %dma_start3A_14 = arith.constant 0 : i32
      %dma_start3A_15 = tpu.memref_slice %arg6[%arg0, %mul3A_13, %dma_start3A_14] : memref<2x10000x16xf32, #tpu.memory_space<hbm>> -> memref<1x625x16xf32, #tpu.memory_space<hbm>>
      %dma_start3A_16 = tpu.memref_squeeze %dma_start3A_15 : memref<1x625x16xf32, #tpu.memory_space<hbm>> -> memref<625x16xf32, #tpu.memory_space<hbm>>
      %dma_start3A_17 = arith.constant 0 : i32
      %dma_start3A_18 = tpu.memref_slice %arg10[%mul3A_11, %dma_start3A_17] : memref<10000x16xf32, #tpu.memory_space<vmem_shared>> -> memref<625x16xf32, #tpu.memory_space<vmem_shared>>
      tpu.enqueue_dma source(%dma_start3A_18 : memref<625x16xf32, #tpu.memory_space<vmem_shared>>) target(%dma_start3A_16 : memref<625x16xf32, #tpu.memory_space<hbm>>) target_semaphore(%run_scoped3A : memref<!tpu.dma_semaphore, #tpu.memory_space<semaphore_mem>>)
      %dma_wait3A_19 = arith.constant 0 : i32
      %dma_wait3A_20 = tpu.memref_slice %arg6[%arg0, %mul3A_13, %dma_wait3A_19] : memref<2x10000x16xf32, #tpu.memory_space<hbm>> -> memref<1x625x16xf32, #tpu.memory_space<hbm>>
      %dma_wait3A_21 = tpu.memref_squeeze %dma_wait3A_20 : memref<1x625x16xf32, #tpu.memory_space<hbm>> -> memref<625x16xf32, #tpu.memory_space<hbm>>
      %dma_wait3A_22 = arith.constant 0 : i32
      %dma_wait3A_23 = tpu.memref_slice %arg10[%mul3A_11, %dma_wait3A_22] : memref<10000x16xf32, #tpu.memory_space<vmem_shared>> -> memref<625x16xf32, #tpu.memory_space<vmem_shared>>
      tpu.wait_dma2 semaphore(%run_scoped3A : memref<!tpu.dma_semaphore, #tpu.memory_space<semaphore_mem>>) src(%dma_wait3A_23 : memref<625x16xf32, #tpu.memory_space<vmem_shared>>) dst(%dma_wait3A_21 : memref<625x16xf32, #tpu.memory_space<hbm>>)
      tpu.yield
    }) : () -> ()
    return
  }
}

#map = affine_map<(d0, d1) -> (0, 0)>
#map1 = affine_map<(d0, d1) -> (0, 0, 0)>
module attributes {stable_mosaic.version = 14 : i64} {
  func.func @_sc_scatter(%arg0: i32, %arg1: i32, %arg2: memref<80000x16xf32, #tpu.memory_space<hbm>>, %arg3: memref<32x2500xi32, #tpu.memory_space<hbm>>, %arg4: memref<32x2500xi32, #tpu.memory_space<hbm>>, %arg5: memref<10000x16xf32, #tpu.memory_space<hbm>>, %arg6: memref<2x10000x16xf32, #tpu.memory_space<hbm>>, %arg7: memref<2500xi32, #tpu.memory_space<vmem>>, %arg8: memref<2500xi32, #tpu.memory_space<vmem>>, %arg9: memref<2500x16xf32, #tpu.memory_space<vmem>>, %arg10: memref<10000x16xf32, #tpu.memory_space<vmem_shared>>, %arg11: memref<!tpu.dma_semaphore, #tpu.memory_space<semaphore_mem>>) attributes {dimension_semantics = [#tpu.dimension_semantics<core_parallel>, #tpu.dimension_semantics<subcore_parallel>], iteration_bounds = array<i64: 2, 16>, scalar_prefetch = 0 : i64, scratch_operands = 5 : i64, tpu.core_type = #tpu.core_type<sc_vector_subcore>, window_params = [{transform_indices = #map}, {transform_indices = #map}, {transform_indices = #map}, {transform_indices = #map}, {transform_indices = #map1}]} {
    %mul3A = arith.constant 2 : i32
    %mul3A_0 = arith.muli %arg1, %mul3A : i32
    %add3A = arith.addi %mul3A_0, %arg0 : i32
    %mul3A_1 = arith.constant 625 : i32
    %mul3A_2 = arith.muli %arg1, %mul3A_1 : i32
    %mul3A_3 = arith.constant 625 : i32
    %mul3A_4 = arith.muli %arg1, %mul3A_3 : i32
    "tpu.region"() ({
      %run_scoped3A = tpu.sem_alloc : memref<!tpu.dma_semaphore, #tpu.memory_space<semaphore_mem>>
      %dma_start3A_14 = arith.constant 0 : i32
      %dma_start3A_15 = tpu.memref_slice %arg10[%mul3A_4, %dma_start3A_14] : memref<10000x16xf32, #tpu.memory_space<vmem_shared>> -> memref<625x16xf32, #tpu.memory_space<vmem_shared>>
      %dma_start3A_16 = arith.constant 0 : i32
      %dma_start3A_17 = tpu.memref_slice %arg5[%mul3A_2, %dma_start3A_16] : memref<10000x16xf32, #tpu.memory_space<hbm>> -> memref<625x16xf32, #tpu.memory_space<hbm>>
      tpu.enqueue_dma source(%dma_start3A_17 : memref<625x16xf32, #tpu.memory_space<hbm>>) target(%dma_start3A_15 : memref<625x16xf32, #tpu.memory_space<vmem_shared>>) target_semaphore(%run_scoped3A : memref<!tpu.dma_semaphore, #tpu.memory_space<semaphore_mem>>)
      %dma_wait3A_18 = arith.constant 0 : i32
      %dma_wait3A_19 = tpu.memref_slice %arg10[%mul3A_4, %dma_wait3A_18] : memref<10000x16xf32, #tpu.memory_space<vmem_shared>> -> memref<625x16xf32, #tpu.memory_space<vmem_shared>>
      %dma_wait3A_20 = arith.constant 0 : i32
      %dma_wait3A_21 = tpu.memref_slice %arg5[%mul3A_2, %dma_wait3A_20] : memref<10000x16xf32, #tpu.memory_space<hbm>> -> memref<625x16xf32, #tpu.memory_space<hbm>>
      tpu.wait_dma2 semaphore(%run_scoped3A : memref<!tpu.dma_semaphore, #tpu.memory_space<semaphore_mem>>) src(%dma_wait3A_21 : memref<625x16xf32, #tpu.memory_space<hbm>>) dst(%dma_wait3A_19 : memref<625x16xf32, #tpu.memory_space<vmem_shared>>)
      tpu.yield
    }) : () -> ()
    %barrier3A = arith.constant 0 : index
    tpu.barrier barrier_id(%barrier3A)
    "tpu.region"() ({
      %run_scoped3A = tpu.sem_alloc : memref<!tpu.dma_semaphore, #tpu.memory_space<semaphore_mem>>
      %dma_start3A_14 = arith.constant 0 : i32
      %dma_start3A_15 = tpu.memref_slice %arg3[%add3A, %dma_start3A_14] : memref<32x2500xi32, #tpu.memory_space<hbm>> -> memref<1x2500xi32, #tpu.memory_space<hbm>>
      %dma_start3A_16 = tpu.memref_squeeze %dma_start3A_15 : memref<1x2500xi32, #tpu.memory_space<hbm>> -> memref<2500xi32, #tpu.memory_space<hbm>>
      %dma_start3A_17 = arith.constant 0 : i32
      %dma_start3A_18 = tpu.memref_slice %arg3[%add3A, %dma_start3A_17] : memref<32x2500xi32, #tpu.memory_space<hbm>> -> memref<1x2500xi32, #tpu.memory_space<hbm>>
      %dma_start3A_19 = tpu.memref_squeeze %dma_start3A_18 : memref<1x2500xi32, #tpu.memory_space<hbm>> -> memref<2500xi32, #tpu.memory_space<hbm>>
      tpu.enqueue_dma source(%dma_start3A_19 : memref<2500xi32, #tpu.memory_space<hbm>>) target(%arg7 : memref<2500xi32, #tpu.memory_space<vmem>>) target_semaphore(%run_scoped3A : memref<!tpu.dma_semaphore, #tpu.memory_space<semaphore_mem>>)
      %dma_wait3A_20 = arith.constant 0 : i32
      %dma_wait3A_21 = tpu.memref_slice %arg3[%add3A, %dma_wait3A_20] : memref<32x2500xi32, #tpu.memory_space<hbm>> -> memref<1x2500xi32, #tpu.memory_space<hbm>>
      %dma_wait3A_22 = tpu.memref_squeeze %dma_wait3A_21 : memref<1x2500xi32, #tpu.memory_space<hbm>> -> memref<2500xi32, #tpu.memory_space<hbm>>
      %dma_wait3A_23 = arith.constant 0 : i32
      %dma_wait3A_24 = tpu.memref_slice %arg3[%add3A, %dma_wait3A_23] : memref<32x2500xi32, #tpu.memory_space<hbm>> -> memref<1x2500xi32, #tpu.memory_space<hbm>>
      %dma_wait3A_25 = tpu.memref_squeeze %dma_wait3A_24 : memref<1x2500xi32, #tpu.memory_space<hbm>> -> memref<2500xi32, #tpu.memory_space<hbm>>
      tpu.wait_dma2 semaphore(%run_scoped3A : memref<!tpu.dma_semaphore, #tpu.memory_space<semaphore_mem>>) src(%dma_wait3A_25 : memref<2500xi32, #tpu.memory_space<hbm>>) dst(%arg7 : memref<2500xi32, #tpu.memory_space<vmem>>)
      tpu.yield
    }) : () -> ()
    "tpu.region"() ({
      %run_scoped3A = tpu.sem_alloc : memref<!tpu.dma_semaphore, #tpu.memory_space<semaphore_mem>>
      %dma_start3A_14 = arith.constant 0 : i32
      %dma_start3A_15 = tpu.memref_slice %arg4[%add3A, %dma_start3A_14] : memref<32x2500xi32, #tpu.memory_space<hbm>> -> memref<1x2500xi32, #tpu.memory_space<hbm>>
      %dma_start3A_16 = tpu.memref_squeeze %dma_start3A_15 : memref<1x2500xi32, #tpu.memory_space<hbm>> -> memref<2500xi32, #tpu.memory_space<hbm>>
      %dma_start3A_17 = arith.constant 0 : i32
      %dma_start3A_18 = tpu.memref_slice %arg4[%add3A, %dma_start3A_17] : memref<32x2500xi32, #tpu.memory_space<hbm>> -> memref<1x2500xi32, #tpu.memory_space<hbm>>
      %dma_start3A_19 = tpu.memref_squeeze %dma_start3A_18 : memref<1x2500xi32, #tpu.memory_space<hbm>> -> memref<2500xi32, #tpu.memory_space<hbm>>
      tpu.enqueue_dma source(%dma_start3A_19 : memref<2500xi32, #tpu.memory_space<hbm>>) target(%arg8 : memref<2500xi32, #tpu.memory_space<vmem>>) target_semaphore(%run_scoped3A : memref<!tpu.dma_semaphore, #tpu.memory_space<semaphore_mem>>)
      %dma_wait3A_20 = arith.constant 0 : i32
      %dma_wait3A_21 = tpu.memref_slice %arg4[%add3A, %dma_wait3A_20] : memref<32x2500xi32, #tpu.memory_space<hbm>> -> memref<1x2500xi32, #tpu.memory_space<hbm>>
      %dma_wait3A_22 = tpu.memref_squeeze %dma_wait3A_21 : memref<1x2500xi32, #tpu.memory_space<hbm>> -> memref<2500xi32, #tpu.memory_space<hbm>>
      %dma_wait3A_23 = arith.constant 0 : i32
      %dma_wait3A_24 = tpu.memref_slice %arg4[%add3A, %dma_wait3A_23] : memref<32x2500xi32, #tpu.memory_space<hbm>> -> memref<1x2500xi32, #tpu.memory_space<hbm>>
      %dma_wait3A_25 = tpu.memref_squeeze %dma_wait3A_24 : memref<1x2500xi32, #tpu.memory_space<hbm>> -> memref<2500xi32, #tpu.memory_space<hbm>>
      tpu.wait_dma2 semaphore(%run_scoped3A : memref<!tpu.dma_semaphore, #tpu.memory_space<semaphore_mem>>) src(%dma_wait3A_25 : memref<2500xi32, #tpu.memory_space<hbm>>) dst(%arg8 : memref<2500xi32, #tpu.memory_space<vmem>>)
      tpu.yield
    }) : () -> ()
    %dma_start3A = arith.constant 0 : i32
    %dma_start3A_5 = arith.constant 0 : i32
    %dma_start3A_6 = tpu.memref_slice %arg2[%dma_start3A, %dma_start3A_5] : memref<80000x16xf32, #tpu.memory_space<hbm>> -> memref<80000x16xf32, #tpu.memory_space<hbm>>
    tpu.enqueue_indirect_dma source(%dma_start3A_6 : memref<80000x16xf32, #tpu.memory_space<hbm>>) target(%arg9 : memref<2500x16xf32, #tpu.memory_space<vmem>>) offsets(%arg8 : memref<2500xi32, #tpu.memory_space<vmem>>) semaphore(%arg11 : memref<!tpu.dma_semaphore, #tpu.memory_space<semaphore_mem>>)
    %dma_wait3A = arith.constant 0 : i32
    %dma_wait3A_7 = arith.constant 0 : i32
    %dma_wait3A_8 = tpu.memref_slice %arg2[%dma_wait3A, %dma_wait3A_7] : memref<80000x16xf32, #tpu.memory_space<hbm>> -> memref<80000x16xf32, #tpu.memory_space<hbm>>
    tpu.wait_indirect_dma semaphore(%arg11 : memref<!tpu.dma_semaphore, #tpu.memory_space<semaphore_mem>>) src(%dma_wait3A_8 : memref<80000x16xf32, #tpu.memory_space<hbm>>) dst(%arg9 : memref<2500x16xf32, #tpu.memory_space<vmem>>)
    "tpu.region"() ({
      %run_scoped3A = tpu.sem_alloc : memref<!tpu.dma_semaphore, #tpu.memory_space<semaphore_mem>>
      %dma_start3A_14 = arith.constant 0 : i32
      %dma_start3A_15 = arith.constant 0 : i32
      %dma_start3A_16 = tpu.memref_slice %arg10[%dma_start3A_14, %dma_start3A_15] : memref<10000x16xf32, #tpu.memory_space<vmem_shared>> -> memref<10000x16xf32, #tpu.memory_space<vmem_shared>>
      tpu.enqueue_indirect_dma source(%arg9 : memref<2500x16xf32, #tpu.memory_space<vmem>>) target(%dma_start3A_16 : memref<10000x16xf32, #tpu.memory_space<vmem_shared>>) offsets(%arg7 : memref<2500xi32, #tpu.memory_space<vmem>>) semaphore(%run_scoped3A : memref<!tpu.dma_semaphore, #tpu.memory_space<semaphore_mem>>) {add = true}
      %dma_wait3A_17 = arith.constant 0 : i32
      %dma_wait3A_18 = arith.constant 0 : i32
      %dma_wait3A_19 = tpu.memref_slice %arg10[%dma_wait3A_17, %dma_wait3A_18] : memref<10000x16xf32, #tpu.memory_space<vmem_shared>> -> memref<10000x16xf32, #tpu.memory_space<vmem_shared>>
      tpu.wait_indirect_dma semaphore(%run_scoped3A : memref<!tpu.dma_semaphore, #tpu.memory_space<semaphore_mem>>) src(%arg9 : memref<2500x16xf32, #tpu.memory_space<vmem>>) dst(%dma_wait3A_19 : memref<10000x16xf32, #tpu.memory_space<vmem_shared>>)
      tpu.yield
    }) : () -> ()
    %barrier3A_9 = arith.constant 0 : index
    tpu.barrier barrier_id(%barrier3A_9)
    %mul3A_10 = arith.constant 625 : i32
    %mul3A_11 = arith.muli %arg1, %mul3A_10 : i32
    %mul3A_12 = arith.constant 625 : i32
    %mul3A_13 = arith.muli %arg1, %mul3A_12 : i32
    "tpu.region"() ({
      %run_scoped3A = tpu.sem_alloc : memref<!tpu.dma_semaphore, #tpu.memory_space<semaphore_mem>>
      %dma_start3A_14 = arith.constant 0 : i32
      %dma_start3A_15 = tpu.memref_slice %arg6[%arg0, %mul3A_13, %dma_start3A_14] : memref<2x10000x16xf32, #tpu.memory_space<hbm>> -> memref<1x625x16xf32, #tpu.memory_space<hbm>>
      %dma_start3A_16 = tpu.memref_squeeze %dma_start3A_15 : memref<1x625x16xf32, #tpu.memory_space<hbm>> -> memref<625x16xf32, #tpu.memory_space<hbm>>
      %dma_start3A_17 = arith.constant 0 : i32
      %dma_start3A_18 = tpu.memref_slice %arg10[%mul3A_11, %dma_start3A_17] : memref<10000x16xf32, #tpu.memory_space<vmem_shared>> -> memref<625x16xf32, #tpu.memory_space<vmem_shared>>
      tpu.enqueue_dma source(%dma_start3A_18 : memref<625x16xf32, #tpu.memory_space<vmem_shared>>) target(%dma_start3A_16 : memref<625x16xf32, #tpu.memory_space<hbm>>) target_semaphore(%run_scoped3A : memref<!tpu.dma_semaphore, #tpu.memory_space<semaphore_mem>>)
      %dma_wait3A_19 = arith.constant 0 : i32
      %dma_wait3A_20 = tpu.memref_slice %arg6[%arg0, %mul3A_13, %dma_wait3A_19] : memref<2x10000x16xf32, #tpu.memory_space<hbm>> -> memref<1x625x16xf32, #tpu.memory_space<hbm>>
      %dma_wait3A_21 = tpu.memref_squeeze %dma_wait3A_20 : memref<1x625x16xf32, #tpu.memory_space<hbm>> -> memref<625x16xf32, #tpu.memory_space<hbm>>
      %dma_wait3A_22 = arith.constant 0 : i32
      %dma_wait3A_23 = tpu.memref_slice %arg10[%mul3A_11, %dma_wait3A_22] : memref<10000x16xf32, #tpu.memory_space<vmem_shared>> -> memref<625x16xf32, #tpu.memory_space<vmem_shared>>
      tpu.wait_dma2 semaphore(%run_scoped3A : memref<!tpu.dma_semaphore, #tpu.memory_space<semaphore_mem>>) src(%dma_wait3A_23 : memref<625x16xf32, #tpu.memory_space<vmem_shared>>) dst(%dma_wait3A_21 : memref<625x16xf32, #tpu.memory_space<hbm>>)
      tpu.yield
    }) : () -> ()
    return
  }
}

#map = affine_map<(d0, d1) -> (0, 0)>
module attributes {stable_mosaic.version = 14 : i64} {
  func.func @_sc_gather(%arg0: i32, %arg1: i32, %arg2: memref<10000x16xf32, #tpu.memory_space<hbm>>, %arg3: memref<32x2500xi32, #tpu.memory_space<hbm>>, %arg4: memref<32x2500xi32, #tpu.memory_space<hbm>>, %arg5: memref<80000x16xf32, #tpu.memory_space<hbm>>, %arg6: memref<2500xi32, #tpu.memory_space<vmem>>, %arg7: memref<2500xi32, #tpu.memory_space<vmem>>, %arg8: memref<2500x16xf32, #tpu.memory_space<vmem>>, %arg9: memref<!tpu.dma_semaphore, #tpu.memory_space<semaphore_mem>>) attributes {dimension_semantics = [#tpu.dimension_semantics<core_parallel>, #tpu.dimension_semantics<subcore_parallel>], iteration_bounds = array<i64: 2, 16>, scalar_prefetch = 0 : i64, scratch_operands = 4 : i64, tpu.core_type = #tpu.core_type<sc_vector_subcore>, window_params = [{transform_indices = #map}, {transform_indices = #map}, {transform_indices = #map}, {transform_indices = #map}]} {
    %mul3A = arith.constant 2 : i32
    %mul3A_0 = arith.muli %arg1, %mul3A : i32
    %add3A = arith.addi %mul3A_0, %arg0 : i32
    "tpu.region"() ({
      %run_scoped3A = tpu.sem_alloc : memref<!tpu.dma_semaphore, #tpu.memory_space<semaphore_mem>>
      %dma_start3A_5 = arith.constant 0 : i32
      %dma_start3A_6 = tpu.memref_slice %arg3[%add3A, %dma_start3A_5] : memref<32x2500xi32, #tpu.memory_space<hbm>> -> memref<1x2500xi32, #tpu.memory_space<hbm>>
      %dma_start3A_7 = tpu.memref_squeeze %dma_start3A_6 : memref<1x2500xi32, #tpu.memory_space<hbm>> -> memref<2500xi32, #tpu.memory_space<hbm>>
      %dma_start3A_8 = arith.constant 0 : i32
      %dma_start3A_9 = tpu.memref_slice %arg3[%add3A, %dma_start3A_8] : memref<32x2500xi32, #tpu.memory_space<hbm>> -> memref<1x2500xi32, #tpu.memory_space<hbm>>
      %dma_start3A_10 = tpu.memref_squeeze %dma_start3A_9 : memref<1x2500xi32, #tpu.memory_space<hbm>> -> memref<2500xi32, #tpu.memory_space<hbm>>
      tpu.enqueue_dma source(%dma_start3A_10 : memref<2500xi32, #tpu.memory_space<hbm>>) target(%arg6 : memref<2500xi32, #tpu.memory_space<vmem>>) target_semaphore(%run_scoped3A : memref<!tpu.dma_semaphore, #tpu.memory_space<semaphore_mem>>)
      %dma_wait3A_11 = arith.constant 0 : i32
      %dma_wait3A_12 = tpu.memref_slice %arg3[%add3A, %dma_wait3A_11] : memref<32x2500xi32, #tpu.memory_space<hbm>> -> memref<1x2500xi32, #tpu.memory_space<hbm>>
      %dma_wait3A_13 = tpu.memref_squeeze %dma_wait3A_12 : memref<1x2500xi32, #tpu.memory_space<hbm>> -> memref<2500xi32, #tpu.memory_space<hbm>>
      %dma_wait3A_14 = arith.constant 0 : i32
      %dma_wait3A_15 = tpu.memref_slice %arg3[%add3A, %dma_wait3A_14] : memref<32x2500xi32, #tpu.memory_space<hbm>> -> memref<1x2500xi32, #tpu.memory_space<hbm>>
      %dma_wait3A_16 = tpu.memref_squeeze %dma_wait3A_15 : memref<1x2500xi32, #tpu.memory_space<hbm>> -> memref<2500xi32, #tpu.memory_space<hbm>>
      tpu.wait_dma2 semaphore(%run_scoped3A : memref<!tpu.dma_semaphore, #tpu.memory_space<semaphore_mem>>) src(%dma_wait3A_16 : memref<2500xi32, #tpu.memory_space<hbm>>) dst(%arg6 : memref<2500xi32, #tpu.memory_space<vmem>>)
      tpu.yield
    }) : () -> ()
    "tpu.region"() ({
      %run_scoped3A = tpu.sem_alloc : memref<!tpu.dma_semaphore, #tpu.memory_space<semaphore_mem>>
      %dma_start3A_5 = arith.constant 0 : i32
      %dma_start3A_6 = tpu.memref_slice %arg4[%add3A, %dma_start3A_5] : memref<32x2500xi32, #tpu.memory_space<hbm>> -> memref<1x2500xi32, #tpu.memory_space<hbm>>
      %dma_start3A_7 = tpu.memref_squeeze %dma_start3A_6 : memref<1x2500xi32, #tpu.memory_space<hbm>> -> memref<2500xi32, #tpu.memory_space<hbm>>
      %dma_start3A_8 = arith.constant 0 : i32
      %dma_start3A_9 = tpu.memref_slice %arg4[%add3A, %dma_start3A_8] : memref<32x2500xi32, #tpu.memory_space<hbm>> -> memref<1x2500xi32, #tpu.memory_space<hbm>>
      %dma_start3A_10 = tpu.memref_squeeze %dma_start3A_9 : memref<1x2500xi32, #tpu.memory_space<hbm>> -> memref<2500xi32, #tpu.memory_space<hbm>>
      tpu.enqueue_dma source(%dma_start3A_10 : memref<2500xi32, #tpu.memory_space<hbm>>) target(%arg7 : memref<2500xi32, #tpu.memory_space<vmem>>) target_semaphore(%run_scoped3A : memref<!tpu.dma_semaphore, #tpu.memory_space<semaphore_mem>>)
      %dma_wait3A_11 = arith.constant 0 : i32
      %dma_wait3A_12 = tpu.memref_slice %arg4[%add3A, %dma_wait3A_11] : memref<32x2500xi32, #tpu.memory_space<hbm>> -> memref<1x2500xi32, #tpu.memory_space<hbm>>
      %dma_wait3A_13 = tpu.memref_squeeze %dma_wait3A_12 : memref<1x2500xi32, #tpu.memory_space<hbm>> -> memref<2500xi32, #tpu.memory_space<hbm>>
      %dma_wait3A_14 = arith.constant 0 : i32
      %dma_wait3A_15 = tpu.memref_slice %arg4[%add3A, %dma_wait3A_14] : memref<32x2500xi32, #tpu.memory_space<hbm>> -> memref<1x2500xi32, #tpu.memory_space<hbm>>
      %dma_wait3A_16 = tpu.memref_squeeze %dma_wait3A_15 : memref<1x2500xi32, #tpu.memory_space<hbm>> -> memref<2500xi32, #tpu.memory_space<hbm>>
      tpu.wait_dma2 semaphore(%run_scoped3A : memref<!tpu.dma_semaphore, #tpu.memory_space<semaphore_mem>>) src(%dma_wait3A_16 : memref<2500xi32, #tpu.memory_space<hbm>>) dst(%arg7 : memref<2500xi32, #tpu.memory_space<vmem>>)
      tpu.yield
    }) : () -> ()
    %dma_start3A = arith.constant 0 : i32
    %dma_start3A_1 = arith.constant 0 : i32
    %dma_start3A_2 = tpu.memref_slice %arg2[%dma_start3A, %dma_start3A_1] : memref<10000x16xf32, #tpu.memory_space<hbm>> -> memref<10000x16xf32, #tpu.memory_space<hbm>>
    tpu.enqueue_indirect_dma source(%dma_start3A_2 : memref<10000x16xf32, #tpu.memory_space<hbm>>) target(%arg8 : memref<2500x16xf32, #tpu.memory_space<vmem>>) offsets(%arg6 : memref<2500xi32, #tpu.memory_space<vmem>>) semaphore(%arg9 : memref<!tpu.dma_semaphore, #tpu.memory_space<semaphore_mem>>)
    %dma_wait3A = arith.constant 0 : i32
    %dma_wait3A_3 = arith.constant 0 : i32
    %dma_wait3A_4 = tpu.memref_slice %arg2[%dma_wait3A, %dma_wait3A_3] : memref<10000x16xf32, #tpu.memory_space<hbm>> -> memref<10000x16xf32, #tpu.memory_space<hbm>>
    tpu.wait_indirect_dma semaphore(%arg9 : memref<!tpu.dma_semaphore, #tpu.memory_space<semaphore_mem>>) src(%dma_wait3A_4 : memref<10000x16xf32, #tpu.memory_space<hbm>>) dst(%arg8 : memref<2500x16xf32, #tpu.memory_space<vmem>>)
    "tpu.region"() ({
      %run_scoped3A = tpu.sem_alloc : memref<!tpu.dma_semaphore, #tpu.memory_space<semaphore_mem>>
      %dma_start3A_5 = arith.constant 0 : i32
      %dma_start3A_6 = arith.constant 0 : i32
      %dma_start3A_7 = tpu.memref_slice %arg5[%dma_start3A_5, %dma_start3A_6] : memref<80000x16xf32, #tpu.memory_space<hbm>> -> memref<80000x16xf32, #tpu.memory_space<hbm>>
      tpu.enqueue_indirect_dma source(%arg8 : memref<2500x16xf32, #tpu.memory_space<vmem>>) target(%dma_start3A_7 : memref<80000x16xf32, #tpu.memory_space<hbm>>) offsets(%arg7 : memref<2500xi32, #tpu.memory_space<vmem>>) semaphore(%run_scoped3A : memref<!tpu.dma_semaphore, #tpu.memory_space<semaphore_mem>>)
      %dma_wait3A_8 = arith.constant 0 : i32
      %dma_wait3A_9 = arith.constant 0 : i32
      %dma_wait3A_10 = tpu.memref_slice %arg5[%dma_wait3A_8, %dma_wait3A_9] : memref<80000x16xf32, #tpu.memory_space<hbm>> -> memref<80000x16xf32, #tpu.memory_space<hbm>>
      tpu.wait_indirect_dma semaphore(%run_scoped3A : memref<!tpu.dma_semaphore, #tpu.memory_space<semaphore_mem>>) src(%arg8 : memref<2500x16xf32, #tpu.memory_space<vmem>>) dst(%dma_wait3A_10 : memref<80000x16xf32, #tpu.memory_space<hbm>>)
      tpu.yield
    }) : () -> ()
    return
  }
}

#map = affine_map<(d0, d1) -> (0, 0)>
module attributes {stable_mosaic.version = 14 : i64} {
  func.func @_sc_gather(%arg0: i32, %arg1: i32, %arg2: memref<10000x16xf32, #tpu.memory_space<hbm>>, %arg3: memref<32x2500xi32, #tpu.memory_space<hbm>>, %arg4: memref<32x2500xi32, #tpu.memory_space<hbm>>, %arg5: memref<80000x16xf32, #tpu.memory_space<hbm>>, %arg6: memref<2500xi32, #tpu.memory_space<vmem>>, %arg7: memref<2500xi32, #tpu.memory_space<vmem>>, %arg8: memref<2500x16xf32, #tpu.memory_space<vmem>>, %arg9: memref<!tpu.dma_semaphore, #tpu.memory_space<semaphore_mem>>) attributes {dimension_semantics = [#tpu.dimension_semantics<core_parallel>, #tpu.dimension_semantics<subcore_parallel>], iteration_bounds = array<i64: 2, 16>, scalar_prefetch = 0 : i64, scratch_operands = 4 : i64, tpu.core_type = #tpu.core_type<sc_vector_subcore>, window_params = [{transform_indices = #map}, {transform_indices = #map}, {transform_indices = #map}, {transform_indices = #map}]} {
    %mul3A = arith.constant 2 : i32
    %mul3A_0 = arith.muli %arg1, %mul3A : i32
    %add3A = arith.addi %mul3A_0, %arg0 : i32
    "tpu.region"() ({
      %run_scoped3A = tpu.sem_alloc : memref<!tpu.dma_semaphore, #tpu.memory_space<semaphore_mem>>
      %dma_start3A_5 = arith.constant 0 : i32
      %dma_start3A_6 = tpu.memref_slice %arg3[%add3A, %dma_start3A_5] : memref<32x2500xi32, #tpu.memory_space<hbm>> -> memref<1x2500xi32, #tpu.memory_space<hbm>>
      %dma_start3A_7 = tpu.memref_squeeze %dma_start3A_6 : memref<1x2500xi32, #tpu.memory_space<hbm>> -> memref<2500xi32, #tpu.memory_space<hbm>>
      %dma_start3A_8 = arith.constant 0 : i32
      %dma_start3A_9 = tpu.memref_slice %arg3[%add3A, %dma_start3A_8] : memref<32x2500xi32, #tpu.memory_space<hbm>> -> memref<1x2500xi32, #tpu.memory_space<hbm>>
      %dma_start3A_10 = tpu.memref_squeeze %dma_start3A_9 : memref<1x2500xi32, #tpu.memory_space<hbm>> -> memref<2500xi32, #tpu.memory_space<hbm>>
      tpu.enqueue_dma source(%dma_start3A_10 : memref<2500xi32, #tpu.memory_space<hbm>>) target(%arg6 : memref<2500xi32, #tpu.memory_space<vmem>>) target_semaphore(%run_scoped3A : memref<!tpu.dma_semaphore, #tpu.memory_space<semaphore_mem>>)
      %dma_wait3A_11 = arith.constant 0 : i32
      %dma_wait3A_12 = tpu.memref_slice %arg3[%add3A, %dma_wait3A_11] : memref<32x2500xi32, #tpu.memory_space<hbm>> -> memref<1x2500xi32, #tpu.memory_space<hbm>>
      %dma_wait3A_13 = tpu.memref_squeeze %dma_wait3A_12 : memref<1x2500xi32, #tpu.memory_space<hbm>> -> memref<2500xi32, #tpu.memory_space<hbm>>
      %dma_wait3A_14 = arith.constant 0 : i32
      %dma_wait3A_15 = tpu.memref_slice %arg3[%add3A, %dma_wait3A_14] : memref<32x2500xi32, #tpu.memory_space<hbm>> -> memref<1x2500xi32, #tpu.memory_space<hbm>>
      %dma_wait3A_16 = tpu.memref_squeeze %dma_wait3A_15 : memref<1x2500xi32, #tpu.memory_space<hbm>> -> memref<2500xi32, #tpu.memory_space<hbm>>
      tpu.wait_dma2 semaphore(%run_scoped3A : memref<!tpu.dma_semaphore, #tpu.memory_space<semaphore_mem>>) src(%dma_wait3A_16 : memref<2500xi32, #tpu.memory_space<hbm>>) dst(%arg6 : memref<2500xi32, #tpu.memory_space<vmem>>)
      tpu.yield
    }) : () -> ()
    "tpu.region"() ({
      %run_scoped3A = tpu.sem_alloc : memref<!tpu.dma_semaphore, #tpu.memory_space<semaphore_mem>>
      %dma_start3A_5 = arith.constant 0 : i32
      %dma_start3A_6 = tpu.memref_slice %arg4[%add3A, %dma_start3A_5] : memref<32x2500xi32, #tpu.memory_space<hbm>> -> memref<1x2500xi32, #tpu.memory_space<hbm>>
      %dma_start3A_7 = tpu.memref_squeeze %dma_start3A_6 : memref<1x2500xi32, #tpu.memory_space<hbm>> -> memref<2500xi32, #tpu.memory_space<hbm>>
      %dma_start3A_8 = arith.constant 0 : i32
      %dma_start3A_9 = tpu.memref_slice %arg4[%add3A, %dma_start3A_8] : memref<32x2500xi32, #tpu.memory_space<hbm>> -> memref<1x2500xi32, #tpu.memory_space<hbm>>
      %dma_start3A_10 = tpu.memref_squeeze %dma_start3A_9 : memref<1x2500xi32, #tpu.memory_space<hbm>> -> memref<2500xi32, #tpu.memory_space<hbm>>
      tpu.enqueue_dma source(%dma_start3A_10 : memref<2500xi32, #tpu.memory_space<hbm>>) target(%arg7 : memref<2500xi32, #tpu.memory_space<vmem>>) target_semaphore(%run_scoped3A : memref<!tpu.dma_semaphore, #tpu.memory_space<semaphore_mem>>)
      %dma_wait3A_11 = arith.constant 0 : i32
      %dma_wait3A_12 = tpu.memref_slice %arg4[%add3A, %dma_wait3A_11] : memref<32x2500xi32, #tpu.memory_space<hbm>> -> memref<1x2500xi32, #tpu.memory_space<hbm>>
      %dma_wait3A_13 = tpu.memref_squeeze %dma_wait3A_12 : memref<1x2500xi32, #tpu.memory_space<hbm>> -> memref<2500xi32, #tpu.memory_space<hbm>>
      %dma_wait3A_14 = arith.constant 0 : i32
      %dma_wait3A_15 = tpu.memref_slice %arg4[%add3A, %dma_wait3A_14] : memref<32x2500xi32, #tpu.memory_space<hbm>> -> memref<1x2500xi32, #tpu.memory_space<hbm>>
      %dma_wait3A_16 = tpu.memref_squeeze %dma_wait3A_15 : memref<1x2500xi32, #tpu.memory_space<hbm>> -> memref<2500xi32, #tpu.memory_space<hbm>>
      tpu.wait_dma2 semaphore(%run_scoped3A : memref<!tpu.dma_semaphore, #tpu.memory_space<semaphore_mem>>) src(%dma_wait3A_16 : memref<2500xi32, #tpu.memory_space<hbm>>) dst(%arg7 : memref<2500xi32, #tpu.memory_space<vmem>>)
      tpu.yield
    }) : () -> ()
    %dma_start3A = arith.constant 0 : i32
    %dma_start3A_1 = arith.constant 0 : i32
    %dma_start3A_2 = tpu.memref_slice %arg2[%dma_start3A, %dma_start3A_1] : memref<10000x16xf32, #tpu.memory_space<hbm>> -> memref<10000x16xf32, #tpu.memory_space<hbm>>
    tpu.enqueue_indirect_dma source(%dma_start3A_2 : memref<10000x16xf32, #tpu.memory_space<hbm>>) target(%arg8 : memref<2500x16xf32, #tpu.memory_space<vmem>>) offsets(%arg6 : memref<2500xi32, #tpu.memory_space<vmem>>) semaphore(%arg9 : memref<!tpu.dma_semaphore, #tpu.memory_space<semaphore_mem>>)
    %dma_wait3A = arith.constant 0 : i32
    %dma_wait3A_3 = arith.constant 0 : i32
    %dma_wait3A_4 = tpu.memref_slice %arg2[%dma_wait3A, %dma_wait3A_3] : memref<10000x16xf32, #tpu.memory_space<hbm>> -> memref<10000x16xf32, #tpu.memory_space<hbm>>
    tpu.wait_indirect_dma semaphore(%arg9 : memref<!tpu.dma_semaphore, #tpu.memory_space<semaphore_mem>>) src(%dma_wait3A_4 : memref<10000x16xf32, #tpu.memory_space<hbm>>) dst(%arg8 : memref<2500x16xf32, #tpu.memory_space<vmem>>)
    "tpu.region"() ({
      %run_scoped3A = tpu.sem_alloc : memref<!tpu.dma_semaphore, #tpu.memory_space<semaphore_mem>>
      %dma_start3A_5 = arith.constant 0 : i32
      %dma_start3A_6 = arith.constant 0 : i32
      %dma_start3A_7 = tpu.memref_slice %arg5[%dma_start3A_5, %dma_start3A_6] : memref<80000x16xf32, #tpu.memory_space<hbm>> -> memref<80000x16xf32, #tpu.memory_space<hbm>>
      tpu.enqueue_indirect_dma source(%arg8 : memref<2500x16xf32, #tpu.memory_space<vmem>>) target(%dma_start3A_7 : memref<80000x16xf32, #tpu.memory_space<hbm>>) offsets(%arg7 : memref<2500xi32, #tpu.memory_space<vmem>>) semaphore(%run_scoped3A : memref<!tpu.dma_semaphore, #tpu.memory_space<semaphore_mem>>)
      %dma_wait3A_8 = arith.constant 0 : i32
      %dma_wait3A_9 = arith.constant 0 : i32
      %dma_wait3A_10 = tpu.memref_slice %arg5[%dma_wait3A_8, %dma_wait3A_9] : memref<80000x16xf32, #tpu.memory_space<hbm>> -> memref<80000x16xf32, #tpu.memory_space<hbm>>
      tpu.wait_indirect_dma semaphore(%run_scoped3A : memref<!tpu.dma_semaphore, #tpu.memory_space<semaphore_mem>>) src(%arg8 : memref<2500x16xf32, #tpu.memory_space<vmem>>) dst(%dma_wait3A_10 : memref<80000x16xf32, #tpu.memory_space<hbm>>)
      tpu.yield
    }) : () -> ()
    return
  }
}

#map = affine_map<(d0, d1) -> (0, 0)>
#map1 = affine_map<(d0, d1) -> (0, 0, 0)>
module attributes {stable_mosaic.version = 14 : i64} {
  func.func @_sc_scatter(%arg0: i32, %arg1: i32, %arg2: memref<80000x16xf32, #tpu.memory_space<hbm>>, %arg3: memref<32x2500xi32, #tpu.memory_space<hbm>>, %arg4: memref<32x2500xi32, #tpu.memory_space<hbm>>, %arg5: memref<10000x16xf32, #tpu.memory_space<hbm>>, %arg6: memref<2x10000x16xf32, #tpu.memory_space<hbm>>, %arg7: memref<2500xi32, #tpu.memory_space<vmem>>, %arg8: memref<2500xi32, #tpu.memory_space<vmem>>, %arg9: memref<2500x16xf32, #tpu.memory_space<vmem>>, %arg10: memref<10000x16xf32, #tpu.memory_space<vmem_shared>>, %arg11: memref<!tpu.dma_semaphore, #tpu.memory_space<semaphore_mem>>) attributes {dimension_semantics = [#tpu.dimension_semantics<core_parallel>, #tpu.dimension_semantics<subcore_parallel>], iteration_bounds = array<i64: 2, 16>, scalar_prefetch = 0 : i64, scratch_operands = 5 : i64, tpu.core_type = #tpu.core_type<sc_vector_subcore>, window_params = [{transform_indices = #map}, {transform_indices = #map}, {transform_indices = #map}, {transform_indices = #map}, {transform_indices = #map1}]} {
    %mul3A = arith.constant 2 : i32
    %mul3A_0 = arith.muli %arg1, %mul3A : i32
    %add3A = arith.addi %mul3A_0, %arg0 : i32
    %mul3A_1 = arith.constant 625 : i32
    %mul3A_2 = arith.muli %arg1, %mul3A_1 : i32
    %mul3A_3 = arith.constant 625 : i32
    %mul3A_4 = arith.muli %arg1, %mul3A_3 : i32
    "tpu.region"() ({
      %run_scoped3A = tpu.sem_alloc : memref<!tpu.dma_semaphore, #tpu.memory_space<semaphore_mem>>
      %dma_start3A_14 = arith.constant 0 : i32
      %dma_start3A_15 = tpu.memref_slice %arg10[%mul3A_4, %dma_start3A_14] : memref<10000x16xf32, #tpu.memory_space<vmem_shared>> -> memref<625x16xf32, #tpu.memory_space<vmem_shared>>
      %dma_start3A_16 = arith.constant 0 : i32
      %dma_start3A_17 = tpu.memref_slice %arg5[%mul3A_2, %dma_start3A_16] : memref<10000x16xf32, #tpu.memory_space<hbm>> -> memref<625x16xf32, #tpu.memory_space<hbm>>
      tpu.enqueue_dma source(%dma_start3A_17 : memref<625x16xf32, #tpu.memory_space<hbm>>) target(%dma_start3A_15 : memref<625x16xf32, #tpu.memory_space<vmem_shared>>) target_semaphore(%run_scoped3A : memref<!tpu.dma_semaphore, #tpu.memory_space<semaphore_mem>>)
      %dma_wait3A_18 = arith.constant 0 : i32
      %dma_wait3A_19 = tpu.memref_slice %arg10[%mul3A_4, %dma_wait3A_18] : memref<10000x16xf32, #tpu.memory_space<vmem_shared>> -> memref<625x16xf32, #tpu.memory_space<vmem_shared>>
      %dma_wait3A_20 = arith.constant 0 : i32
      %dma_wait3A_21 = tpu.memref_slice %arg5[%mul3A_2, %dma_wait3A_20] : memref<10000x16xf32, #tpu.memory_space<hbm>> -> memref<625x16xf32, #tpu.memory_space<hbm>>
      tpu.wait_dma2 semaphore(%run_scoped3A : memref<!tpu.dma_semaphore, #tpu.memory_space<semaphore_mem>>) src(%dma_wait3A_21 : memref<625x16xf32, #tpu.memory_space<hbm>>) dst(%dma_wait3A_19 : memref<625x16xf32, #tpu.memory_space<vmem_shared>>)
      tpu.yield
    }) : () -> ()
    %barrier3A = arith.constant 0 : index
    tpu.barrier barrier_id(%barrier3A)
    "tpu.region"() ({
      %run_scoped3A = tpu.sem_alloc : memref<!tpu.dma_semaphore, #tpu.memory_space<semaphore_mem>>
      %dma_start3A_14 = arith.constant 0 : i32
      %dma_start3A_15 = tpu.memref_slice %arg3[%add3A, %dma_start3A_14] : memref<32x2500xi32, #tpu.memory_space<hbm>> -> memref<1x2500xi32, #tpu.memory_space<hbm>>
      %dma_start3A_16 = tpu.memref_squeeze %dma_start3A_15 : memref<1x2500xi32, #tpu.memory_space<hbm>> -> memref<2500xi32, #tpu.memory_space<hbm>>
      %dma_start3A_17 = arith.constant 0 : i32
      %dma_start3A_18 = tpu.memref_slice %arg3[%add3A, %dma_start3A_17] : memref<32x2500xi32, #tpu.memory_space<hbm>> -> memref<1x2500xi32, #tpu.memory_space<hbm>>
      %dma_start3A_19 = tpu.memref_squeeze %dma_start3A_18 : memref<1x2500xi32, #tpu.memory_space<hbm>> -> memref<2500xi32, #tpu.memory_space<hbm>>
      tpu.enqueue_dma source(%dma_start3A_19 : memref<2500xi32, #tpu.memory_space<hbm>>) target(%arg7 : memref<2500xi32, #tpu.memory_space<vmem>>) target_semaphore(%run_scoped3A : memref<!tpu.dma_semaphore, #tpu.memory_space<semaphore_mem>>)
      %dma_wait3A_20 = arith.constant 0 : i32
      %dma_wait3A_21 = tpu.memref_slice %arg3[%add3A, %dma_wait3A_20] : memref<32x2500xi32, #tpu.memory_space<hbm>> -> memref<1x2500xi32, #tpu.memory_space<hbm>>
      %dma_wait3A_22 = tpu.memref_squeeze %dma_wait3A_21 : memref<1x2500xi32, #tpu.memory_space<hbm>> -> memref<2500xi32, #tpu.memory_space<hbm>>
      %dma_wait3A_23 = arith.constant 0 : i32
      %dma_wait3A_24 = tpu.memref_slice %arg3[%add3A, %dma_wait3A_23] : memref<32x2500xi32, #tpu.memory_space<hbm>> -> memref<1x2500xi32, #tpu.memory_space<hbm>>
      %dma_wait3A_25 = tpu.memref_squeeze %dma_wait3A_24 : memref<1x2500xi32, #tpu.memory_space<hbm>> -> memref<2500xi32, #tpu.memory_space<hbm>>
      tpu.wait_dma2 semaphore(%run_scoped3A : memref<!tpu.dma_semaphore, #tpu.memory_space<semaphore_mem>>) src(%dma_wait3A_25 : memref<2500xi32, #tpu.memory_space<hbm>>) dst(%arg7 : memref<2500xi32, #tpu.memory_space<vmem>>)
      tpu.yield
    }) : () -> ()
    "tpu.region"() ({
      %run_scoped3A = tpu.sem_alloc : memref<!tpu.dma_semaphore, #tpu.memory_space<semaphore_mem>>
      %dma_start3A_14 = arith.constant 0 : i32
      %dma_start3A_15 = tpu.memref_slice %arg4[%add3A, %dma_start3A_14] : memref<32x2500xi32, #tpu.memory_space<hbm>> -> memref<1x2500xi32, #tpu.memory_space<hbm>>
      %dma_start3A_16 = tpu.memref_squeeze %dma_start3A_15 : memref<1x2500xi32, #tpu.memory_space<hbm>> -> memref<2500xi32, #tpu.memory_space<hbm>>
      %dma_start3A_17 = arith.constant 0 : i32
      %dma_start3A_18 = tpu.memref_slice %arg4[%add3A, %dma_start3A_17] : memref<32x2500xi32, #tpu.memory_space<hbm>> -> memref<1x2500xi32, #tpu.memory_space<hbm>>
      %dma_start3A_19 = tpu.memref_squeeze %dma_start3A_18 : memref<1x2500xi32, #tpu.memory_space<hbm>> -> memref<2500xi32, #tpu.memory_space<hbm>>
      tpu.enqueue_dma source(%dma_start3A_19 : memref<2500xi32, #tpu.memory_space<hbm>>) target(%arg8 : memref<2500xi32, #tpu.memory_space<vmem>>) target_semaphore(%run_scoped3A : memref<!tpu.dma_semaphore, #tpu.memory_space<semaphore_mem>>)
      %dma_wait3A_20 = arith.constant 0 : i32
      %dma_wait3A_21 = tpu.memref_slice %arg4[%add3A, %dma_wait3A_20] : memref<32x2500xi32, #tpu.memory_space<hbm>> -> memref<1x2500xi32, #tpu.memory_space<hbm>>
      %dma_wait3A_22 = tpu.memref_squeeze %dma_wait3A_21 : memref<1x2500xi32, #tpu.memory_space<hbm>> -> memref<2500xi32, #tpu.memory_space<hbm>>
      %dma_wait3A_23 = arith.constant 0 : i32
      %dma_wait3A_24 = tpu.memref_slice %arg4[%add3A, %dma_wait3A_23] : memref<32x2500xi32, #tpu.memory_space<hbm>> -> memref<1x2500xi32, #tpu.memory_space<hbm>>
      %dma_wait3A_25 = tpu.memref_squeeze %dma_wait3A_24 : memref<1x2500xi32, #tpu.memory_space<hbm>> -> memref<2500xi32, #tpu.memory_space<hbm>>
      tpu.wait_dma2 semaphore(%run_scoped3A : memref<!tpu.dma_semaphore, #tpu.memory_space<semaphore_mem>>) src(%dma_wait3A_25 : memref<2500xi32, #tpu.memory_space<hbm>>) dst(%arg8 : memref<2500xi32, #tpu.memory_space<vmem>>)
      tpu.yield
    }) : () -> ()
    %dma_start3A = arith.constant 0 : i32
    %dma_start3A_5 = arith.constant 0 : i32
    %dma_start3A_6 = tpu.memref_slice %arg2[%dma_start3A, %dma_start3A_5] : memref<80000x16xf32, #tpu.memory_space<hbm>> -> memref<80000x16xf32, #tpu.memory_space<hbm>>
    tpu.enqueue_indirect_dma source(%dma_start3A_6 : memref<80000x16xf32, #tpu.memory_space<hbm>>) target(%arg9 : memref<2500x16xf32, #tpu.memory_space<vmem>>) offsets(%arg8 : memref<2500xi32, #tpu.memory_space<vmem>>) semaphore(%arg11 : memref<!tpu.dma_semaphore, #tpu.memory_space<semaphore_mem>>)
    %dma_wait3A = arith.constant 0 : i32
    %dma_wait3A_7 = arith.constant 0 : i32
    %dma_wait3A_8 = tpu.memref_slice %arg2[%dma_wait3A, %dma_wait3A_7] : memref<80000x16xf32, #tpu.memory_space<hbm>> -> memref<80000x16xf32, #tpu.memory_space<hbm>>
    tpu.wait_indirect_dma semaphore(%arg11 : memref<!tpu.dma_semaphore, #tpu.memory_space<semaphore_mem>>) src(%dma_wait3A_8 : memref<80000x16xf32, #tpu.memory_space<hbm>>) dst(%arg9 : memref<2500x16xf32, #tpu.memory_space<vmem>>)
    "tpu.region"() ({
      %run_scoped3A = tpu.sem_alloc : memref<!tpu.dma_semaphore, #tpu.memory_space<semaphore_mem>>
      %dma_start3A_14 = arith.constant 0 : i32
      %dma_start3A_15 = arith.constant 0 : i32
      %dma_start3A_16 = tpu.memref_slice %arg10[%dma_start3A_14, %dma_start3A_15] : memref<10000x16xf32, #tpu.memory_space<vmem_shared>> -> memref<10000x16xf32, #tpu.memory_space<vmem_shared>>
      tpu.enqueue_indirect_dma source(%arg9 : memref<2500x16xf32, #tpu.memory_space<vmem>>) target(%dma_start3A_16 : memref<10000x16xf32, #tpu.memory_space<vmem_shared>>) offsets(%arg7 : memref<2500xi32, #tpu.memory_space<vmem>>) semaphore(%run_scoped3A : memref<!tpu.dma_semaphore, #tpu.memory_space<semaphore_mem>>) {add = true}
      %dma_wait3A_17 = arith.constant 0 : i32
      %dma_wait3A_18 = arith.constant 0 : i32
      %dma_wait3A_19 = tpu.memref_slice %arg10[%dma_wait3A_17, %dma_wait3A_18] : memref<10000x16xf32, #tpu.memory_space<vmem_shared>> -> memref<10000x16xf32, #tpu.memory_space<vmem_shared>>
      tpu.wait_indirect_dma semaphore(%run_scoped3A : memref<!tpu.dma_semaphore, #tpu.memory_space<semaphore_mem>>) src(%arg9 : memref<2500x16xf32, #tpu.memory_space<vmem>>) dst(%dma_wait3A_19 : memref<10000x16xf32, #tpu.memory_space<vmem_shared>>)
      tpu.yield
    }) : () -> ()
    %barrier3A_9 = arith.constant 0 : index
    tpu.barrier barrier_id(%barrier3A_9)
    %mul3A_10 = arith.constant 625 : i32
    %mul3A_11 = arith.muli %arg1, %mul3A_10 : i32
    %mul3A_12 = arith.constant 625 : i32
    %mul3A_13 = arith.muli %arg1, %mul3A_12 : i32
    "tpu.region"() ({
      %run_scoped3A = tpu.sem_alloc : memref<!tpu.dma_semaphore, #tpu.memory_space<semaphore_mem>>
      %dma_start3A_14 = arith.constant 0 : i32
      %dma_start3A_15 = tpu.memref_slice %arg6[%arg0, %mul3A_13, %dma_start3A_14] : memref<2x10000x16xf32, #tpu.memory_space<hbm>> -> memref<1x625x16xf32, #tpu.memory_space<hbm>>
      %dma_start3A_16 = tpu.memref_squeeze %dma_start3A_15 : memref<1x625x16xf32, #tpu.memory_space<hbm>> -> memref<625x16xf32, #tpu.memory_space<hbm>>
      %dma_start3A_17 = arith.constant 0 : i32
      %dma_start3A_18 = tpu.memref_slice %arg10[%mul3A_11, %dma_start3A_17] : memref<10000x16xf32, #tpu.memory_space<vmem_shared>> -> memref<625x16xf32, #tpu.memory_space<vmem_shared>>
      tpu.enqueue_dma source(%dma_start3A_18 : memref<625x16xf32, #tpu.memory_space<vmem_shared>>) target(%dma_start3A_16 : memref<625x16xf32, #tpu.memory_space<hbm>>) target_semaphore(%run_scoped3A : memref<!tpu.dma_semaphore, #tpu.memory_space<semaphore_mem>>)
      %dma_wait3A_19 = arith.constant 0 : i32
      %dma_wait3A_20 = tpu.memref_slice %arg6[%arg0, %mul3A_13, %dma_wait3A_19] : memref<2x10000x16xf32, #tpu.memory_space<hbm>> -> memref<1x625x16xf32, #tpu.memory_space<hbm>>
      %dma_wait3A_21 = tpu.memref_squeeze %dma_wait3A_20 : memref<1x625x16xf32, #tpu.memory_space<hbm>> -> memref<625x16xf32, #tpu.memory_space<hbm>>
      %dma_wait3A_22 = arith.constant 0 : i32
      %dma_wait3A_23 = tpu.memref_slice %arg10[%mul3A_11, %dma_wait3A_22] : memref<10000x16xf32, #tpu.memory_space<vmem_shared>> -> memref<625x16xf32, #tpu.memory_space<vmem_shared>>
      tpu.wait_dma2 semaphore(%run_scoped3A : memref<!tpu.dma_semaphore, #tpu.memory_space<semaphore_mem>>) src(%dma_wait3A_23 : memref<625x16xf32, #tpu.memory_space<vmem_shared>>) dst(%dma_wait3A_21 : memref<625x16xf32, #tpu.memory_space<hbm>>)
      tpu.yield
    }) : () -> ()
    return
  }
}

#map = affine_map<(d0, d1) -> (0, 0)>
#map1 = affine_map<(d0, d1) -> (0, 0, 0)>
module attributes {stable_mosaic.version = 14 : i64} {
  func.func @_sc_scatter(%arg0: i32, %arg1: i32, %arg2: memref<80000x16xf32, #tpu.memory_space<hbm>>, %arg3: memref<32x2500xi32, #tpu.memory_space<hbm>>, %arg4: memref<32x2500xi32, #tpu.memory_space<hbm>>, %arg5: memref<10000x16xf32, #tpu.memory_space<hbm>>, %arg6: memref<2x10000x16xf32, #tpu.memory_space<hbm>>, %arg7: memref<2500xi32, #tpu.memory_space<vmem>>, %arg8: memref<2500xi32, #tpu.memory_space<vmem>>, %arg9: memref<2500x16xf32, #tpu.memory_space<vmem>>, %arg10: memref<10000x16xf32, #tpu.memory_space<vmem_shared>>, %arg11: memref<!tpu.dma_semaphore, #tpu.memory_space<semaphore_mem>>) attributes {dimension_semantics = [#tpu.dimension_semantics<core_parallel>, #tpu.dimension_semantics<subcore_parallel>], iteration_bounds = array<i64: 2, 16>, scalar_prefetch = 0 : i64, scratch_operands = 5 : i64, tpu.core_type = #tpu.core_type<sc_vector_subcore>, window_params = [{transform_indices = #map}, {transform_indices = #map}, {transform_indices = #map}, {transform_indices = #map}, {transform_indices = #map1}]} {
    %mul3A = arith.constant 2 : i32
    %mul3A_0 = arith.muli %arg1, %mul3A : i32
    %add3A = arith.addi %mul3A_0, %arg0 : i32
    %mul3A_1 = arith.constant 625 : i32
    %mul3A_2 = arith.muli %arg1, %mul3A_1 : i32
    %mul3A_3 = arith.constant 625 : i32
    %mul3A_4 = arith.muli %arg1, %mul3A_3 : i32
    "tpu.region"() ({
      %run_scoped3A = tpu.sem_alloc : memref<!tpu.dma_semaphore, #tpu.memory_space<semaphore_mem>>
      %dma_start3A_14 = arith.constant 0 : i32
      %dma_start3A_15 = tpu.memref_slice %arg10[%mul3A_4, %dma_start3A_14] : memref<10000x16xf32, #tpu.memory_space<vmem_shared>> -> memref<625x16xf32, #tpu.memory_space<vmem_shared>>
      %dma_start3A_16 = arith.constant 0 : i32
      %dma_start3A_17 = tpu.memref_slice %arg5[%mul3A_2, %dma_start3A_16] : memref<10000x16xf32, #tpu.memory_space<hbm>> -> memref<625x16xf32, #tpu.memory_space<hbm>>
      tpu.enqueue_dma source(%dma_start3A_17 : memref<625x16xf32, #tpu.memory_space<hbm>>) target(%dma_start3A_15 : memref<625x16xf32, #tpu.memory_space<vmem_shared>>) target_semaphore(%run_scoped3A : memref<!tpu.dma_semaphore, #tpu.memory_space<semaphore_mem>>)
      %dma_wait3A_18 = arith.constant 0 : i32
      %dma_wait3A_19 = tpu.memref_slice %arg10[%mul3A_4, %dma_wait3A_18] : memref<10000x16xf32, #tpu.memory_space<vmem_shared>> -> memref<625x16xf32, #tpu.memory_space<vmem_shared>>
      %dma_wait3A_20 = arith.constant 0 : i32
      %dma_wait3A_21 = tpu.memref_slice %arg5[%mul3A_2, %dma_wait3A_20] : memref<10000x16xf32, #tpu.memory_space<hbm>> -> memref<625x16xf32, #tpu.memory_space<hbm>>
      tpu.wait_dma2 semaphore(%run_scoped3A : memref<!tpu.dma_semaphore, #tpu.memory_space<semaphore_mem>>) src(%dma_wait3A_21 : memref<625x16xf32, #tpu.memory_space<hbm>>) dst(%dma_wait3A_19 : memref<625x16xf32, #tpu.memory_space<vmem_shared>>)
      tpu.yield
    }) : () -> ()
    %barrier3A = arith.constant 0 : index
    tpu.barrier barrier_id(%barrier3A)
    "tpu.region"() ({
      %run_scoped3A = tpu.sem_alloc : memref<!tpu.dma_semaphore, #tpu.memory_space<semaphore_mem>>
      %dma_start3A_14 = arith.constant 0 : i32
      %dma_start3A_15 = tpu.memref_slice %arg3[%add3A, %dma_start3A_14] : memref<32x2500xi32, #tpu.memory_space<hbm>> -> memref<1x2500xi32, #tpu.memory_space<hbm>>
      %dma_start3A_16 = tpu.memref_squeeze %dma_start3A_15 : memref<1x2500xi32, #tpu.memory_space<hbm>> -> memref<2500xi32, #tpu.memory_space<hbm>>
      %dma_start3A_17 = arith.constant 0 : i32
      %dma_start3A_18 = tpu.memref_slice %arg3[%add3A, %dma_start3A_17] : memref<32x2500xi32, #tpu.memory_space<hbm>> -> memref<1x2500xi32, #tpu.memory_space<hbm>>
      %dma_start3A_19 = tpu.memref_squeeze %dma_start3A_18 : memref<1x2500xi32, #tpu.memory_space<hbm>> -> memref<2500xi32, #tpu.memory_space<hbm>>
      tpu.enqueue_dma source(%dma_start3A_19 : memref<2500xi32, #tpu.memory_space<hbm>>) target(%arg7 : memref<2500xi32, #tpu.memory_space<vmem>>) target_semaphore(%run_scoped3A : memref<!tpu.dma_semaphore, #tpu.memory_space<semaphore_mem>>)
      %dma_wait3A_20 = arith.constant 0 : i32
      %dma_wait3A_21 = tpu.memref_slice %arg3[%add3A, %dma_wait3A_20] : memref<32x2500xi32, #tpu.memory_space<hbm>> -> memref<1x2500xi32, #tpu.memory_space<hbm>>
      %dma_wait3A_22 = tpu.memref_squeeze %dma_wait3A_21 : memref<1x2500xi32, #tpu.memory_space<hbm>> -> memref<2500xi32, #tpu.memory_space<hbm>>
      %dma_wait3A_23 = arith.constant 0 : i32
      %dma_wait3A_24 = tpu.memref_slice %arg3[%add3A, %dma_wait3A_23] : memref<32x2500xi32, #tpu.memory_space<hbm>> -> memref<1x2500xi32, #tpu.memory_space<hbm>>
      %dma_wait3A_25 = tpu.memref_squeeze %dma_wait3A_24 : memref<1x2500xi32, #tpu.memory_space<hbm>> -> memref<2500xi32, #tpu.memory_space<hbm>>
      tpu.wait_dma2 semaphore(%run_scoped3A : memref<!tpu.dma_semaphore, #tpu.memory_space<semaphore_mem>>) src(%dma_wait3A_25 : memref<2500xi32, #tpu.memory_space<hbm>>) dst(%arg7 : memref<2500xi32, #tpu.memory_space<vmem>>)
      tpu.yield
    }) : () -> ()
    "tpu.region"() ({
      %run_scoped3A = tpu.sem_alloc : memref<!tpu.dma_semaphore, #tpu.memory_space<semaphore_mem>>
      %dma_start3A_14 = arith.constant 0 : i32
      %dma_start3A_15 = tpu.memref_slice %arg4[%add3A, %dma_start3A_14] : memref<32x2500xi32, #tpu.memory_space<hbm>> -> memref<1x2500xi32, #tpu.memory_space<hbm>>
      %dma_start3A_16 = tpu.memref_squeeze %dma_start3A_15 : memref<1x2500xi32, #tpu.memory_space<hbm>> -> memref<2500xi32, #tpu.memory_space<hbm>>
      %dma_start3A_17 = arith.constant 0 : i32
      %dma_start3A_18 = tpu.memref_slice %arg4[%add3A, %dma_start3A_17] : memref<32x2500xi32, #tpu.memory_space<hbm>> -> memref<1x2500xi32, #tpu.memory_space<hbm>>
      %dma_start3A_19 = tpu.memref_squeeze %dma_start3A_18 : memref<1x2500xi32, #tpu.memory_space<hbm>> -> memref<2500xi32, #tpu.memory_space<hbm>>
      tpu.enqueue_dma source(%dma_start3A_19 : memref<2500xi32, #tpu.memory_space<hbm>>) target(%arg8 : memref<2500xi32, #tpu.memory_space<vmem>>) target_semaphore(%run_scoped3A : memref<!tpu.dma_semaphore, #tpu.memory_space<semaphore_mem>>)
      %dma_wait3A_20 = arith.constant 0 : i32
      %dma_wait3A_21 = tpu.memref_slice %arg4[%add3A, %dma_wait3A_20] : memref<32x2500xi32, #tpu.memory_space<hbm>> -> memref<1x2500xi32, #tpu.memory_space<hbm>>
      %dma_wait3A_22 = tpu.memref_squeeze %dma_wait3A_21 : memref<1x2500xi32, #tpu.memory_space<hbm>> -> memref<2500xi32, #tpu.memory_space<hbm>>
      %dma_wait3A_23 = arith.constant 0 : i32
      %dma_wait3A_24 = tpu.memref_slice %arg4[%add3A, %dma_wait3A_23] : memref<32x2500xi32, #tpu.memory_space<hbm>> -> memref<1x2500xi32, #tpu.memory_space<hbm>>
      %dma_wait3A_25 = tpu.memref_squeeze %dma_wait3A_24 : memref<1x2500xi32, #tpu.memory_space<hbm>> -> memref<2500xi32, #tpu.memory_space<hbm>>
      tpu.wait_dma2 semaphore(%run_scoped3A : memref<!tpu.dma_semaphore, #tpu.memory_space<semaphore_mem>>) src(%dma_wait3A_25 : memref<2500xi32, #tpu.memory_space<hbm>>) dst(%arg8 : memref<2500xi32, #tpu.memory_space<vmem>>)
      tpu.yield
    }) : () -> ()
    %dma_start3A = arith.constant 0 : i32
    %dma_start3A_5 = arith.constant 0 : i32
    %dma_start3A_6 = tpu.memref_slice %arg2[%dma_start3A, %dma_start3A_5] : memref<80000x16xf32, #tpu.memory_space<hbm>> -> memref<80000x16xf32, #tpu.memory_space<hbm>>
    tpu.enqueue_indirect_dma source(%dma_start3A_6 : memref<80000x16xf32, #tpu.memory_space<hbm>>) target(%arg9 : memref<2500x16xf32, #tpu.memory_space<vmem>>) offsets(%arg8 : memref<2500xi32, #tpu.memory_space<vmem>>) semaphore(%arg11 : memref<!tpu.dma_semaphore, #tpu.memory_space<semaphore_mem>>)
    %dma_wait3A = arith.constant 0 : i32
    %dma_wait3A_7 = arith.constant 0 : i32
    %dma_wait3A_8 = tpu.memref_slice %arg2[%dma_wait3A, %dma_wait3A_7] : memref<80000x16xf32, #tpu.memory_space<hbm>> -> memref<80000x16xf32, #tpu.memory_space<hbm>>
    tpu.wait_indirect_dma semaphore(%arg11 : memref<!tpu.dma_semaphore, #tpu.memory_space<semaphore_mem>>) src(%dma_wait3A_8 : memref<80000x16xf32, #tpu.memory_space<hbm>>) dst(%arg9 : memref<2500x16xf32, #tpu.memory_space<vmem>>)
    "tpu.region"() ({
      %run_scoped3A = tpu.sem_alloc : memref<!tpu.dma_semaphore, #tpu.memory_space<semaphore_mem>>
      %dma_start3A_14 = arith.constant 0 : i32
      %dma_start3A_15 = arith.constant 0 : i32
      %dma_start3A_16 = tpu.memref_slice %arg10[%dma_start3A_14, %dma_start3A_15] : memref<10000x16xf32, #tpu.memory_space<vmem_shared>> -> memref<10000x16xf32, #tpu.memory_space<vmem_shared>>
      tpu.enqueue_indirect_dma source(%arg9 : memref<2500x16xf32, #tpu.memory_space<vmem>>) target(%dma_start3A_16 : memref<10000x16xf32, #tpu.memory_space<vmem_shared>>) offsets(%arg7 : memref<2500xi32, #tpu.memory_space<vmem>>) semaphore(%run_scoped3A : memref<!tpu.dma_semaphore, #tpu.memory_space<semaphore_mem>>) {add = true}
      %dma_wait3A_17 = arith.constant 0 : i32
      %dma_wait3A_18 = arith.constant 0 : i32
      %dma_wait3A_19 = tpu.memref_slice %arg10[%dma_wait3A_17, %dma_wait3A_18] : memref<10000x16xf32, #tpu.memory_space<vmem_shared>> -> memref<10000x16xf32, #tpu.memory_space<vmem_shared>>
      tpu.wait_indirect_dma semaphore(%run_scoped3A : memref<!tpu.dma_semaphore, #tpu.memory_space<semaphore_mem>>) src(%arg9 : memref<2500x16xf32, #tpu.memory_space<vmem>>) dst(%dma_wait3A_19 : memref<10000x16xf32, #tpu.memory_space<vmem_shared>>)
      tpu.yield
    }) : () -> ()
    %barrier3A_9 = arith.constant 0 : index
    tpu.barrier barrier_id(%barrier3A_9)
    %mul3A_10 = arith.constant 625 : i32
    %mul3A_11 = arith.muli %arg1, %mul3A_10 : i32
    %mul3A_12 = arith.constant 625 : i32
    %mul3A_13 = arith.muli %arg1, %mul3A_12 : i32
    "tpu.region"() ({
      %run_scoped3A = tpu.sem_alloc : memref<!tpu.dma_semaphore, #tpu.memory_space<semaphore_mem>>
      %dma_start3A_14 = arith.constant 0 : i32
      %dma_start3A_15 = tpu.memref_slice %arg6[%arg0, %mul3A_13, %dma_start3A_14] : memref<2x10000x16xf32, #tpu.memory_space<hbm>> -> memref<1x625x16xf32, #tpu.memory_space<hbm>>
      %dma_start3A_16 = tpu.memref_squeeze %dma_start3A_15 : memref<1x625x16xf32, #tpu.memory_space<hbm>> -> memref<625x16xf32, #tpu.memory_space<hbm>>
      %dma_start3A_17 = arith.constant 0 : i32
      %dma_start3A_18 = tpu.memref_slice %arg10[%mul3A_11, %dma_start3A_17] : memref<10000x16xf32, #tpu.memory_space<vmem_shared>> -> memref<625x16xf32, #tpu.memory_space<vmem_shared>>
      tpu.enqueue_dma source(%dma_start3A_18 : memref<625x16xf32, #tpu.memory_space<vmem_shared>>) target(%dma_start3A_16 : memref<625x16xf32, #tpu.memory_space<hbm>>) target_semaphore(%run_scoped3A : memref<!tpu.dma_semaphore, #tpu.memory_space<semaphore_mem>>)
      %dma_wait3A_19 = arith.constant 0 : i32
      %dma_wait3A_20 = tpu.memref_slice %arg6[%arg0, %mul3A_13, %dma_wait3A_19] : memref<2x10000x16xf32, #tpu.memory_space<hbm>> -> memref<1x625x16xf32, #tpu.memory_space<hbm>>
      %dma_wait3A_21 = tpu.memref_squeeze %dma_wait3A_20 : memref<1x625x16xf32, #tpu.memory_space<hbm>> -> memref<625x16xf32, #tpu.memory_space<hbm>>
      %dma_wait3A_22 = arith.constant 0 : i32
      %dma_wait3A_23 = tpu.memref_slice %arg10[%mul3A_11, %dma_wait3A_22] : memref<10000x16xf32, #tpu.memory_space<vmem_shared>> -> memref<625x16xf32, #tpu.memory_space<vmem_shared>>
      tpu.wait_dma2 semaphore(%run_scoped3A : memref<!tpu.dma_semaphore, #tpu.memory_space<semaphore_mem>>) src(%dma_wait3A_23 : memref<625x16xf32, #tpu.memory_space<vmem_shared>>) dst(%dma_wait3A_21 : memref<625x16xf32, #tpu.memory_space<hbm>>)
      tpu.yield
    }) : () -> ()
    return
  }
}

module attributes {stable_mosaic.version = 14 : i64} {
  func.func @_enc_body(%arg0: i32, %arg1: memref<1250x1024xf32, #tpu.memory_space<vmem>>, %arg2: memref<1024x128xf32, #tpu.memory_space<vmem>>, %arg3: memref<1x128xf32, #tpu.memory_space<vmem>>, %arg4: memref<1250x128xf32, #tpu.memory_space<vmem>>) attributes {dimension_semantics = [#tpu.dimension_semantics<arbitrary>], iteration_bounds = array<i64: 1>, scalar_prefetch = 0 : i64, scratch_operands = 0 : i64, tpu.core_type = #tpu.core_type<tc>, window_params = [{pipeline_mode = #tpu.pipeline_mode<synchronous>, transform_indices = @transform_0, window_bounds = array<i64: 1250, 1024>}, {pipeline_mode = #tpu.pipeline_mode<synchronous>, transform_indices = @transform_1, window_bounds = array<i64: 1024, 128>}, {pipeline_mode = #tpu.pipeline_mode<synchronous>, transform_indices = @transform_2, window_bounds = array<i64: 1, 128>}, {pipeline_mode = #tpu.pipeline_mode<synchronous>, transform_indices = @transform_3, window_bounds = array<i64: 1250, 128>}]} {
    %get3A = arith.constant 0 : index
    %get3A_0 = arith.constant 0 : index
    %get3A_1 = vector.load %arg1[%get3A, %get3A_0] : memref<1250x1024xf32, #tpu.memory_space<vmem>>, vector<1250x1024xf32>
    %get3A_2 = arith.constant 0 : index
    %get3A_3 = arith.constant 0 : index
    %get3A_4 = vector.load %arg2[%get3A_2, %get3A_3] : memref<1024x128xf32, #tpu.memory_space<vmem>>, vector<1024x128xf32>
    %dot_general3A = arith.constant dense<0.000000e+00> : vector<1250x128xf32>
    %dot_general3A_5 = tpu.matmul %get3A_1, %get3A_4, %dot_general3A {dimension_numbers = #tpu.dot_dimension_numbers<[1], [0], [0], [1], [0, 0, 1, 1], [], []>, transpose_lhs_hint = false} : vector<1250x1024xf32>, vector<1024x128xf32>, vector<1250x128xf32> -> vector<1250x128xf32>
    %get3A_6 = arith.constant 0 : index
    %get3A_7 = arith.constant 0 : index
    %get3A_8 = vector.load %arg3[%get3A_6, %get3A_7] : memref<1x128xf32, #tpu.memory_space<vmem>>, vector<1x128xf32>
    %add3A = vector.broadcast %get3A_8 : vector<1x128xf32> to vector<1250x128xf32>
    %add3A_9 = arith.addf %dot_general3A_5, %add3A : vector<1250x128xf32>
    %swap3A = arith.constant 0 : index
    %swap3A_10 = arith.constant 0 : index
    %swap3A_11 = vector.load %arg4[%swap3A, %swap3A_10] : memref<1250x128xf32, #tpu.memory_space<vmem>>, vector<1250x128xf32>
    tpu.vector_store %arg4[%swap3A, %swap3A_10], %add3A_9 {strides = array<i32>} : memref<1250x128xf32, #tpu.memory_space<vmem>>, vector<1250x128xf32>,
    return
  }
  func.func @transform_0(%arg0: i32) -> (i32, i32) {
    %c0_i32 = arith.constant 0 : i32
    %c0_i32_0 = arith.constant 0 : i32
    %c0_i32_1 = arith.constant 0 : i32
    return %c0_i32, %c0_i32_0 : i32, i32
  }
  func.func @transform_1(%arg0: i32) -> (i32, i32) {
    %c0_i32 = arith.constant 0 : i32
    %c0_i32_0 = arith.constant 0 : i32
    %c0_i32_1 = arith.constant 0 : i32
    return %c0_i32, %c0_i32_0 : i32, i32
  }
  func.func @transform_2(%arg0: i32) -> (i32, i32) {
    %c0_i32 = arith.constant 0 : i32
    %c0_i32_0 = arith.constant 0 : i32
    %c0_i32_1 = arith.constant 0 : i32
    return %c0_i32, %c0_i32_0 : i32, i32
  }
  func.func @transform_3(%arg0: i32) -> (i32, i32) {
    %c0_i32 = arith.constant 0 : i32
    %c0_i32_0 = arith.constant 0 : i32
    %c0_i32_1 = arith.constant 0 : i32
    return %c0_i32, %c0_i32_0 : i32, i32
  }
}

module attributes {stable_mosaic.version = 14 : i64} {
  func.func @_msg_body(%arg0: i32, %arg1: memref<8000x16xf32, #tpu.memory_space<vmem>>, %arg2: memref<1000x128xf32, #tpu.memory_space<vmem>>, %arg3: memref<16x64xbf16, #tpu.memory_space<vmem>>, %arg4: memref<1x64xf32, #tpu.memory_space<vmem>>, %arg5: memref<64x256xbf16, #tpu.memory_space<vmem>>, %arg6: memref<1x256xf32, #tpu.memory_space<vmem>>, %arg7: memref<16x256xf32, #tpu.memory_space<vmem>>, %arg8: memref<256x16xbf16, #tpu.memory_space<vmem>>, %arg9: memref<1000x128xf32, #tpu.memory_space<vmem>>) attributes {dimension_semantics = [#tpu.dimension_semantics<arbitrary>], iteration_bounds = array<i64: 10>, scalar_prefetch = 0 : i64, scratch_operands = 0 : i64, tpu.core_type = #tpu.core_type<tc>, window_params = [{transform_indices = @transform_0, window_bounds = array<i64: 8000, 16>}, {transform_indices = @transform_1, window_bounds = array<i64: 1000, 128>}, {pipeline_mode = #tpu.pipeline_mode<synchronous>, transform_indices = @transform_2, window_bounds = array<i64: 16, 64>}, {pipeline_mode = #tpu.pipeline_mode<synchronous>, transform_indices = @transform_3, window_bounds = array<i64: 1, 64>}, {pipeline_mode = #tpu.pipeline_mode<synchronous>, transform_indices = @transform_4, window_bounds = array<i64: 64, 256>}, {pipeline_mode = #tpu.pipeline_mode<synchronous>, transform_indices = @transform_5, window_bounds = array<i64: 1, 256>}, {pipeline_mode = #tpu.pipeline_mode<synchronous>, transform_indices = @transform_6, window_bounds = array<i64: 16, 256>}, {pipeline_mode = #tpu.pipeline_mode<synchronous>, transform_indices = @transform_7, window_bounds = array<i64: 256, 16>}, {transform_indices = @transform_8, window_bounds = array<i64: 1000, 128>}]} {
    %get3A = arith.constant 0 : index
    %get3A_0 = arith.constant 0 : index
    %get3A_1 = vector.load %arg1[%get3A, %get3A_0] : memref<8000x16xf32, #tpu.memory_space<vmem>>, vector<8000x16xf32>
    %get3A_2 = arith.constant 0 : index
    %get3A_3 = arith.constant 0 : index
    %get3A_4 = vector.load %arg2[%get3A_2, %get3A_3] : memref<1000x128xf32, #tpu.memory_space<vmem>>, vector<1000x128xf32>
    %slice3A = vector.extract_strided_slice %get3A_4 {offsets = [0, 0], sizes = [1000, 16], strides = [1, 1]} : vector<1000x128xf32> to vector<1000x16xf32>
    %slice3A_5 = vector.extract_strided_slice %get3A_4 {offsets = [0, 16], sizes = [1000, 16], strides = [1, 1]} : vector<1000x128xf32> to vector<1000x16xf32>
    %slice3A_6 = vector.extract_strided_slice %get3A_4 {offsets = [0, 32], sizes = [1000, 16], strides = [1, 1]} : vector<1000x128xf32> to vector<1000x16xf32>
    %slice3A_7 = vector.extract_strided_slice %get3A_4 {offsets = [0, 48], sizes = [1000, 16], strides = [1, 1]} : vector<1000x128xf32> to vector<1000x16xf32>
    %slice3A_8 = vector.extract_strided_slice %get3A_4 {offsets = [0, 64], sizes = [1000, 16], strides = [1, 1]} : vector<1000x128xf32> to vector<1000x16xf32>
    %slice3A_9 = vector.extract_strided_slice %get3A_4 {offsets = [0, 80], sizes = [1000, 16], strides = [1, 1]} : vector<1000x128xf32> to vector<1000x16xf32>
    %slice3A_10 = vector.extract_strided_slice %get3A_4 {offsets = [0, 96], sizes = [1000, 16], strides = [1, 1]} : vector<1000x128xf32> to vector<1000x16xf32>
    %slice3A_11 = vector.extract_strided_slice %get3A_4 {offsets = [0, 112], sizes = [1000, 16], strides = [1, 1]} : vector<1000x128xf32> to vector<1000x16xf32>
    %concatenate3A = tpu.concatenate %slice3A, %slice3A_5, %slice3A_6, %slice3A_7, %slice3A_8, %slice3A_9, %slice3A_10, %slice3A_11 in 0 : vector<1000x16xf32>, vector<1000x16xf32>, vector<1000x16xf32>, vector<1000x16xf32>, vector<1000x16xf32>, vector<1000x16xf32>, vector<1000x16xf32>, vector<1000x16xf32> -> vector<8000x16xf32>
    %convert_element_type3A = arith.truncf %get3A_1 : vector<8000x16xf32> to vector<8000x16xbf16>
    %get3A_12 = arith.constant 0 : index
    %get3A_13 = arith.constant 0 : index
    %get3A_14 = vector.load %arg3[%get3A_12, %get3A_13] : memref<16x64xbf16, #tpu.memory_space<vmem>>, vector<16x64xbf16>
    %dot_general3A = arith.constant dense<0.000000e+00> : vector<8000x64xf32>
    %dot_general3A_15 = tpu.matmul %convert_element_type3A, %get3A_14, %dot_general3A {dimension_numbers = #tpu.dot_dimension_numbers<[1], [0], [0], [1], [0, 0, 1, 1], [], []>, transpose_lhs_hint = false} : vector<8000x16xbf16>, vector<16x64xbf16>, vector<8000x64xf32> -> vector<8000x64xf32>
    %get3A_16 = arith.constant 0 : index
    %get3A_17 = arith.constant 0 : index
    %get3A_18 = vector.load %arg4[%get3A_16, %get3A_17] : memref<1x64xf32, #tpu.memory_space<vmem>>, vector<1x64xf32>
    %add3A = vector.broadcast %get3A_18 : vector<1x64xf32> to vector<8000x64xf32>
    %add3A_19 = arith.addf %dot_general3A_15, %add3A : vector<8000x64xf32>
    %max3A = arith.constant 0.000000e+00 : f32
    %max3A_20 = vector.broadcast %max3A : f32 to vector<8000x64xf32>
    %max3A_21 = arith.maximumf %add3A_19, %max3A_20 : vector<8000x64xf32>
    %convert_element_type3A_22 = arith.truncf %max3A_21 : vector<8000x64xf32> to vector<8000x64xbf16>
    %get3A_23 = arith.constant 0 : index
    %get3A_24 = arith.constant 0 : index
    %get3A_25 = vector.load %arg5[%get3A_23, %get3A_24] : memref<64x256xbf16, #tpu.memory_space<vmem>>, vector<64x256xbf16>
    %dot_general3A_26 = arith.constant dense<0.000000e+00> : vector<8000x256xf32>
    %dot_general3A_27 = tpu.matmul %convert_element_type3A_22, %get3A_25, %dot_general3A_26 {dimension_numbers = #tpu.dot_dimension_numbers<[1], [0], [0], [1], [0, 0, 1, 1], [], []>, transpose_lhs_hint = false} : vector<8000x64xbf16>, vector<64x256xbf16>, vector<8000x256xf32> -> vector<8000x256xf32>
    %get3A_28 = arith.constant 0 : index
    %get3A_29 = arith.constant 0 : index
    %get3A_30 = vector.load %arg6[%get3A_28, %get3A_29] : memref<1x256xf32, #tpu.memory_space<vmem>>, vector<1x256xf32>
    %add3A_31 = vector.broadcast %get3A_30 : vector<1x256xf32> to vector<8000x256xf32>
    %add3A_32 = arith.addf %dot_general3A_27, %add3A_31 : vector<8000x256xf32>
    %get3A_33 = arith.constant 0 : index
    %get3A_34 = arith.constant 0 : index
    %get3A_35 = vector.load %arg7[%get3A_33, %get3A_34] : memref<16x256xf32, #tpu.memory_space<vmem>>, vector<16x256xf32>
    %dot_general3A_36 = arith.constant dense<0.000000e+00> : vector<8000x256xf32>
    %dot_general3A_37 = tpu.matmul %concatenate3A, %get3A_35, %dot_general3A_36 {dimension_numbers = #tpu.dot_dimension_numbers<[1], [0], [0], [1], [0, 0, 1, 1], [], []>, transpose_lhs_hint = false} : vector<8000x16xf32>, vector<16x256xf32>, vector<8000x256xf32> -> vector<8000x256xf32>
    %mul3A = arith.mulf %dot_general3A_37, %add3A_32 : vector<8000x256xf32>
    %convert_element_type3A_38 = arith.truncf %mul3A : vector<8000x256xf32> to vector<8000x256xbf16>
    %get3A_39 = arith.constant 0 : index
    %get3A_40 = arith.constant 0 : index
    %get3A_41 = vector.load %arg8[%get3A_39, %get3A_40] : memref<256x16xbf16, #tpu.memory_space<vmem>>, vector<256x16xbf16>
    %dot_general3A_42 = arith.constant dense<0.000000e+00> : vector<8000x16xf32>
    %dot_general3A_43 = tpu.matmul %convert_element_type3A_38, %get3A_41, %dot_general3A_42 {dimension_numbers = #tpu.dot_dimension_numbers<[1], [0], [0], [1], [0, 0, 1, 1], [], []>, transpose_lhs_hint = false} : vector<8000x256xbf16>, vector<256x16xbf16>, vector<8000x16xf32> -> vector<8000x16xf32>
    %slice3A_44 = vector.extract_strided_slice %dot_general3A_43 {offsets = [0, 0], sizes = [1000, 16], strides = [1, 1]} : vector<8000x16xf32> to vector<1000x16xf32>
    %slice3A_45 = vector.extract_strided_slice %dot_general3A_43 {offsets = [1000, 0], sizes = [1000, 16], strides = [1, 1]} : vector<8000x16xf32> to vector<1000x16xf32>
    %slice3A_46 = vector.extract_strided_slice %dot_general3A_43 {offsets = [2000, 0], sizes = [1000, 16], strides = [1, 1]} : vector<8000x16xf32> to vector<1000x16xf32>
    %slice3A_47 = vector.extract_strided_slice %dot_general3A_43 {offsets = [3000, 0], sizes = [1000, 16], strides = [1, 1]} : vector<8000x16xf32> to vector<1000x16xf32>
    %slice3A_48 = vector.extract_strided_slice %dot_general3A_43 {offsets = [4000, 0], sizes = [1000, 16], strides = [1, 1]} : vector<8000x16xf32> to vector<1000x16xf32>
    %slice3A_49 = vector.extract_strided_slice %dot_general3A_43 {offsets = [5000, 0], sizes = [1000, 16], strides = [1, 1]} : vector<8000x16xf32> to vector<1000x16xf32>
    %slice3A_50 = vector.extract_strided_slice %dot_general3A_43 {offsets = [6000, 0], sizes = [1000, 16], strides = [1, 1]} : vector<8000x16xf32> to vector<1000x16xf32>
    %slice3A_51 = vector.extract_strided_slice %dot_general3A_43 {offsets = [7000, 0], sizes = [1000, 16], strides = [1, 1]} : vector<8000x16xf32> to vector<1000x16xf32>
    %concatenate3A_52 = tpu.concatenate %slice3A_44, %slice3A_45, %slice3A_46, %slice3A_47, %slice3A_48, %slice3A_49, %slice3A_50, %slice3A_51 in 1 : vector<1000x16xf32>, vector<1000x16xf32>, vector<1000x16xf32>, vector<1000x16xf32>, vector<1000x16xf32>, vector<1000x16xf32>, vector<1000x16xf32>, vector<1000x16xf32> -> vector<1000x128xf32>
    %swap3A = arith.constant 0 : index
    %swap3A_53 = arith.constant 0 : index
    %swap3A_54 = vector.load %arg9[%swap3A, %swap3A_53] : memref<1000x128xf32, #tpu.memory_space<vmem>>, vector<1000x128xf32>
    tpu.vector_store %arg9[%swap3A, %swap3A_53], %concatenate3A_52 {strides = array<i32>} : memref<1000x128xf32, #tpu.memory_space<vmem>>, vector<1000x128xf32>,
    return
  }
  func.func @transform_0(%arg0: i32) -> (i32, i32) {
    %add3A = arith.constant 10 : i32
    %add3A_0 = arith.addi %arg0, %add3A : i32
    %c0_i32 = arith.constant 0 : i32
    %c0_i32_1 = arith.constant 0 : i32
    return %add3A_0, %c0_i32 : i32, i32
  }
  func.func @transform_1(%arg0: i32) -> (i32, i32) {
    %c0_i32 = arith.constant 0 : i32
    %c0_i32_0 = arith.constant 0 : i32
    return %arg0, %c0_i32 : i32, i32
  }
  func.func @transform_2(%arg0: i32) -> (i32, i32) {
    %c0_i32 = arith.constant 0 : i32
    %c0_i32_0 = arith.constant 0 : i32
    %c0_i32_1 = arith.constant 0 : i32
    return %c0_i32, %c0_i32_0 : i32, i32
  }
  func.func @transform_3(%arg0: i32) -> (i32, i32) {
    %c0_i32 = arith.constant 0 : i32
    %c0_i32_0 = arith.constant 0 : i32
    %c0_i32_1 = arith.constant 0 : i32
    return %c0_i32, %c0_i32_0 : i32, i32
  }
  func.func @transform_4(%arg0: i32) -> (i32, i32) {
    %c0_i32 = arith.constant 0 : i32
    %c0_i32_0 = arith.constant 0 : i32
    %c0_i32_1 = arith.constant 0 : i32
    return %c0_i32, %c0_i32_0 : i32, i32
  }
  func.func @transform_5(%arg0: i32) -> (i32, i32) {
    %c0_i32 = arith.constant 0 : i32
    %c0_i32_0 = arith.constant 0 : i32
    %c0_i32_1 = arith.constant 0 : i32
    return %c0_i32, %c0_i32_0 : i32, i32
  }
  func.func @transform_6(%arg0: i32) -> (i32, i32) {
    %c0_i32 = arith.constant 0 : i32
    %c0_i32_0 = arith.constant 0 : i32
    %c0_i32_1 = arith.constant 0 : i32
    return %c0_i32, %c0_i32_0 : i32, i32
  }
  func.func @transform_7(%arg0: i32) -> (i32, i32) {
    %c0_i32 = arith.constant 0 : i32
    %c0_i32_0 = arith.constant 0 : i32
    %c0_i32_1 = arith.constant 0 : i32
    return %c0_i32, %c0_i32_0 : i32, i32
  }
  func.func @transform_8(%arg0: i32) -> (i32, i32) {
    %c0_i32 = arith.constant 0 : i32
    %c0_i32_0 = arith.constant 0 : i32
    return %arg0, %c0_i32 : i32, i32
  }
}

module attributes {stable_mosaic.version = 14 : i64} {
  func.func @_msg_body(%arg0: i32, %arg1: memref<8000x16xf32, #tpu.memory_space<vmem>>, %arg2: memref<1000x128xf32, #tpu.memory_space<vmem>>, %arg3: memref<16x64xbf16, #tpu.memory_space<vmem>>, %arg4: memref<1x64xf32, #tpu.memory_space<vmem>>, %arg5: memref<64x256xbf16, #tpu.memory_space<vmem>>, %arg6: memref<1x256xf32, #tpu.memory_space<vmem>>, %arg7: memref<16x256xf32, #tpu.memory_space<vmem>>, %arg8: memref<256x16xbf16, #tpu.memory_space<vmem>>, %arg9: memref<1000x128xf32, #tpu.memory_space<vmem>>) attributes {dimension_semantics = [#tpu.dimension_semantics<arbitrary>], iteration_bounds = array<i64: 10>, scalar_prefetch = 0 : i64, scratch_operands = 0 : i64, tpu.core_type = #tpu.core_type<tc>, window_params = [{transform_indices = @transform_0, window_bounds = array<i64: 8000, 16>}, {transform_indices = @transform_1, window_bounds = array<i64: 1000, 128>}, {pipeline_mode = #tpu.pipeline_mode<synchronous>, transform_indices = @transform_2, window_bounds = array<i64: 16, 64>}, {pipeline_mode = #tpu.pipeline_mode<synchronous>, transform_indices = @transform_3, window_bounds = array<i64: 1, 64>}, {pipeline_mode = #tpu.pipeline_mode<synchronous>, transform_indices = @transform_4, window_bounds = array<i64: 64, 256>}, {pipeline_mode = #tpu.pipeline_mode<synchronous>, transform_indices = @transform_5, window_bounds = array<i64: 1, 256>}, {pipeline_mode = #tpu.pipeline_mode<synchronous>, transform_indices = @transform_6, window_bounds = array<i64: 16, 256>}, {pipeline_mode = #tpu.pipeline_mode<synchronous>, transform_indices = @transform_7, window_bounds = array<i64: 256, 16>}, {transform_indices = @transform_8, window_bounds = array<i64: 1000, 128>}]} {
    %get3A = arith.constant 0 : index
    %get3A_0 = arith.constant 0 : index
    %get3A_1 = vector.load %arg1[%get3A, %get3A_0] : memref<8000x16xf32, #tpu.memory_space<vmem>>, vector<8000x16xf32>
    %get3A_2 = arith.constant 0 : index
    %get3A_3 = arith.constant 0 : index
    %get3A_4 = vector.load %arg2[%get3A_2, %get3A_3] : memref<1000x128xf32, #tpu.memory_space<vmem>>, vector<1000x128xf32>
    %slice3A = vector.extract_strided_slice %get3A_4 {offsets = [0, 0], sizes = [1000, 16], strides = [1, 1]} : vector<1000x128xf32> to vector<1000x16xf32>
    %slice3A_5 = vector.extract_strided_slice %get3A_4 {offsets = [0, 16], sizes = [1000, 16], strides = [1, 1]} : vector<1000x128xf32> to vector<1000x16xf32>
    %slice3A_6 = vector.extract_strided_slice %get3A_4 {offsets = [0, 32], sizes = [1000, 16], strides = [1, 1]} : vector<1000x128xf32> to vector<1000x16xf32>
    %slice3A_7 = vector.extract_strided_slice %get3A_4 {offsets = [0, 48], sizes = [1000, 16], strides = [1, 1]} : vector<1000x128xf32> to vector<1000x16xf32>
    %slice3A_8 = vector.extract_strided_slice %get3A_4 {offsets = [0, 64], sizes = [1000, 16], strides = [1, 1]} : vector<1000x128xf32> to vector<1000x16xf32>
    %slice3A_9 = vector.extract_strided_slice %get3A_4 {offsets = [0, 80], sizes = [1000, 16], strides = [1, 1]} : vector<1000x128xf32> to vector<1000x16xf32>
    %slice3A_10 = vector.extract_strided_slice %get3A_4 {offsets = [0, 96], sizes = [1000, 16], strides = [1, 1]} : vector<1000x128xf32> to vector<1000x16xf32>
    %slice3A_11 = vector.extract_strided_slice %get3A_4 {offsets = [0, 112], sizes = [1000, 16], strides = [1, 1]} : vector<1000x128xf32> to vector<1000x16xf32>
    %concatenate3A = tpu.concatenate %slice3A, %slice3A_5, %slice3A_6, %slice3A_7, %slice3A_8, %slice3A_9, %slice3A_10, %slice3A_11 in 0 : vector<1000x16xf32>, vector<1000x16xf32>, vector<1000x16xf32>, vector<1000x16xf32>, vector<1000x16xf32>, vector<1000x16xf32>, vector<1000x16xf32>, vector<1000x16xf32> -> vector<8000x16xf32>
    %convert_element_type3A = arith.truncf %get3A_1 : vector<8000x16xf32> to vector<8000x16xbf16>
    %get3A_12 = arith.constant 0 : index
    %get3A_13 = arith.constant 0 : index
    %get3A_14 = vector.load %arg3[%get3A_12, %get3A_13] : memref<16x64xbf16, #tpu.memory_space<vmem>>, vector<16x64xbf16>
    %dot_general3A = arith.constant dense<0.000000e+00> : vector<8000x64xf32>
    %dot_general3A_15 = tpu.matmul %convert_element_type3A, %get3A_14, %dot_general3A {dimension_numbers = #tpu.dot_dimension_numbers<[1], [0], [0], [1], [0, 0, 1, 1], [], []>, transpose_lhs_hint = false} : vector<8000x16xbf16>, vector<16x64xbf16>, vector<8000x64xf32> -> vector<8000x64xf32>
    %get3A_16 = arith.constant 0 : index
    %get3A_17 = arith.constant 0 : index
    %get3A_18 = vector.load %arg4[%get3A_16, %get3A_17] : memref<1x64xf32, #tpu.memory_space<vmem>>, vector<1x64xf32>
    %add3A = vector.broadcast %get3A_18 : vector<1x64xf32> to vector<8000x64xf32>
    %add3A_19 = arith.addf %dot_general3A_15, %add3A : vector<8000x64xf32>
    %max3A = arith.constant 0.000000e+00 : f32
    %max3A_20 = vector.broadcast %max3A : f32 to vector<8000x64xf32>
    %max3A_21 = arith.maximumf %add3A_19, %max3A_20 : vector<8000x64xf32>
    %convert_element_type3A_22 = arith.truncf %max3A_21 : vector<8000x64xf32> to vector<8000x64xbf16>
    %get3A_23 = arith.constant 0 : index
    %get3A_24 = arith.constant 0 : index
    %get3A_25 = vector.load %arg5[%get3A_23, %get3A_24] : memref<64x256xbf16, #tpu.memory_space<vmem>>, vector<64x256xbf16>
    %dot_general3A_26 = arith.constant dense<0.000000e+00> : vector<8000x256xf32>
    %dot_general3A_27 = tpu.matmul %convert_element_type3A_22, %get3A_25, %dot_general3A_26 {dimension_numbers = #tpu.dot_dimension_numbers<[1], [0], [0], [1], [0, 0, 1, 1], [], []>, transpose_lhs_hint = false} : vector<8000x64xbf16>, vector<64x256xbf16>, vector<8000x256xf32> -> vector<8000x256xf32>
    %get3A_28 = arith.constant 0 : index
    %get3A_29 = arith.constant 0 : index
    %get3A_30 = vector.load %arg6[%get3A_28, %get3A_29] : memref<1x256xf32, #tpu.memory_space<vmem>>, vector<1x256xf32>
    %add3A_31 = vector.broadcast %get3A_30 : vector<1x256xf32> to vector<8000x256xf32>
    %add3A_32 = arith.addf %dot_general3A_27, %add3A_31 : vector<8000x256xf32>
    %get3A_33 = arith.constant 0 : index
    %get3A_34 = arith.constant 0 : index
    %get3A_35 = vector.load %arg7[%get3A_33, %get3A_34] : memref<16x256xf32, #tpu.memory_space<vmem>>, vector<16x256xf32>
    %dot_general3A_36 = arith.constant dense<0.000000e+00> : vector<8000x256xf32>
    %dot_general3A_37 = tpu.matmul %concatenate3A, %get3A_35, %dot_general3A_36 {dimension_numbers = #tpu.dot_dimension_numbers<[1], [0], [0], [1], [0, 0, 1, 1], [], []>, transpose_lhs_hint = false} : vector<8000x16xf32>, vector<16x256xf32>, vector<8000x256xf32> -> vector<8000x256xf32>
    %mul3A = arith.mulf %dot_general3A_37, %add3A_32 : vector<8000x256xf32>
    %convert_element_type3A_38 = arith.truncf %mul3A : vector<8000x256xf32> to vector<8000x256xbf16>
    %get3A_39 = arith.constant 0 : index
    %get3A_40 = arith.constant 0 : index
    %get3A_41 = vector.load %arg8[%get3A_39, %get3A_40] : memref<256x16xbf16, #tpu.memory_space<vmem>>, vector<256x16xbf16>
    %dot_general3A_42 = arith.constant dense<0.000000e+00> : vector<8000x16xf32>
    %dot_general3A_43 = tpu.matmul %convert_element_type3A_38, %get3A_41, %dot_general3A_42 {dimension_numbers = #tpu.dot_dimension_numbers<[1], [0], [0], [1], [0, 0, 1, 1], [], []>, transpose_lhs_hint = false} : vector<8000x256xbf16>, vector<256x16xbf16>, vector<8000x16xf32> -> vector<8000x16xf32>
    %slice3A_44 = vector.extract_strided_slice %dot_general3A_43 {offsets = [0, 0], sizes = [1000, 16], strides = [1, 1]} : vector<8000x16xf32> to vector<1000x16xf32>
    %slice3A_45 = vector.extract_strided_slice %dot_general3A_43 {offsets = [1000, 0], sizes = [1000, 16], strides = [1, 1]} : vector<8000x16xf32> to vector<1000x16xf32>
    %slice3A_46 = vector.extract_strided_slice %dot_general3A_43 {offsets = [2000, 0], sizes = [1000, 16], strides = [1, 1]} : vector<8000x16xf32> to vector<1000x16xf32>
    %slice3A_47 = vector.extract_strided_slice %dot_general3A_43 {offsets = [3000, 0], sizes = [1000, 16], strides = [1, 1]} : vector<8000x16xf32> to vector<1000x16xf32>
    %slice3A_48 = vector.extract_strided_slice %dot_general3A_43 {offsets = [4000, 0], sizes = [1000, 16], strides = [1, 1]} : vector<8000x16xf32> to vector<1000x16xf32>
    %slice3A_49 = vector.extract_strided_slice %dot_general3A_43 {offsets = [5000, 0], sizes = [1000, 16], strides = [1, 1]} : vector<8000x16xf32> to vector<1000x16xf32>
    %slice3A_50 = vector.extract_strided_slice %dot_general3A_43 {offsets = [6000, 0], sizes = [1000, 16], strides = [1, 1]} : vector<8000x16xf32> to vector<1000x16xf32>
    %slice3A_51 = vector.extract_strided_slice %dot_general3A_43 {offsets = [7000, 0], sizes = [1000, 16], strides = [1, 1]} : vector<8000x16xf32> to vector<1000x16xf32>
    %concatenate3A_52 = tpu.concatenate %slice3A_44, %slice3A_45, %slice3A_46, %slice3A_47, %slice3A_48, %slice3A_49, %slice3A_50, %slice3A_51 in 1 : vector<1000x16xf32>, vector<1000x16xf32>, vector<1000x16xf32>, vector<1000x16xf32>, vector<1000x16xf32>, vector<1000x16xf32>, vector<1000x16xf32>, vector<1000x16xf32> -> vector<1000x128xf32>
    %swap3A = arith.constant 0 : index
    %swap3A_53 = arith.constant 0 : index
    %swap3A_54 = vector.load %arg9[%swap3A, %swap3A_53] : memref<1000x128xf32, #tpu.memory_space<vmem>>, vector<1000x128xf32>
    tpu.vector_store %arg9[%swap3A, %swap3A_53], %concatenate3A_52 {strides = array<i32>} : memref<1000x128xf32, #tpu.memory_space<vmem>>, vector<1000x128xf32>,
    return
  }
  func.func @transform_0(%arg0: i32) -> (i32, i32) {
    %add3A = arith.constant 0 : i32
    %add3A_0 = arith.addi %arg0, %add3A : i32
    %c0_i32 = arith.constant 0 : i32
    %c0_i32_1 = arith.constant 0 : i32
    return %add3A_0, %c0_i32 : i32, i32
  }
  func.func @transform_1(%arg0: i32) -> (i32, i32) {
    %c0_i32 = arith.constant 0 : i32
    %c0_i32_0 = arith.constant 0 : i32
    return %arg0, %c0_i32 : i32, i32
  }
  func.func @transform_2(%arg0: i32) -> (i32, i32) {
    %c0_i32 = arith.constant 0 : i32
    %c0_i32_0 = arith.constant 0 : i32
    %c0_i32_1 = arith.constant 0 : i32
    return %c0_i32, %c0_i32_0 : i32, i32
  }
  func.func @transform_3(%arg0: i32) -> (i32, i32) {
    %c0_i32 = arith.constant 0 : i32
    %c0_i32_0 = arith.constant 0 : i32
    %c0_i32_1 = arith.constant 0 : i32
    return %c0_i32, %c0_i32_0 : i32, i32
  }
  func.func @transform_4(%arg0: i32) -> (i32, i32) {
    %c0_i32 = arith.constant 0 : i32
    %c0_i32_0 = arith.constant 0 : i32
    %c0_i32_1 = arith.constant 0 : i32
    return %c0_i32, %c0_i32_0 : i32, i32
  }
  func.func @transform_5(%arg0: i32) -> (i32, i32) {
    %c0_i32 = arith.constant 0 : i32
    %c0_i32_0 = arith.constant 0 : i32
    %c0_i32_1 = arith.constant 0 : i32
    return %c0_i32, %c0_i32_0 : i32, i32
  }
  func.func @transform_6(%arg0: i32) -> (i32, i32) {
    %c0_i32 = arith.constant 0 : i32
    %c0_i32_0 = arith.constant 0 : i32
    %c0_i32_1 = arith.constant 0 : i32
    return %c0_i32, %c0_i32_0 : i32, i32
  }
  func.func @transform_7(%arg0: i32) -> (i32, i32) {
    %c0_i32 = arith.constant 0 : i32
    %c0_i32_0 = arith.constant 0 : i32
    %c0_i32_1 = arith.constant 0 : i32
    return %c0_i32, %c0_i32_0 : i32, i32
  }
  func.func @transform_8(%arg0: i32) -> (i32, i32) {
    %c0_i32 = arith.constant 0 : i32
    %c0_i32_0 = arith.constant 0 : i32
    return %arg0, %c0_i32 : i32, i32
  }
}

module attributes {stable_mosaic.version = 14 : i64} {
  func.func @_upd_body(%arg0: i32, %arg1: memref<1x1250x128xf32, #tpu.memory_space<vmem>>, %arg2: memref<1x1250x128xf32, #tpu.memory_space<vmem>>, %arg3: memref<1x1250x128xf32, #tpu.memory_space<vmem>>, %arg4: memref<1x1250x128xf32, #tpu.memory_space<vmem>>, %arg5: memref<1250x128xf32, #tpu.memory_space<vmem>>, %arg6: memref<128x128xf32, #tpu.memory_space<vmem>>, %arg7: memref<1x128xf32, #tpu.memory_space<vmem>>, %arg8: memref<1250x128xf32, #tpu.memory_space<vmem>>) attributes {dimension_semantics = [#tpu.dimension_semantics<arbitrary>], iteration_bounds = array<i64: 1>, scalar_prefetch = 0 : i64, scratch_operands = 0 : i64, tpu.core_type = #tpu.core_type<tc>, window_params = [{transform_indices = @transform_0, window_bounds = array<i64: 1, 1250, 128>}, {transform_indices = @transform_1, window_bounds = array<i64: 1, 1250, 128>}, {transform_indices = @transform_2, window_bounds = array<i64: 1, 1250, 128>}, {transform_indices = @transform_3, window_bounds = array<i64: 1, 1250, 128>}, {pipeline_mode = #tpu.pipeline_mode<synchronous>, transform_indices = @transform_4, window_bounds = array<i64: 1250, 128>}, {pipeline_mode = #tpu.pipeline_mode<synchronous>, transform_indices = @transform_5, window_bounds = array<i64: 128, 128>}, {pipeline_mode = #tpu.pipeline_mode<synchronous>, transform_indices = @transform_6, window_bounds = array<i64: 1, 128>}, {pipeline_mode = #tpu.pipeline_mode<synchronous>, transform_indices = @transform_7, window_bounds = array<i64: 1250, 128>}]} {
    %get3A = arith.constant 0 : index
    %get3A_0 = arith.constant 0 : index
    %get3A_1 = arith.constant 0 : index
    %get3A_2 = vector.load %arg1[%get3A, %get3A_0, %get3A_1] : memref<1x1250x128xf32, #tpu.memory_space<vmem>>, vector<1x1250x128xf32>
    %get3A_3 = vector.shape_cast %get3A_2 : vector<1x1250x128xf32> to vector<1250x128xf32>
    %get3A_4 = arith.constant 0 : index
    %get3A_5 = arith.constant 0 : index
    %get3A_6 = arith.constant 0 : index
    %get3A_7 = vector.load %arg2[%get3A_4, %get3A_5, %get3A_6] : memref<1x1250x128xf32, #tpu.memory_space<vmem>>, vector<1x1250x128xf32>
    %get3A_8 = vector.shape_cast %get3A_7 : vector<1x1250x128xf32> to vector<1250x128xf32>
    %add3A = arith.addf %get3A_3, %get3A_8 : vector<1250x128xf32>
    %get3A_9 = arith.constant 0 : index
    %get3A_10 = arith.constant 0 : index
    %get3A_11 = arith.constant 0 : index
    %get3A_12 = vector.load %arg3[%get3A_9, %get3A_10, %get3A_11] : memref<1x1250x128xf32, #tpu.memory_space<vmem>>, vector<1x1250x128xf32>
    %get3A_13 = vector.shape_cast %get3A_12 : vector<1x1250x128xf32> to vector<1250x128xf32>
    %add3A_14 = arith.addf %add3A, %get3A_13 : vector<1250x128xf32>
    %get3A_15 = arith.constant 0 : index
    %get3A_16 = arith.constant 0 : index
    %get3A_17 = arith.constant 0 : index
    %get3A_18 = vector.load %arg4[%get3A_15, %get3A_16, %get3A_17] : memref<1x1250x128xf32, #tpu.memory_space<vmem>>, vector<1x1250x128xf32>
    %get3A_19 = vector.shape_cast %get3A_18 : vector<1x1250x128xf32> to vector<1250x128xf32>
    %add3A_20 = arith.addf %add3A_14, %get3A_19 : vector<1250x128xf32>
    %get3A_21 = arith.constant 0 : index
    %get3A_22 = arith.constant 0 : index
    %get3A_23 = vector.load %arg5[%get3A_21, %get3A_22] : memref<1250x128xf32, #tpu.memory_space<vmem>>, vector<1250x128xf32>
    %get3A_24 = arith.constant 0 : index
    %get3A_25 = arith.constant 0 : index
    %get3A_26 = vector.load %arg6[%get3A_24, %get3A_25] : memref<128x128xf32, #tpu.memory_space<vmem>>, vector<128x128xf32>
    %dot_general3A = arith.constant dense<0.000000e+00> : vector<1250x128xf32>
    %dot_general3A_27 = tpu.matmul %get3A_23, %get3A_26, %dot_general3A {dimension_numbers = #tpu.dot_dimension_numbers<[1], [0], [0], [1], [0, 0, 1, 1], [], []>, transpose_lhs_hint = false} : vector<1250x128xf32>, vector<128x128xf32>, vector<1250x128xf32> -> vector<1250x128xf32>
    %add3A_28 = arith.addf %add3A_20, %dot_general3A_27 : vector<1250x128xf32>
    %get3A_29 = arith.constant 0 : index
    %get3A_30 = arith.constant 0 : index
    %get3A_31 = vector.load %arg7[%get3A_29, %get3A_30] : memref<1x128xf32, #tpu.memory_space<vmem>>, vector<1x128xf32>
    %add3A_32 = vector.broadcast %get3A_31 : vector<1x128xf32> to vector<1250x128xf32>
    %add3A_33 = arith.addf %add3A_28, %add3A_32 : vector<1250x128xf32>
    %swap3A = arith.constant 0 : index
    %swap3A_34 = arith.constant 0 : index
    %swap3A_35 = vector.load %arg8[%swap3A, %swap3A_34] : memref<1250x128xf32, #tpu.memory_space<vmem>>, vector<1250x128xf32>
    tpu.vector_store %arg8[%swap3A, %swap3A_34], %add3A_33 {strides = array<i32>} : memref<1250x128xf32, #tpu.memory_space<vmem>>, vector<1250x128xf32>,
    return
  }
  func.func @transform_0(%arg0: i32) -> (i32, i32, i32) {
    %c0_i32 = arith.constant 0 : i32
    %c0_i32_0 = arith.constant 0 : i32
    %c0_i32_1 = arith.constant 0 : i32
    %c0_i32_2 = arith.constant 0 : i32
    return %c0_i32, %c0_i32_0, %c0_i32_1 : i32, i32, i32
  }
  func.func @transform_1(%arg0: i32) -> (i32, i32, i32) {
    %c1_i32 = arith.constant 1 : i32
    %c0_i32 = arith.constant 0 : i32
    %c0_i32_0 = arith.constant 0 : i32
    %c0_i32_1 = arith.constant 0 : i32
    return %c1_i32, %c0_i32, %c0_i32_0 : i32, i32, i32
  }
  func.func @transform_2(%arg0: i32) -> (i32, i32, i32) {
    %c0_i32 = arith.constant 0 : i32
    %c0_i32_0 = arith.constant 0 : i32
    %c0_i32_1 = arith.constant 0 : i32
    %c0_i32_2 = arith.constant 0 : i32
    return %c0_i32, %c0_i32_0, %c0_i32_1 : i32, i32, i32
  }
  func.func @transform_3(%arg0: i32) -> (i32, i32, i32) {
    %c1_i32 = arith.constant 1 : i32
    %c0_i32 = arith.constant 0 : i32
    %c0_i32_0 = arith.constant 0 : i32
    %c0_i32_1 = arith.constant 0 : i32
    return %c1_i32, %c0_i32, %c0_i32_0 : i32, i32, i32
  }
  func.func @transform_4(%arg0: i32) -> (i32, i32) {
    %c0_i32 = arith.constant 0 : i32
    %c0_i32_0 = arith.constant 0 : i32
    %c0_i32_1 = arith.constant 0 : i32
    return %c0_i32, %c0_i32_0 : i32, i32
  }
  func.func @transform_5(%arg0: i32) -> (i32, i32) {
    %c0_i32 = arith.constant 0 : i32
    %c0_i32_0 = arith.constant 0 : i32
    %c0_i32_1 = arith.constant 0 : i32
    return %c0_i32, %c0_i32_0 : i32, i32
  }
  func.func @transform_6(%arg0: i32) -> (i32, i32) {
    %c0_i32 = arith.constant 0 : i32
    %c0_i32_0 = arith.constant 0 : i32
    %c0_i32_1 = arith.constant 0 : i32
    return %c0_i32, %c0_i32_0 : i32, i32
  }
  func.func @transform_7(%arg0: i32) -> (i32, i32) {
    %c0_i32 = arith.constant 0 : i32
    %c0_i32_0 = arith.constant 0 : i32
    %c0_i32_1 = arith.constant 0 : i32
    return %c0_i32, %c0_i32_0 : i32, i32
  }
}

module attributes {stable_mosaic.version = 14 : i64} {
  func.func @_readout_body(%arg0: i32, %arg1: memref<1250x128xf32, #tpu.memory_space<vmem>>, %arg2: memref<1250x128xf32, #tpu.memory_space<vmem>>, %arg3: memref<1x1250x128xf32, #tpu.memory_space<vmem>>, %arg4: memref<1x1250x128xf32, #tpu.memory_space<vmem>>, %arg5: memref<1x1250x128xf32, #tpu.memory_space<vmem>>, %arg6: memref<1x1250x128xf32, #tpu.memory_space<vmem>>, %arg7: memref<10000x1xf32, #tpu.memory_space<vmem>>, %arg8: memref<128x128xf32, #tpu.memory_space<vmem>>, %arg9: memref<1x128xf32, #tpu.memory_space<vmem>>, %arg10: memref<128x512xf32, #tpu.memory_space<vmem>>, %arg11: memref<128x512xf32, #tpu.memory_space<vmem>>, %arg12: memref<1x512xf32, #tpu.memory_space<vmem>>, %arg13: memref<512x128xf32, #tpu.memory_space<vmem>>, %arg14: memref<1x128xf32, #tpu.memory_space<vmem>>, %arg15: memref<128x512xf32, #tpu.memory_space<vmem>>, %arg16: memref<1x512xf32, #tpu.memory_space<vmem>>, %arg17: memref<512x128xf32, #tpu.memory_space<vmem>>, %arg18: memref<1x128xf32, #tpu.memory_space<vmem>>, %arg19: memref<64x16xf32, #tpu.memory_space<vmem>>) attributes {dimension_semantics = [#tpu.dimension_semantics<arbitrary>], iteration_bounds = array<i64: 1>, scalar_prefetch = 0 : i64, scratch_operands = 0 : i64, tpu.core_type = #tpu.core_type<tc>, window_params = [{pipeline_mode = #tpu.pipeline_mode<synchronous>, transform_indices = @transform_0, window_bounds = array<i64: 1250, 128>}, {pipeline_mode = #tpu.pipeline_mode<synchronous>, transform_indices = @transform_1, window_bounds = array<i64: 1250, 128>}, {transform_indices = @transform_2, window_bounds = array<i64: 1, 1250, 128>}, {transform_indices = @transform_3, window_bounds = array<i64: 1, 1250, 128>}, {transform_indices = @transform_4, window_bounds = array<i64: 1, 1250, 128>}, {transform_indices = @transform_5, window_bounds = array<i64: 1, 1250, 128>}, {pipeline_mode = #tpu.pipeline_mode<synchronous>, transform_indices = @transform_6, window_bounds = array<i64: 10000, 1>}, {pipeline_mode = #tpu.pipeline_mode<synchronous>, transform_indices = @transform_7, window_bounds = array<i64: 128, 128>}, {pipeline_mode = #tpu.pipeline_mode<synchronous>, transform_indices = @transform_8, window_bounds = array<i64: 1, 128>}, {pipeline_mode = #tpu.pipeline_mode<synchronous>, transform_indices = @transform_9, window_bounds = array<i64: 128, 512>}, {pipeline_mode = #tpu.pipeline_mode<synchronous>, transform_indices = @transform_10, window_bounds = array<i64: 128, 512>}, {pipeline_mode = #tpu.pipeline_mode<synchronous>, transform_indices = @transform_11, window_bounds = array<i64: 1, 512>}, {pipeline_mode = #tpu.pipeline_mode<synchronous>, transform_indices = @transform_12, window_bounds = array<i64: 512, 128>}, {pipeline_mode = #tpu.pipeline_mode<synchronous>, transform_indices = @transform_13, window_bounds = array<i64: 1, 128>}, {pipeline_mode = #tpu.pipeline_mode<synchronous>, transform_indices = @transform_14, window_bounds = array<i64: 128, 512>}, {pipeline_mode = #tpu.pipeline_mode<synchronous>, transform_indices = @transform_15, window_bounds = array<i64: 1, 512>}, {pipeline_mode = #tpu.pipeline_mode<synchronous>, transform_indices = @transform_16, window_bounds = array<i64: 512, 128>}, {pipeline_mode = #tpu.pipeline_mode<synchronous>, transform_indices = @transform_17, window_bounds = array<i64: 1, 128>}, {pipeline_mode = #tpu.pipeline_mode<synchronous>, transform_indices = @transform_18, window_bounds = array<i64: 64, 16>}]} {
    %get3A = arith.constant 0 : index
    %get3A_0 = arith.constant 0 : index
    %get3A_1 = vector.load %arg1[%get3A, %get3A_0] : memref<1250x128xf32, #tpu.memory_space<vmem>>, vector<1250x128xf32>
    %get3A_2 = arith.constant 0 : index
    %get3A_3 = arith.constant 0 : index
    %get3A_4 = arith.constant 0 : index
    %get3A_5 = vector.load %arg3[%get3A_2, %get3A_3, %get3A_4] : memref<1x1250x128xf32, #tpu.memory_space<vmem>>, vector<1x1250x128xf32>
    %get3A_6 = vector.shape_cast %get3A_5 : vector<1x1250x128xf32> to vector<1250x128xf32>
    %get3A_7 = arith.constant 0 : index
    %get3A_8 = arith.constant 0 : index
    %get3A_9 = arith.constant 0 : index
    %get3A_10 = vector.load %arg4[%get3A_7, %get3A_8, %get3A_9] : memref<1x1250x128xf32, #tpu.memory_space<vmem>>, vector<1x1250x128xf32>
    %get3A_11 = vector.shape_cast %get3A_10 : vector<1x1250x128xf32> to vector<1250x128xf32>
    %add3A = arith.addf %get3A_6, %get3A_11 : vector<1250x128xf32>
    %get3A_12 = arith.constant 0 : index
    %get3A_13 = arith.constant 0 : index
    %get3A_14 = arith.constant 0 : index
    %get3A_15 = vector.load %arg5[%get3A_12, %get3A_13, %get3A_14] : memref<1x1250x128xf32, #tpu.memory_space<vmem>>, vector<1x1250x128xf32>
    %get3A_16 = vector.shape_cast %get3A_15 : vector<1x1250x128xf32> to vector<1250x128xf32>
    %add3A_17 = arith.addf %add3A, %get3A_16 : vector<1250x128xf32>
    %get3A_18 = arith.constant 0 : index
    %get3A_19 = arith.constant 0 : index
    %get3A_20 = arith.constant 0 : index
    %get3A_21 = vector.load %arg6[%get3A_18, %get3A_19, %get3A_20] : memref<1x1250x128xf32, #tpu.memory_space<vmem>>, vector<1x1250x128xf32>
    %get3A_22 = vector.shape_cast %get3A_21 : vector<1x1250x128xf32> to vector<1250x128xf32>
    %add3A_23 = arith.addf %add3A_17, %get3A_22 : vector<1250x128xf32>
    %get3A_24 = arith.constant 0 : index
    %get3A_25 = arith.constant 0 : index
    %get3A_26 = vector.load %arg2[%get3A_24, %get3A_25] : memref<1250x128xf32, #tpu.memory_space<vmem>>, vector<1250x128xf32>
    %get3A_27 = arith.constant 0 : index
    %get3A_28 = arith.constant 0 : index
    %get3A_29 = vector.load %arg8[%get3A_27, %get3A_28] : memref<128x128xf32, #tpu.memory_space<vmem>>, vector<128x128xf32>
    %dot_general3A = arith.constant dense<0.000000e+00> : vector<1250x128xf32>
    %dot_general3A_30 = tpu.matmul %get3A_26, %get3A_29, %dot_general3A {dimension_numbers = #tpu.dot_dimension_numbers<[1], [0], [0], [1], [0, 0, 1, 1], [], []>, transpose_lhs_hint = false} : vector<1250x128xf32>, vector<128x128xf32>, vector<1250x128xf32> -> vector<1250x128xf32>
    %add3A_31 = arith.addf %add3A_23, %dot_general3A_30 : vector<1250x128xf32>
    %get3A_32 = arith.constant 0 : index
    %get3A_33 = arith.constant 0 : index
    %get3A_34 = vector.load %arg9[%get3A_32, %get3A_33] : memref<1x128xf32, #tpu.memory_space<vmem>>, vector<1x128xf32>
    %add3A_35 = vector.broadcast %get3A_34 : vector<1x128xf32> to vector<1250x128xf32>
    %add3A_36 = arith.addf %add3A_31, %add3A_35 : vector<1250x128xf32>
    %get3A_37 = arith.constant 0 : index
    %get3A_38 = arith.constant 0 : index
    %get3A_39 = vector.load %arg10[%get3A_37, %get3A_38] : memref<128x512xf32, #tpu.memory_space<vmem>>, vector<128x512xf32>
    %dot_general3A_40 = arith.constant dense<0.000000e+00> : vector<1250x512xf32>
    %dot_general3A_41 = tpu.matmul %get3A_1, %get3A_39, %dot_general3A_40 {dimension_numbers = #tpu.dot_dimension_numbers<[1], [0], [0], [1], [0, 0, 1, 1], [], []>, transpose_lhs_hint = false} : vector<1250x128xf32>, vector<128x512xf32>, vector<1250x512xf32> -> vector<1250x512xf32>
    %get3A_42 = arith.constant 0 : index
    %get3A_43 = arith.constant 0 : index
    %get3A_44 = vector.load %arg11[%get3A_42, %get3A_43] : memref<128x512xf32, #tpu.memory_space<vmem>>, vector<128x512xf32>
    %dot_general3A_45 = arith.constant dense<0.000000e+00> : vector<1250x512xf32>
    %dot_general3A_46 = tpu.matmul %add3A_36, %get3A_44, %dot_general3A_45 {dimension_numbers = #tpu.dot_dimension_numbers<[1], [0], [0], [1], [0, 0, 1, 1], [], []>, transpose_lhs_hint = false} : vector<1250x128xf32>, vector<128x512xf32>, vector<1250x512xf32> -> vector<1250x512xf32>
    %add3A_47 = arith.addf %dot_general3A_41, %dot_general3A_46 : vector<1250x512xf32>
    %get3A_48 = arith.constant 0 : index
    %get3A_49 = arith.constant 0 : index
    %get3A_50 = vector.load %arg12[%get3A_48, %get3A_49] : memref<1x512xf32, #tpu.memory_space<vmem>>, vector<1x512xf32>
    %add3A_51 = vector.broadcast %get3A_50 : vector<1x512xf32> to vector<1250x512xf32>
    %add3A_52 = arith.addf %add3A_47, %add3A_51 : vector<1250x512xf32>
    %max3A = arith.constant 0.000000e+00 : f32
    %max3A_53 = vector.broadcast %max3A : f32 to vector<1250x512xf32>
    %max3A_54 = arith.maximumf %add3A_52, %max3A_53 : vector<1250x512xf32>
    %get3A_55 = arith.constant 0 : index
    %get3A_56 = arith.constant 0 : index
    %get3A_57 = vector.load %arg13[%get3A_55, %get3A_56] : memref<512x128xf32, #tpu.memory_space<vmem>>, vector<512x128xf32>
    %dot_general3A_58 = arith.constant dense<0.000000e+00> : vector<1250x128xf32>
    %dot_general3A_59 = tpu.matmul %max3A_54, %get3A_57, %dot_general3A_58 {dimension_numbers = #tpu.dot_dimension_numbers<[1], [0], [0], [1], [0, 0, 1, 1], [], []>, transpose_lhs_hint = false} : vector<1250x512xf32>, vector<512x128xf32>, vector<1250x128xf32> -> vector<1250x128xf32>
    %get3A_60 = arith.constant 0 : index
    %get3A_61 = arith.constant 0 : index
    %get3A_62 = vector.load %arg14[%get3A_60, %get3A_61] : memref<1x128xf32, #tpu.memory_space<vmem>>, vector<1x128xf32>
    %add3A_63 = vector.broadcast %get3A_62 : vector<1x128xf32> to vector<1250x128xf32>
    %add3A_64 = arith.addf %dot_general3A_59, %add3A_63 : vector<1250x128xf32>
    %get3A_65 = arith.constant 0 : index
    %get3A_66 = arith.constant 0 : index
    %get3A_67 = vector.load %arg15[%get3A_65, %get3A_66] : memref<128x512xf32, #tpu.memory_space<vmem>>, vector<128x512xf32>
    %dot_general3A_68 = arith.constant dense<0.000000e+00> : vector<1250x512xf32>
    %dot_general3A_69 = tpu.matmul %add3A_36, %get3A_67, %dot_general3A_68 {dimension_numbers = #tpu.dot_dimension_numbers<[1], [0], [0], [1], [0, 0, 1, 1], [], []>, transpose_lhs_hint = false} : vector<1250x128xf32>, vector<128x512xf32>, vector<1250x512xf32> -> vector<1250x512xf32>
    %get3A_70 = arith.constant 0 : index
    %get3A_71 = arith.constant 0 : index
    %get3A_72 = vector.load %arg16[%get3A_70, %get3A_71] : memref<1x512xf32, #tpu.memory_space<vmem>>, vector<1x512xf32>
    %add3A_73 = vector.broadcast %get3A_72 : vector<1x512xf32> to vector<1250x512xf32>
    %add3A_74 = arith.addf %dot_general3A_69, %add3A_73 : vector<1250x512xf32>
    %max3A_75 = arith.constant 0.000000e+00 : f32
    %max3A_76 = vector.broadcast %max3A_75 : f32 to vector<1250x512xf32>
    %max3A_77 = arith.maximumf %add3A_74, %max3A_76 : vector<1250x512xf32>
    %get3A_78 = arith.constant 0 : index
    %get3A_79 = arith.constant 0 : index
    %get3A_80 = vector.load %arg17[%get3A_78, %get3A_79] : memref<512x128xf32, #tpu.memory_space<vmem>>, vector<512x128xf32>
    %dot_general3A_81 = arith.constant dense<0.000000e+00> : vector<1250x128xf32>
    %dot_general3A_82 = tpu.matmul %max3A_77, %get3A_80, %dot_general3A_81 {dimension_numbers = #tpu.dot_dimension_numbers<[1], [0], [0], [1], [0, 0, 1, 1], [], []>, transpose_lhs_hint = false} : vector<1250x512xf32>, vector<512x128xf32>, vector<1250x128xf32> -> vector<1250x128xf32>
    %get3A_83 = arith.constant 0 : index
    %get3A_84 = arith.constant 0 : index
    %get3A_85 = vector.load %arg18[%get3A_83, %get3A_84] : memref<1x128xf32, #tpu.memory_space<vmem>>, vector<1x128xf32>
    %add3A_86 = vector.broadcast %get3A_85 : vector<1x128xf32> to vector<1250x128xf32>
    %add3A_87 = arith.addf %dot_general3A_82, %add3A_86 : vector<1250x128xf32>
    %neg3A = arith.constant 0.000000e+00 : f32
    %neg3A_88 = vector.broadcast %neg3A : f32 to vector<1250x128xf32>
    %neg3A_89 = arith.subf %neg3A_88, %add3A_64 : vector<1250x128xf32>
    %exp3A = math.exp %neg3A_89 : vector<1250x128xf32>
    %add3A_90 = arith.constant 1.000000e+00 : f32
    %add3A_91 = vector.broadcast %add3A_90 : f32 to vector<1250x128xf32>
    %add3A_92 = arith.addf %add3A_91, %exp3A : vector<1250x128xf32>
    %div3A = arith.constant 1.000000e+00 : f32
    %div3A_93 = vector.broadcast %div3A : f32 to vector<1250x128xf32>
    %div3A_94 = arith.divf %div3A_93, %add3A_92 : vector<1250x128xf32>
    %mul3A = arith.mulf %div3A_94, %add3A_87 : vector<1250x128xf32>
    %slice3A = vector.extract_strided_slice %mul3A {offsets = [0, 0], sizes = [1250, 16], strides = [1, 1]} : vector<1250x128xf32> to vector<1250x16xf32>
    %slice3A_95 = vector.extract_strided_slice %mul3A {offsets = [0, 16], sizes = [1250, 16], strides = [1, 1]} : vector<1250x128xf32> to vector<1250x16xf32>
    %slice3A_96 = vector.extract_strided_slice %mul3A {offsets = [0, 32], sizes = [1250, 16], strides = [1, 1]} : vector<1250x128xf32> to vector<1250x16xf32>
    %slice3A_97 = vector.extract_strided_slice %mul3A {offsets = [0, 48], sizes = [1250, 16], strides = [1, 1]} : vector<1250x128xf32> to vector<1250x16xf32>
    %slice3A_98 = vector.extract_strided_slice %mul3A {offsets = [0, 64], sizes = [1250, 16], strides = [1, 1]} : vector<1250x128xf32> to vector<1250x16xf32>
    %slice3A_99 = vector.extract_strided_slice %mul3A {offsets = [0, 80], sizes = [1250, 16], strides = [1, 1]} : vector<1250x128xf32> to vector<1250x16xf32>
    %slice3A_100 = vector.extract_strided_slice %mul3A {offsets = [0, 96], sizes = [1250, 16], strides = [1, 1]} : vector<1250x128xf32> to vector<1250x16xf32>
    %slice3A_101 = vector.extract_strided_slice %mul3A {offsets = [0, 112], sizes = [1250, 16], strides = [1, 1]} : vector<1250x128xf32> to vector<1250x16xf32>
    %concatenate3A = tpu.concatenate %slice3A, %slice3A_95, %slice3A_96, %slice3A_97, %slice3A_98, %slice3A_99, %slice3A_100, %slice3A_101 in 0 : vector<1250x16xf32>, vector<1250x16xf32>, vector<1250x16xf32>, vector<1250x16xf32>, vector<1250x16xf32>, vector<1250x16xf32>, vector<1250x16xf32>, vector<1250x16xf32> -> vector<10000x16xf32>
    %get3A_102 = arith.constant 0 : index
    %get3A_103 = arith.constant 0 : index
    %get3A_104 = vector.load %arg1[%get3A_102, %get3A_103] : memref<1250x128xf32, #tpu.memory_space<vmem>>, vector<1250x128xf32>
    %slice3A_105 = vector.extract_strided_slice %get3A_104 {offsets = [0, 0], sizes = [1250, 16], strides = [1, 1]} : vector<1250x128xf32> to vector<1250x16xf32>
    %slice3A_106 = vector.extract_strided_slice %get3A_104 {offsets = [0, 16], sizes = [1250, 16], strides = [1, 1]} : vector<1250x128xf32> to vector<1250x16xf32>
    %slice3A_107 = vector.extract_strided_slice %get3A_104 {offsets = [0, 32], sizes = [1250, 16], strides = [1, 1]} : vector<1250x128xf32> to vector<1250x16xf32>
    %slice3A_108 = vector.extract_strided_slice %get3A_104 {offsets = [0, 48], sizes = [1250, 16], strides = [1, 1]} : vector<1250x128xf32> to vector<1250x16xf32>
    %slice3A_109 = vector.extract_strided_slice %get3A_104 {offsets = [0, 64], sizes = [1250, 16], strides = [1, 1]} : vector<1250x128xf32> to vector<1250x16xf32>
    %slice3A_110 = vector.extract_strided_slice %get3A_104 {offsets = [0, 80], sizes = [1250, 16], strides = [1, 1]} : vector<1250x128xf32> to vector<1250x16xf32>
    %slice3A_111 = vector.extract_strided_slice %get3A_104 {offsets = [0, 96], sizes = [1250, 16], strides = [1, 1]} : vector<1250x128xf32> to vector<1250x16xf32>
    %slice3A_112 = vector.extract_strided_slice %get3A_104 {offsets = [0, 112], sizes = [1250, 16], strides = [1, 1]} : vector<1250x128xf32> to vector<1250x16xf32>
    %concatenate3A_113 = tpu.concatenate %slice3A_105, %slice3A_106, %slice3A_107, %slice3A_108, %slice3A_109, %slice3A_110, %slice3A_111, %slice3A_112 in 0 : vector<1250x16xf32>, vector<1250x16xf32>, vector<1250x16xf32>, vector<1250x16xf32>, vector<1250x16xf32>, vector<1250x16xf32>, vector<1250x16xf32>, vector<1250x16xf32> -> vector<10000x16xf32>
    %reduce_sum3A = arith.constant dense<0.000000e+00> : vector<10000xf32>
    %reduce_sum3A_114 = vector.multi_reduction <add>, %concatenate3A_113, %reduce_sum3A [1] : vector<10000x16xf32> to vector<10000xf32>
    %broadcast_in_dim3A = vector.shape_cast %reduce_sum3A_114 : vector<10000xf32> to vector<10000x1xf32>
    %gt3A = arith.constant 0.000000e+00 : f32
    %gt3A_115 = vector.broadcast %gt3A : f32 to vector<10000x1xf32>
    %gt3A_116 = arith.cmpf ogt, %broadcast_in_dim3A, %gt3A_115 : vector<10000x1xf32>
    %convert_element_type3A = arith.extui %gt3A_116 : vector<10000x1xi1> to vector<10000x1xi32>
    %convert_element_type3A_117 = arith.sitofp %convert_element_type3A : vector<10000x1xi32> to vector<10000x1xf32>
    %mul3A_118 = vector.broadcast %convert_element_type3A_117 : vector<10000x1xf32> to vector<10000x16xf32>
    %mul3A_119 = arith.mulf %concatenate3A, %mul3A_118 : vector<10000x16xf32>
    %iota3A = tpu.iota {dimensions = array<i32: 1>} : vector<10000x64xi32>
    %convert_element_type3A_120 = arith.sitofp %iota3A : vector<10000x64xi32> to vector<10000x64xf32>
    %get3A_121 = arith.constant 0 : index
    %get3A_122 = arith.constant 0 : index
    %get3A_123 = vector.load %arg7[%get3A_121, %get3A_122] : memref<10000x1xf32, #tpu.memory_space<vmem>>, vector<10000x1xf32>
    %eq3A = vector.broadcast %get3A_123 : vector<10000x1xf32> to vector<10000x64xf32>
    %eq3A_124 = arith.cmpf oeq, %eq3A, %convert_element_type3A_120 : vector<10000x64xf32>
    %convert_element_type3A_125 = arith.extui %eq3A_124 : vector<10000x64xi1> to vector<10000x64xi32>
    %convert_element_type3A_126 = arith.sitofp %convert_element_type3A_125 : vector<10000x64xi32> to vector<10000x64xf32>
    %dot_general3A_127 = arith.constant dense<0.000000e+00> : vector<64x16xf32>
    %dot_general3A_128 = tpu.matmul %convert_element_type3A_126, %mul3A_119, %dot_general3A_127 {dimension_numbers = #tpu.dot_dimension_numbers<[0], [0], [1], [1], [0, 1, 1, 1], [], []>, transpose_lhs_hint = false} : vector<10000x64xf32>, vector<10000x16xf32>, vector<64x16xf32> -> vector<64x16xf32>
    %swap3A = arith.constant 0 : index
    %swap3A_129 = arith.constant 0 : index
    %swap3A_130 = vector.load %arg19[%swap3A, %swap3A_129] : memref<64x16xf32, #tpu.memory_space<vmem>>, vector<64x16xf32>
    tpu.vector_store %arg19[%swap3A, %swap3A_129], %dot_general3A_128 {strides = array<i32>} : memref<64x16xf32, #tpu.memory_space<vmem>>, vector<64x16xf32>,
    return
  }
  func.func @transform_0(%arg0: i32) -> (i32, i32) {
    %c0_i32 = arith.constant 0 : i32
    %c0_i32_0 = arith.constant 0 : i32
    %c0_i32_1 = arith.constant 0 : i32
    return %c0_i32, %c0_i32_0 : i32, i32
  }
  func.func @transform_1(%arg0: i32) -> (i32, i32) {
    %c0_i32 = arith.constant 0 : i32
    %c0_i32_0 = arith.constant 0 : i32
    %c0_i32_1 = arith.constant 0 : i32
    return %c0_i32, %c0_i32_0 : i32, i32
  }
  func.func @transform_2(%arg0: i32) -> (i32, i32, i32) {
    %c0_i32 = arith.constant 0 : i32
    %c0_i32_0 = arith.constant 0 : i32
    %c0_i32_1 = arith.constant 0 : i32
    %c0_i32_2 = arith.constant 0 : i32
    return %c0_i32, %c0_i32_0, %c0_i32_1 : i32, i32, i32
  }
  func.func @transform_3(%arg0: i32) -> (i32, i32, i32) {
    %c1_i32 = arith.constant 1 : i32
    %c0_i32 = arith.constant 0 : i32
    %c0_i32_0 = arith.constant 0 : i32
    %c0_i32_1 = arith.constant 0 : i32
    return %c1_i32, %c0_i32, %c0_i32_0 : i32, i32, i32
  }
  func.func @transform_4(%arg0: i32) -> (i32, i32, i32) {
    %c0_i32 = arith.constant 0 : i32
    %c0_i32_0 = arith.constant 0 : i32
    %c0_i32_1 = arith.constant 0 : i32
    %c0_i32_2 = arith.constant 0 : i32
    return %c0_i32, %c0_i32_0, %c0_i32_1 : i32, i32, i32
  }
  func.func @transform_5(%arg0: i32) -> (i32, i32, i32) {
    %c1_i32 = arith.constant 1 : i32
    %c0_i32 = arith.constant 0 : i32
    %c0_i32_0 = arith.constant 0 : i32
    %c0_i32_1 = arith.constant 0 : i32
    return %c1_i32, %c0_i32, %c0_i32_0 : i32, i32, i32
  }
  func.func @transform_6(%arg0: i32) -> (i32, i32) {
    %c0_i32 = arith.constant 0 : i32
    %c0_i32_0 = arith.constant 0 : i32
    %c0_i32_1 = arith.constant 0 : i32
    return %c0_i32, %c0_i32_0 : i32, i32
  }
  func.func @transform_7(%arg0: i32) -> (i32, i32) {
    %c0_i32 = arith.constant 0 : i32
    %c0_i32_0 = arith.constant 0 : i32
    %c0_i32_1 = arith.constant 0 : i32
    return %c0_i32, %c0_i32_0 : i32, i32
  }
  func.func @transform_8(%arg0: i32) -> (i32, i32) {
    %c0_i32 = arith.constant 0 : i32
    %c0_i32_0 = arith.constant 0 : i32
    %c0_i32_1 = arith.constant 0 : i32
    return %c0_i32, %c0_i32_0 : i32, i32
  }
  func.func @transform_9(%arg0: i32) -> (i32, i32) {
    %c0_i32 = arith.constant 0 : i32
    %c0_i32_0 = arith.constant 0 : i32
    %c0_i32_1 = arith.constant 0 : i32
    return %c0_i32, %c0_i32_0 : i32, i32
  }
  func.func @transform_10(%arg0: i32) -> (i32, i32) {
    %c0_i32 = arith.constant 0 : i32
    %c0_i32_0 = arith.constant 0 : i32
    %c0_i32_1 = arith.constant 0 : i32
    return %c0_i32, %c0_i32_0 : i32, i32
  }
  func.func @transform_11(%arg0: i32) -> (i32, i32) {
    %c0_i32 = arith.constant 0 : i32
    %c0_i32_0 = arith.constant 0 : i32
    %c0_i32_1 = arith.constant 0 : i32
    return %c0_i32, %c0_i32_0 : i32, i32
  }
  func.func @transform_12(%arg0: i32) -> (i32, i32) {
    %c0_i32 = arith.constant 0 : i32
    %c0_i32_0 = arith.constant 0 : i32
    %c0_i32_1 = arith.constant 0 : i32
    return %c0_i32, %c0_i32_0 : i32, i32
  }
  func.func @transform_13(%arg0: i32) -> (i32, i32) {
    %c0_i32 = arith.constant 0 : i32
    %c0_i32_0 = arith.constant 0 : i32
    %c0_i32_1 = arith.constant 0 : i32
    return %c0_i32, %c0_i32_0 : i32, i32
  }
  func.func @transform_14(%arg0: i32) -> (i32, i32) {
    %c0_i32 = arith.constant 0 : i32
    %c0_i32_0 = arith.constant 0 : i32
    %c0_i32_1 = arith.constant 0 : i32
    return %c0_i32, %c0_i32_0 : i32, i32
  }
  func.func @transform_15(%arg0: i32) -> (i32, i32) {
    %c0_i32 = arith.constant 0 : i32
    %c0_i32_0 = arith.constant 0 : i32
    %c0_i32_1 = arith.constant 0 : i32
    return %c0_i32, %c0_i32_0 : i32, i32
  }
  func.func @transform_16(%arg0: i32) -> (i32, i32) {
    %c0_i32 = arith.constant 0 : i32
    %c0_i32_0 = arith.constant 0 : i32
    %c0_i32_1 = arith.constant 0 : i32
    return %c0_i32, %c0_i32_0 : i32, i32
  }
  func.func @transform_17(%arg0: i32) -> (i32, i32) {
    %c0_i32 = arith.constant 0 : i32
    %c0_i32_0 = arith.constant 0 : i32
    %c0_i32_1 = arith.constant 0 : i32
    return %c0_i32, %c0_i32_0 : i32, i32
  }
  func.func @transform_18(%arg0: i32) -> (i32, i32) {
    %c0_i32 = arith.constant 0 : i32
    %c0_i32_0 = arith.constant 0 : i32
    %c0_i32_1 = arith.constant 0 : i32
    return %c0_i32, %c0_i32_0 : i32, i32
  }
}

</mosaic_0001>

<sc_bundles>
// kernel: kernel.17.cloned.1.call-start
scs
__scs_entry_jumppad:
0x0: {  	(pc) =	sbr.rel $0x88, $3  }
0x1: {  	(tag) =	ssettag $0x0;
	lr =	simm.s32 $0x1  }
0x2: {  	[smem:$0x3F8D] =	sst lr;
	_ =	strace $0xD0000000  }
0x3: {  	_ = 	snop  }
0x4: {  	_ = 	snop  }
0x5: {  	_ = 	snop  }
0x6: {  	_ = 	snop  }
0x7: {  	_ = 	snop  }
__scs_overlays_trampoline_lowered:
0x8: {  	[smem:$0x3F9C] =	sst s0  }
0x9: {  	[smem:$0x3F9D] =	sst s1  }
0xa: {  	[smem:$0x3F9E] =	sst s2  }
0xb: {  	[smem:$0x3F9F] =	sst s3  }
0xc: {  	[smem:$0x3FA0] =	sst s4  }
0xd: {  	[smem:$0x3FA1] =	sst s5  }
0xe: {  	[smem:$0x3FA2] =	sst s6  }
0xf: {  	[smem:$0x3FA3] =	sst s7  }
0x10: {  	[smem:$0x3FA4] =	sst s8  }
0x11: {  	[smem:$0x3FA5] =	sst s9;
	s0 =	simm.s32 @!p0 $0x0  }
0x12: {  	s1 =	sld [smem:$0x3F8B];
	s0 =	simm.s32 @p0 $0x1  }
0x13: {  	[smem:$0x3FA6] =	sst s0;
	s0 =	simm.s32 @!p1 $0x0  }
0x14: {  	s2 =	sld [smem:$0x3F8A];
	s0 =	simm.s32 @p1 $0x1  }
0x15: {  	[smem:$0x3FA7] =	sst s0;
	s0 =	simm.s32 @!p2 $0x0  }
0x16: {  	s3 =	sld [smem:$0x3FDB];
	s0 =	simm.s32 @p2 $0x1  }
0x17: {  	s4 =	simm.s32 $0x1BF5;
	[smem:$0x3FA9] =	sst s0  }
0x18: {  	s0 =	sld [smem:$0x3F8C];
	_ =	swait.ge [sflag:s4], $0x0  }
0x19: {  	s7 =	sld [smem:$0x3F8D]  }
0x1a: {  	s8 =	sadd.s32 $0xFFFFE003, lr  }
0x1b: {  	s9 =	sadd.s32 $0xFFFFFEF7, lr;
	s5 =	simm.s32 $0xFFFFFFFF;
	p2 =	slt.u32 s8, $0xFFFFF086  }
0x1c: {  	p1 =	slt.u32 s9, $0xF7A;
	s5 =	simm.s32 @!p2 $0x0  }
0x1d: {  	s5 =	simm.s32 @p1 $0x1;
	p0 =	seq.s32 s7, s2  }
0x1e: {  	s7 =	smul.u32 @!p0 $0xF7A, s2;
	p2 =	seq.s32 @!p0 s5, $0x0  }
0x1f: {  	s9 =	smul.u32 $0xF7A, s1;
	s8 =	simm.s32 @!p0 $0x1BF5;
	p2 =	por !p2, p0  }
0x20: {  	[sflag:s8] =	ssyncset.s32 @!p0 $0xFFFFF086;
	s6 =	sadd.s32 @!p0 s3, s7;
	s7 =	simm.s32 @!p0 $0x108  }
0x21: {  	s3 =	sadd.s32 s3, s9;
	s6 =	sadd.s32 @!p0 $0x88, s6;
	s7 =	simm.s32 @p2 $0x1082  }
0x22: {  	[simem:s7], [sflag:s8] =	dma.local @!p0 [hbm:s6], $0xF7A  }
0x23: {  	s9 =	sor.u32 $0xD0000000, s2;
	s6 =	simm.s32 $0x108;
	_ =	swait.ge @!p0 [sflag:s8], $0x0  }
0x24: {  	s3 =	sadd.s32 $0x88, s3;
	s6 =	simm.s32 @!p1 $0x1082;
	[sflag:s4] =	ssyncset.s32 $0xFFFFF086  }
0x25: {  	[simem:s6], [sflag:s4] =	dma.local [hbm:s3], $0xF7A  }
0x26: {  	[smem:$0x3F8D] =	sst s1;
	(tag) =	ssettag s2;
	_ =	strace s9  }
0x27: {  	s1 =	sld [smem:$0x3F9D]  }
0x28: {  	s2 =	sld [smem:$0x3F9E]  }
0x29: {  	s4 =	sld [smem:$0x3FA0]  }
0x2a: {  	p0 =	seq.s32 s5, $0x0;
	s5 =	sld [smem:$0x3FA1]  }
0x2b: {  	s6 =	sld [smem:$0x3FA2]  }
0x2c: {  	s7 =	sld [smem:$0x3FA3]  }
0x2d: {  	s3 =	simm.s32 $0x108;
	s8 =	sld [smem:$0x3FA4]  }
0x2e: {  	s3 =	simm.s32 @!p0 $0x1082;
	s9 =	sld [smem:$0x3FA5]  }
0x2f: {  	lr =	sadd.s32 s0, s3;
	s0 =	sld [smem:$0x3F9C]  }
0x30: {  	s3 =	sld [smem:$0x3F9F]  }
0x31: {  	[smem:$0x3FA8] =	sst s10  }
0x32: {  	s10 =	sld [smem:$0x3FA6];
	_ =	sdelay $0x3  }
0x33: {  	p0 =	seq.s32 s10, $0x1;
	s10 =	sld [smem:$0x3FA8];
	_ =	sdelay $0x3  }
0x34: {  	[smem:$0x3FA8] =	sst s10  }
0x35: {  	s10 =	sld [smem:$0x3FA7];
	_ =	sdelay $0x3  }
0x36: {  	p1 =	seq.s32 s10, $0x1;
	s10 =	sld [smem:$0x3FA8];
	_ =	sdelay $0x3  }
0x37: {  	[smem:$0x3FA8] =	sst s10  }
0x38: {  	s10 =	sld [smem:$0x3FA9]  }
0x39: {  	_ = 	snop;
	(pc) =	sbr.ind lr, $3  }
0x3a: {  	_ = 	snop  }
0x3b: {  	_ = 	snop  }
0x3c: {  	p2 =	seq.s32 s10, $0x1;
	s10 =	sld [smem:$0x3FA8]  }
0x3d: {  	_ =	shalt  }
0x3e: {  	_ =	shalt  }
0x3f: {  	_ =	shalt  }
0x40: {  	_ =	shalt  }
0x41: {  	_ =	shalt  }
0x42: {  	_ =	shalt  }
0x43: {  	_ =	shalt  }
0x44: {  	_ =	shalt  }
0x45: {  	_ =	shalt  }
0x46: {  	_ =	shalt  }
0x47: {  	_ =	shalt  }
0x48: {  	_ =	shalt  }
0x49: {  	_ =	shalt  }
0x4a: {  	_ =	shalt  }
0x4b: {  	_ =	shalt  }
0x4c: {  	_ =	shalt  }
0x4d: {  	_ =	shalt  }
0x4e: {  	_ =	shalt  }
0x4f: {  	_ =	shalt  }
0x50: {  	_ =	shalt  }
0x51: {  	_ =	shalt  }
0x52: {  	_ =	shalt  }
0x53: {  	_ =	shalt  }
0x54: {  	_ =	shalt  }
0x55: {  	_ =	shalt  }
0x56: {  	_ =	shalt  }
0x57: {  	_ =	shalt  }
0x58: {  	_ =	shalt  }
0x59: {  	_ =	shalt  }
0x5a: {  	_ =	shalt  }
0x5b: {  	_ =	shalt  }
0x5c: {  	_ =	shalt  }
0x5d: {  	_ =	shalt  }
0x5e: {  	_ =	shalt  }
0x5f: {  	_ =	shalt  }
0x60: {  	_ =	shalt  }
0x61: {  	_ =	shalt  }
0x62: {  	_ =	shalt  }
0x63: {  	_ =	shalt  }
0x64: {  	_ =	shalt  }
0x65: {  	_ =	shalt  }
0x66: {  	_ =	shalt  }
0x67: {  	_ =	shalt  }
0x68: {  	_ =	shalt  }
0x69: {  	_ =	shalt  }
0x6a: {  	_ =	shalt  }
0x6b: {  	_ =	shalt  }
0x6c: {  	_ =	shalt  }
0x6d: {  	_ =	shalt  }
0x6e: {  	_ =	shalt  }
0x6f: {  	_ =	shalt  }
0x70: {  	_ =	shalt  }
0x71: {  	_ =	shalt  }
0x72: {  	_ =	shalt  }
0x73: {  	_ =	shalt  }
0x74: {  	_ =	shalt  }
0x75: {  	_ =	shalt  }
0x76: {  	_ =	shalt  }
0x77: {  	_ =	shalt  }
0x78: {  	_ =	shalt  }
0x79: {  	_ =	shalt  }
0x7a: {  	_ =	shalt  }
0x7b: {  	_ =	shalt  }
0x7c: {  	_ =	shalt  }
0x7d: {  	_ =	shalt  }
0x7e: {  	_ =	shalt  }
0x7f: {  	_ =	shalt  }
0x80: {  	_ =	shalt  }
0x81: {  	_ =	shalt  }
0x82: {  	_ =	shalt  }
0x83: {  	_ =	shalt  }
0x84: {  	_ =	shalt  }
0x85: {  	_ =	shalt  }
0x86: {  	_ =	shalt  }
0x87: {  	_ =	shalt  }
.Lfunc_end0:
.L_simem_size_0:
called_computation_lowered:
.L_overlay_start_0:
0x88: {  	s2 =	sld [smem:$0x3FD9]  }
0x89: {  	s3 =	sld [smem:$0x3FFE];
	_ =	sdelay $0x1  }
0x8a: {  	s1 =	srdreg.scid  }
0x8b: {  	s0 =	sand.u32 $0x1, s1  }
0x8c: {  	s17 =	sshll.u32 s0, $0xA;
	s2 =	sadd.s32 s3, s2  }
0x8d: {  	s2 =	sadd.s32 s2, s17  }
0x8e: {  	[smem:$0x3FB4] =	sst s2  }
0x8f: {  	_ = 	snop  }
0x90: {  	(tm) =	ssettm $0x1  }
0x91: {  	s18 =	sld [smem:$0x3FFB];
	_ =	sdelay $0x3  }
0x92: {  	_ =	strace s18  }
0x93: {  	s2 =	sld [smem:$0x3FFC];
	_ =	sdelay $0x3  }
0x94: {  	_ =	strace s2  }
0x95: {  	s2 =	sld [smem:$0x3FFD];
	_ =	sdelay $0x3  }
0x96: {  	_ =	strace s2  }
0x97: {  	_ =	strace $0x8FFFFFFF  }
0x98: {  	s19 =	sld [smem:$0x3FDB];
	_ =	sdelay $0x1  }
0x99: {  	s20 =	simm.s32 $_scs_section_size  }
0x9a: {  	s4 =	simm.s32 $_size__tile_overlayer_lowered;
	s5 =	simm.s32 $_tile_overlayer_lowered  }
0x9b: {  	s6 =	simm.s32 $0x1BFF;
	s21 =	sshll.u32 s5, $0x1;
	s3 =	sadd.s32 s20, s19  }
0x9c: {  	s22 =	simm.s32 $0x0;
	s4 =	sshll.u32 s4, $0x1;
	s5 =	sadd.s32 s21, s3  }
0x9d: {  	[timem:s22], [sflag:s6] =	dma.local [hbm:s5], s4  }
0x9e: {  	_ =	swait.ge [sflag:s6], s4  }
0x9f: {  	s4 =	ssub.s32 $0x0, s4;
	[sflag:s6] =	ssyncset.done $0x0  }
0xa0: {  	[sflag:s6] =	ssyncadd.s32 s4;
	_ =	sdelay $0x1  }
0xa1: {  	s23 =	simm.s32 $0x1B8B  }
0xa2: {  	_ =	swait.ge [sflag:s23], $0x1  }
0xa3: {  	[sflag:s23] =	ssyncset.done $0x0  }
0xa4: {  	[sflag:s23] =	ssyncadd.s32 $0xFFFFFFFF  }
0xa5: {  	s4 =	sld [smem:$0x0]  }
0xa6: {  	s5 =	sand.u32 $0xFFFFFFFE, s1  }
0xa7: {  	p0 =	sne.s32 s1, s5  }
0xa8: {  	s5 =	sshll.u32 @p0 s5, $0xE  }
0xa9: {  	s5 =	sadd.s32 @p0 $0x11B8D, s5;
	s6 =	sshll.u32 @p0 s4, $0x11  }
0xaa: {  	s5 =	sor.u32 @p0 s6, s5  }
0xab: {  	[sflag:s5] =	ssyncadd.remote.s32 @p0 $0x1;
	_ =	sdelay $0x1  }
0xac: {  	s5 =	simm.s32 @p0 $0x1B8D  }
0xad: {  	_ =	swait.eq @p0 [sflag:s5], $0x1  }
0xae: {  	[sflag:s5] =	ssyncadd.s32 @p0 $0xFFFFFFFF  }
0xaf: {  	s6 =	sshll.u32 @!p0 s1, $0xE  }
0xb0: {  	s6 =	sor.u32 @!p0 $0x4000, s6;
	s5 =	simm.s32 @!p0 $0x1B8D  }
0xb1: {  	s4 =	sshll.u32 @!p0 s4, $0x11;
	s6 =	sadd.s32 @!p0 $0x11B8D, s6;
	_ =	swait.eq @!p0 [sflag:s5], $0x1  }
0xb2: {  	s4 =	sor.u32 @!p0 s4, s6;
	[sflag:s5] =	ssyncadd.s32 @!p0 $0xFFFFFFFF  }
0xb3: {  	s25 =	simm.s32 $0x1B8E;
	s24 =	sld [smem:$0x3FFE];
	[sflag:s4] =	ssyncadd.remote.s32 @!p0 $0x1  }
0xb4: {  	s26 =	simm.s32 $execute0_lowered;
	[smem:$0x3FD2] =	sst s25  }
0xb5: {  	s5 =	sshll.u32 s26, $0x1;
	_ =	strace $0x80000049;
	[dreg:$0x1] =	wrdreg $0xFFFFFFFF  }
0xb6: {  	s28 =	simm.s32 $_size_execute0_lowered;
	s3 =	sadd.s32 s3, s5;
	[dreg:$0x0] =	wrdreg $0x0  }
0xb7: {  	s5 =	sshll.u32 s28, $0x1;
	[dreg:$0x2] =	wrdreg s3  }
0xb8: {  	[dreg:$0x3] =	wrdreg s5  }
0xb9: {  	[dreg:$0x4] =	wrdreg $0xC0  }
0xba: {  	_ =	task [dreg:s22], $0x5FFFF  }
0xbb: {  	[dreg:$0x1] =	wrdreg $0xFFFFFFFF  }
0xbc: {  	[dreg:$0x0] =	wrdreg $0x60  }
0xbd: {  	[dreg:$0x2] =	wrdreg s24  }
0xbe: {  	[dreg:$0x3] =	wrdreg $0x9  }
0xbf: {  	_ =	task.clear_ibuf [dreg:s22], $0x4FFFF;
	_ =	strace $0x90000049  }
0xc0: {  	s29 =	simm.s32 $0x9;
	_ =	strace $0x8000004B  }
0xc1: {  	_ =	swait.ge [sflag:s29], $0x1  }
0xc2: {  	[sflag:s29] =	ssyncadd.s32 $0xFFFFFFFF  }
0xc3: {  	_ =	strace $0x9000004B  }
0xc4: {  	_ =	sfence  }
0xc5: {  	s30 =	sld [smem:$0x0];
	_ =	sdelay $0x2  }
0xc6: {  	s31 =	sshll.u32 s1, $0xD;
	s1 =	sshrl.u32 s1, $0x2  }
0xc7: {  	s4 =	sand.u32 $0x4000, s31;
	s1 =	sadd.s32 s1, s30  }
0xc8: {  	s0 =	sor.u32 s4, s0;
	s1 =	sshll.u32 s1, $0x11  }
0xc9: {  	s0 =	sor.u32 s1, s0  }
0xca: {  	s0 =	sadd.s32 $0x8F2B, s0  }
0xcb: {  	[sflag:s0] =	ssyncadd.remote.s32 $0x1  }
0xcc: {  	_ =	sfence.sel $0xFFFF  }
0xcd: {  	[dreg:$0x0] =	wrdreg $0xFFFFFFFF;
	(pc) =	sbr.abs _section_cstart, $3  }
0xce: {  	[dreg:$0x1] =	wrdreg $0xFFFFFFFF  }
0xcf: {  	_ =	task.clear_ibuf [dreg:s22], $0x2FFFF;
	_ =	strace $0x9FFFFFFF  }
0xd0: {  	(tm) =	ssettm $0x7FFFFFFF  }
0xd1: {  	_ =	shalt  }
tec
execute0_lowered:
.L_overlay_start_1:
0x0: {  	(tag) =	ssettag $0x1  }
0x1: {  	s1 =	srdreg.scid;
	s0 =	stileid.u32  }
0x2: {  	s8 =	sand.u32 $0x1, s1;
	s31 =	sshll.u32 s0, $0x1  }
0x3: {  	s1 =	sor.u32 s8, s31  }
0x4: {  	s11 =	rddreg [dreg:$0x0];
	s2 =	simm.s32 $0x0;
	s3 =	smul.u32 $0x139, s1  }
0x5: {  	[smem:$0x7FF] =	sst s2  }
0x6: {  	s1 =	rddreg [dreg:$0x1];
	s5 =	sadd.s32 s3, s11  }
0x7: {  	_ =	strace $0x8000004A;
	s3 =	simm.s32 $0x2;
	s4 =	sadd.s32 $0x36C00, s5  }
0x8: {  	[tilespmem:s2], [sflag:$0x2] =	stream.linear.gather [hbm4b:s4+s2], $0x9C8, $0x38;
	[tilespmem:$0xAFD0] =	vst v63  }
0x9: {  	_ =	swait.ge [sflag:s3], $0x9C8  }
0xa: {  	s6 =	simm.s32 $0x9C8;
	s9 =	simm.s32 $0x1390;
	[sflag:s3] =	ssyncset.done $0x0  }
0xb: {  	s12 =	ssub.s32 $0x2, s8;
	s5 =	sadd.s32 $0x5A00, s5;
	[sflag:s3] =	ssyncadd.s32 $0xFFFFF638  }
0xc: {  	[tilespmem:s6], [sflag:$0x2] =	stream.linear.gather [hbm4b:s5+s2], $0x9C8, $0x38;
	[tilespmem:$0xAFD0] =	vst v63  }
0xd: {  	s10 =	simm.s32 $0x1;
	s13 =	sshrl.u32 s12, $0x1;
	_ =	swait.ge [sflag:s3], $0x9C8  }
0xe: {  	s7 =	sadd.s32 $0xAA00, s11;
	s12 =	ssub.s32 s12, s13;
	[sflag:s3] =	ssyncset.done $0x0  }
0xf: {  	s8 =	simm.s32 $0x9C4;
	s12 =	smax.u32 s12, $0x1;
	[sflag:s3] =	ssyncadd.s32 $0xFFFFF638  }
0x10: {  	[tilespmem:s9], [sflag:$0x1] =	stream.indirect.gather [hbm4b:s7+s8], $0x10, s2, s8, $0xb8;
	[tilespmem:$0xAFD0] =	vst v63  }
0x11: {  	p0 =	sne.s32 s12, $0x1;
	_ =	swait.ge [sflag:s10], $0x9C40  }
.Ltmp0:
0x12: {  	[sflag:s10] =	ssyncset.done $0x0;
	(pc) =	sbr.rel @!p0 .LBB2_2-.Ltmp0, $4  }
0x13: {  	s11 =	sadd.s32 $0x39400, s11;
	[sflag:s10] =	ssyncadd.s32 $0xFFFF63C0  }
0x14: {  	[hbm4b:s11+s8] =	stream.indirect.scatter [tilespmem:s9], [sflag:$0x2], $0x10, s6, s8, $0xb8;
	[tilespmem:$0xAFD0] =	vst v63  }
0x15: {  	_ =	swait.ge [sflag:s3], $0x9C40  }
0x16: {  	s12 =	sadd.s32 $0xFFFFFFFF, s12;
	[sflag:s3] =	ssyncset.done $0x0  }
.LBB2_1:
0x17: {  	p0 =	sne.s32 s12, $0x1;
	s12 =	sadd.s32 $0xFFFFFFFF, s12;
	[sflag:s3] =	ssyncadd.s32 $0xFFFF63C0  }
0x18: {  	[tilespmem:s2], [sflag:$0x2] =	stream.linear.gather [hbm4b:s4+s2], $0x9C8, $0x38;
	[tilespmem:$0xAFD0] =	vst v63  }
0x19: {  	_ =	swait.ge [sflag:s3], $0x9C8  }
0x1a: {  	[sflag:s3] =	ssyncset.done $0x0  }
0x1b: {  	[sflag:s3] =	ssyncadd.s32 $0xFFFFF638  }
0x1c: {  	[tilespmem:s6], [sflag:$0x2] =	stream.linear.gather [hbm4b:s5+s2], $0x9C8, $0x38;
	[tilespmem:$0xAFD0] =	vst v63  }
0x1d: {  	_ =	swait.ge [sflag:s3], $0x9C8  }
0x1e: {  	[sflag:s3] =	ssyncset.done $0x0  }
0x1f: {  	[sflag:s3] =	ssyncadd.s32 $0xFFFFF638  }
0x20: {  	[tilespmem:s9], [sflag:$0x1] =	stream.indirect.gather [hbm4b:s7+s8], $0x10, s2, s8, $0xb8;
	[tilespmem:$0xAFD0] =	vst v63  }
0x21: {  	_ =	swait.ge [sflag:s10], $0x9C40  }
.Ltmp1:
0x22: {  	[sflag:s10] =	ssyncset.done $0x0;
	(pc) =	sbr.rel @p0 .LBB2_1-.Ltmp1, $4  }
0x23: {  	[sflag:s10] =	ssyncadd.s32 $0xFFFF63C0  }
0x24: {  	[hbm4b:s11+s8] =	stream.indirect.scatter [tilespmem:s9], [sflag:$0x2], $0x10, s6, s8, $0xb8;
	[tilespmem:$0xAFD0] =	vst v63  }
0x25: {  	_ =	swait.ge [sflag:s3], $0x9C40  }
0x26: {  	[sflag:s3] =	ssyncset.done $0x0  }
.LBB2_2:
0x27: {  	[sflag:s3] =	ssyncadd.s32 $0xFFFF63C0  }
0x28: {  	_ =	sfence.sel $0x180000  }
0x29: {  	[bflag:$0x0] =	sbarrier.arrive $0xFFFF  }
0x2a: {  	p0 =	sne.s32 s0, $0x0;
	_ =	strace $0x9000004A  }
0x2b: {  	s0 =	sadd.s32 @!p0 $0x100000, s1;
	[bflag:$0x2] =	sbarrier.arrive $0xFFFF  }
0x2c: {  	[sflag:s0] =	ssyncadd.tile.s32 @!p0 $0x1;
	_ =	shalt  }
.Lfunc_end2:
_tile_overlayer_lowered:
.L_overlay_start_2:
0x2d: {  	(tag) =	ssettag $0x2  }
0x2e: {  	s0 =	rddreg [dreg:$0x0];
	s2 =	stileid.u32  }
0x2f: {  	s1 =	rddreg [dreg:$0x1];
	p0 =	sne.s32 s2, $0x0  }
0x30: {  	s3 =	rddreg [dreg:$0x2];
	[bflag:$0x3] =	sbarrier.arrive $0xFFFF;
	s2 =	simm.s32 @!p0 $0x1C02  }
0x31: {  	[timem:s3], [sflag:s2] =	dma.local @!p0 [hbm:s0], s1  }
0x32: {  	s0 =	simm.s32 @!p0 $0x2  }
0x33: {  	_ =	swait.ge @!p0 [sflag:s0], s1  }
0x34: {  	s1 =	ssub.s32 @!p0 $0x0, s1;
	[sflag:s0] =	ssyncset.done @!p0 $0x0  }
0x35: {  	[sflag:s0] =	ssyncadd.s32 @!p0 s1  }
0x36: {  	[bflag:$0x3] =	sbarrier.arrive $0xFFFF  }
0x37: {  	_ =	shalt  }

// kernel: kernel.20.cloned.1.call-start
scs
__scs_entry_jumppad:
0x0: {  	(pc) =	sbr.rel $0x88, $3  }
0x1: {  	(tag) =	ssettag $0x0;
	lr =	simm.s32 $0x1  }
0x2: {  	[smem:$0x3F8D] =	sst lr;
	_ =	strace $0xD0000000  }
0x3: {  	_ = 	snop  }
0x4: {  	_ = 	snop  }
0x5: {  	_ = 	snop  }
0x6: {  	_ = 	snop  }
0x7: {  	_ = 	snop  }
__scs_overlays_trampoline_lowered:
0x8: {  	[smem:$0x3F9C] =	sst s0  }
0x9: {  	[smem:$0x3F9D] =	sst s1  }
0xa: {  	[smem:$0x3F9E] =	sst s2  }
0xb: {  	[smem:$0x3F9F] =	sst s3  }
0xc: {  	[smem:$0x3FA0] =	sst s4  }
0xd: {  	[smem:$0x3FA1] =	sst s5  }
0xe: {  	[smem:$0x3FA2] =	sst s6  }
0xf: {  	[smem:$0x3FA3] =	sst s7  }
0x10: {  	[smem:$0x3FA4] =	sst s8  }
0x11: {  	[smem:$0x3FA5] =	sst s9;
	s0 =	simm.s32 @!p0 $0x0  }
0x12: {  	s1 =	sld [smem:$0x3F8B];
	s0 =	simm.s32 @p0 $0x1  }
0x13: {  	[smem:$0x3FA6] =	sst s0;
	s0 =	simm.s32 @!p1 $0x0  }
0x14: {  	s2 =	sld [smem:$0x3F8A];
	s0 =	simm.s32 @p1 $0x1  }
0x15: {  	[smem:$0x3FA7] =	sst s0;
	s0 =	simm.s32 @!p2 $0x0  }
0x16: {  	s3 =	sld [smem:$0x3FDB];
	s0 =	simm.s32 @p2 $0x1  }
0x17: {  	s4 =	simm.s32 $0x1BF5;
	[smem:$0x3FA9] =	sst s0  }
0x18: {  	s0 =	sld [smem:$0x3F8C];
	_ =	swait.ge [sflag:s4], $0x0  }
0x19: {  	s7 =	sld [smem:$0x3F8D]  }
0x1a: {  	s8 =	sadd.s32 $0xFFFFE003, lr  }
0x1b: {  	s9 =	sadd.s32 $0xFFFFFEF7, lr;
	s5 =	simm.s32 $0xFFFFFFFF;
	p2 =	slt.u32 s8, $0xFFFFF086  }
0x1c: {  	p1 =	slt.u32 s9, $0xF7A;
	s5 =	simm.s32 @!p2 $0x0  }
0x1d: {  	s5 =	simm.s32 @p1 $0x1;
	p0 =	seq.s32 s7, s2  }
0x1e: {  	s7 =	smul.u32 @!p0 $0xF7A, s2;
	p2 =	seq.s32 @!p0 s5, $0x0  }
0x1f: {  	s9 =	smul.u32 $0xF7A, s1;
	s8 =	simm.s32 @!p0 $0x1BF5;
	p2 =	por !p2, p0  }
0x20: {  	[sflag:s8] =	ssyncset.s32 @!p0 $0xFFFFF086;
	s6 =	sadd.s32 @!p0 s3, s7;
	s7 =	simm.s32 @!p0 $0x108  }
0x21: {  	s3 =	sadd.s32 s3, s9;
	s6 =	sadd.s32 @!p0 $0x88, s6;
	s7 =	simm.s32 @p2 $0x1082  }
0x22: {  	[simem:s7], [sflag:s8] =	dma.local @!p0 [hbm:s6], $0xF7A  }
0x23: {  	s9 =	sor.u32 $0xD0000000, s2;
	s6 =	simm.s32 $0x108;
	_ =	swait.ge @!p0 [sflag:s8], $0x0  }
0x24: {  	s3 =	sadd.s32 $0x88, s3;
	s6 =	simm.s32 @!p1 $0x1082;
	[sflag:s4] =	ssyncset.s32 $0xFFFFF086  }
0x25: {  	[simem:s6], [sflag:s4] =	dma.local [hbm:s3], $0xF7A  }
0x26: {  	[smem:$0x3F8D] =	sst s1;
	(tag) =	ssettag s2;
	_ =	strace s9  }
0x27: {  	s1 =	sld [smem:$0x3F9D]  }
0x28: {  	s2 =	sld [smem:$0x3F9E]  }
0x29: {  	s4 =	sld [smem:$0x3FA0]  }
0x2a: {  	p0 =	seq.s32 s5, $0x0;
	s5 =	sld [smem:$0x3FA1]  }
0x2b: {  	s6 =	sld [smem:$0x3FA2]  }
0x2c: {  	s7 =	sld [smem:$0x3FA3]  }
0x2d: {  	s3 =	simm.s32 $0x108;
	s8 =	sld [smem:$0x3FA4]  }
0x2e: {  	s3 =	simm.s32 @!p0 $0x1082;
	s9 =	sld [smem:$0x3FA5]  }
0x2f: {  	lr =	sadd.s32 s0, s3;
	s0 =	sld [smem:$0x3F9C]  }
0x30: {  	s3 =	sld [smem:$0x3F9F]  }
0x31: {  	[smem:$0x3FA8] =	sst s10  }
0x32: {  	s10 =	sld [smem:$0x3FA6];
	_ =	sdelay $0x3  }
0x33: {  	p0 =	seq.s32 s10, $0x1;
	s10 =	sld [smem:$0x3FA8];
	_ =	sdelay $0x3  }
0x34: {  	[smem:$0x3FA8] =	sst s10  }
0x35: {  	s10 =	sld [smem:$0x3FA7];
	_ =	sdelay $0x3  }
0x36: {  	p1 =	seq.s32 s10, $0x1;
	s10 =	sld [smem:$0x3FA8];
	_ =	sdelay $0x3  }
0x37: {  	[smem:$0x3FA8] =	sst s10  }
0x38: {  	s10 =	sld [smem:$0x3FA9]  }
0x39: {  	_ = 	snop;
	(pc) =	sbr.ind lr, $3  }
0x3a: {  	_ = 	snop  }
0x3b: {  	_ = 	snop  }
0x3c: {  	p2 =	seq.s32 s10, $0x1;
	s10 =	sld [smem:$0x3FA8]  }
0x3d: {  	_ =	shalt  }
0x3e: {  	_ =	shalt  }
0x3f: {  	_ =	shalt  }
0x40: {  	_ =	shalt  }
0x41: {  	_ =	shalt  }
0x42: {  	_ =	shalt  }
0x43: {  	_ =	shalt  }
0x44: {  	_ =	shalt  }
0x45: {  	_ =	shalt  }
0x46: {  	_ =	shalt  }
0x47: {  	_ =	shalt  }
0x48: {  	_ =	shalt  }
0x49: {  	_ =	shalt  }
0x4a: {  	_ =	shalt  }
0x4b: {  	_ =	shalt  }
0x4c: {  	_ =	shalt  }
0x4d: {  	_ =	shalt  }
0x4e: {  	_ =	shalt  }
0x4f: {  	_ =	shalt  }
0x50: {  	_ =	shalt  }
0x51: {  	_ =	shalt  }
0x52: {  	_ =	shalt  }
0x53: {  	_ =	shalt  }
0x54: {  	_ =	shalt  }
0x55: {  	_ =	shalt  }
0x56: {  	_ =	shalt  }
0x57: {  	_ =	shalt  }
0x58: {  	_ =	shalt  }
0x59: {  	_ =	shalt  }
0x5a: {  	_ =	shalt  }
0x5b: {  	_ =	shalt  }
0x5c: {  	_ =	shalt  }
0x5d: {  	_ =	shalt  }
0x5e: {  	_ =	shalt  }
0x5f: {  	_ =	shalt  }
0x60: {  	_ =	shalt  }
0x61: {  	_ =	shalt  }
0x62: {  	_ =	shalt  }
0x63: {  	_ =	shalt  }
0x64: {  	_ =	shalt  }
0x65: {  	_ =	shalt  }
0x66: {  	_ =	shalt  }
0x67: {  	_ =	shalt  }
0x68: {  	_ =	shalt  }
0x69: {  	_ =	shalt  }
0x6a: {  	_ =	shalt  }
0x6b: {  	_ =	shalt  }
0x6c: {  	_ =	shalt  }
0x6d: {  	_ =	shalt  }
0x6e: {  	_ =	shalt  }
0x6f: {  	_ =	shalt  }
0x70: {  	_ =	shalt  }
0x71: {  	_ =	shalt  }
0x72: {  	_ =	shalt  }
0x73: {  	_ =	shalt  }
0x74: {  	_ =	shalt  }
0x75: {  	_ =	shalt  }
0x76: {  	_ =	shalt  }
0x77: {  	_ =	shalt  }
0x78: {  	_ =	shalt  }
0x79: {  	_ =	shalt  }
0x7a: {  	_ =	shalt  }
0x7b: {  	_ =	shalt  }
0x7c: {  	_ =	shalt  }
0x7d: {  	_ =	shalt  }
0x7e: {  	_ =	shalt  }
0x7f: {  	_ =	shalt  }
0x80: {  	_ =	shalt  }
0x81: {  	_ =	shalt  }
0x82: {  	_ =	shalt  }
0x83: {  	_ =	shalt  }
0x84: {  	_ =	shalt  }
0x85: {  	_ =	shalt  }
0x86: {  	_ =	shalt  }
0x87: {  	_ =	shalt  }
.Lfunc_end0:
.L_simem_size_0:
called_computation.1_lowered:
.L_overlay_start_0:
0x88: {  	s2 =	sld [smem:$0x3FD9]  }
0x89: {  	s3 =	sld [smem:$0x3FFE];
	_ =	sdelay $0x1  }
0x8a: {  	s1 =	srdreg.scid  }
0x8b: {  	s0 =	sand.u32 $0x1, s1  }
0x8c: {  	s16 =	sshll.u32 s0, $0xA;
	s2 =	sadd.s32 s3, s2  }
0x8d: {  	s2 =	sadd.s32 s2, s16  }
0x8e: {  	[smem:$0x3FB4] =	sst s2  }
0x8f: {  	_ = 	snop  }
0x90: {  	(tm) =	ssettm $0x1  }
0x91: {  	s17 =	sld [smem:$0x3FFB];
	_ =	sdelay $0x3  }
0x92: {  	_ =	strace s17  }
0x93: {  	s2 =	sld [smem:$0x3FFC];
	_ =	sdelay $0x3  }
0x94: {  	_ =	strace s2  }
0x95: {  	s2 =	sld [smem:$0x3FFD];
	_ =	sdelay $0x3  }
0x96: {  	_ =	strace s2  }
0x97: {  	_ =	strace $0x8FFFFFFF  }
0x98: {  	s18 =	sld [smem:$0x3FDB];
	_ =	sdelay $0x1  }
0x99: {  	s19 =	simm.s32 $_scs_section_size  }
0x9a: {  	s4 =	simm.s32 $_size__tile_overlayer_lowered;
	s5 =	simm.s32 $_tile_overlayer_lowered  }
0x9b: {  	s22 =	simm.s32 $0x1BFF;
	s21 =	sshll.u32 s5, $0x1;
	s2 =	sadd.s32 s19, s18  }
0x9c: {  	s6 =	simm.s32 $0x0;
	s20 =	sshll.u32 s4, $0x1;
	s4 =	sadd.s32 s21, s2  }
0x9d: {  	[timem:s6], [sflag:s22] =	dma.local [hbm:s4], s20  }
0x9e: {  	_ =	swait.ge [sflag:s22], s20  }
0x9f: {  	s3 =	ssub.s32 $0x0, s20;
	[sflag:s22] =	ssyncset.done $0x0  }
0xa0: {  	[sflag:s22] =	ssyncadd.s32 s3;
	_ =	sdelay $0x1  }
0xa1: {  	s23 =	simm.s32 $0x1B8B  }
0xa2: {  	_ =	swait.ge [sflag:s23], $0x1  }
0xa3: {  	[sflag:s23] =	ssyncset.done $0x0  }
0xa4: {  	s25 =	simm.s32 $0x1B8E;
	s24 =	sld [smem:$0x3FFE];
	[sflag:s23] =	ssyncadd.s32 $0xFFFFFFFF  }
0xa5: {  	s26 =	simm.s32 $execute0_lowered;
	[smem:$0x3FD2] =	sst s25  }
0xa6: {  	s4 =	sshll.u32 s26, $0x1;
	_ =	strace $0x80000046;
	[dreg:$0x1] =	wrdreg $0xFFFFFFFF  }
0xa7: {  	s28 =	simm.s32 $_size_execute0_lowered;
	s2 =	sadd.s32 s2, s4;
	[dreg:$0x0] =	wrdreg $0x0  }
0xa8: {  	s4 =	sshll.u32 s28, $0x1;
	[dreg:$0x2] =	wrdreg s2  }
0xa9: {  	[dreg:$0x3] =	wrdreg s4  }
0xaa: {  	[dreg:$0x4] =	wrdreg $0xC0  }
0xab: {  	_ =	task [dreg:s6], $0x5FFFF  }
0xac: {  	[dreg:$0x1] =	wrdreg $0xFFFFFFFF  }
0xad: {  	[dreg:$0x0] =	wrdreg $0x60  }
0xae: {  	[dreg:$0x2] =	wrdreg s24  }
0xaf: {  	[dreg:$0x3] =	wrdreg $0xA  }
0xb0: {  	_ =	task.clear_ibuf [dreg:s6], $0x4FFFF;
	_ =	strace $0x90000046  }
0xb1: {  	s29 =	simm.s32 $0xA;
	_ =	strace $0x80000048  }
0xb2: {  	_ =	swait.ge [sflag:s29], $0x1  }
0xb3: {  	[sflag:s29] =	ssyncadd.s32 $0xFFFFFFFF  }
0xb4: {  	_ =	strace $0x90000048  }
0xb5: {  	_ =	sfence  }
0xb6: {  	s30 =	sld [smem:$0x0];
	_ =	sdelay $0x2  }
0xb7: {  	s31 =	sshll.u32 s1, $0xD;
	s1 =	sshrl.u32 s1, $0x2  }
0xb8: {  	s3 =	sand.u32 $0x4000, s31;
	s1 =	sadd.s32 s1, s30  }
0xb9: {  	s0 =	sor.u32 s3, s0;
	s1 =	sshll.u32 s1, $0x11  }
0xba: {  	s0 =	sor.u32 s1, s0  }
0xbb: {  	s0 =	sadd.s32 $0x8F2B, s0  }
0xbc: {  	[sflag:s0] =	ssyncadd.remote.s32 $0x1  }
0xbd: {  	_ =	sfence.sel $0xFFFF  }
0xbe: {  	[dreg:$0x0] =	wrdreg $0xFFFFFFFF;
	(pc) =	sbr.abs _section_cstart, $3  }
0xbf: {  	[dreg:$0x1] =	wrdreg $0xFFFFFFFF  }
0xc0: {  	_ =	task.clear_ibuf [dreg:s6], $0x2FFFF;
	_ =	strace $0x9FFFFFFF  }
0xc1: {  	(tm) =	ssettm $0x7FFFFFFF  }
tec
execute0_lowered:
.L_overlay_start_1:
0x0: {  	(tag) =	ssettag $0x1  }
0x1: {  	s1 =	srdreg.scid;
	s0 =	stileid.u32  }
0x2: {  	s8 =	sand.u32 $0x1, s1;
	s31 =	sshll.u32 s0, $0x1  }
0x3: {  	s1 =	sor.u32 s8, s31  }
0x4: {  	s11 =	rddreg [dreg:$0x0];
	s2 =	simm.s32 $0x0;
	s3 =	smul.u32 $0x139, s1  }
0x5: {  	[smem:$0x7FF] =	sst s2  }
0x6: {  	s1 =	rddreg [dreg:$0x1];
	s5 =	sadd.s32 s3, s11  }
0x7: {  	_ =	strace $0x80000047;
	s3 =	simm.s32 $0x2;
	s4 =	sadd.s32 $0x8200, s5  }
0x8: {  	[tilespmem:s2], [sflag:$0x2] =	stream.linear.gather [hbm4b:s4+s2], $0x9C8, $0x38;
	[tilespmem:$0xAFD0] =	vst v63  }
0x9: {  	_ =	swait.ge [sflag:s3], $0x9C8  }
0xa: {  	s6 =	simm.s32 $0x9C8;
	s9 =	simm.s32 $0x1390;
	[sflag:s3] =	ssyncset.done $0x0  }
0xb: {  	s12 =	ssub.s32 $0x2, s8;
	s5 =	sadd.s32 $0x5A00, s5;
	[sflag:s3] =	ssyncadd.s32 $0xFFFFF638  }
0xc: {  	[tilespmem:s6], [sflag:$0x2] =	stream.linear.gather [hbm4b:s5+s2], $0x9C8, $0x38;
	[tilespmem:$0xAFD0] =	vst v63  }
0xd: {  	s10 =	simm.s32 $0x1;
	s13 =	sshrl.u32 s12, $0x1;
	_ =	swait.ge [sflag:s3], $0x9C8  }
0xe: {  	s7 =	sadd.s32 $0xAA00, s11;
	s12 =	ssub.s32 s12, s13;
	[sflag:s3] =	ssyncset.done $0x0  }
0xf: {  	s8 =	simm.s32 $0x9C4;
	s12 =	smax.u32 s12, $0x1;
	[sflag:s3] =	ssyncadd.s32 $0xFFFFF638  }
0x10: {  	[tilespmem:s9], [sflag:$0x1] =	stream.indirect.gather [hbm4b:s7+s8], $0x10, s2, s8, $0xb8;
	[tilespmem:$0xAFD0] =	vst v63  }
0x11: {  	p0 =	sne.s32 s12, $0x1;
	_ =	swait.ge [sflag:s10], $0x9C40  }
.Ltmp0:
0x12: {  	[sflag:s10] =	ssyncset.done $0x0;
	(pc) =	sbr.rel @!p0 .LBB2_2-.Ltmp0, $4  }
0x13: {  	s11 =	sadd.s32 $0xFA00, s11;
	[sflag:s10] =	ssyncadd.s32 $0xFFFF63C0  }
0x14: {  	[hbm4b:s11+s8] =	stream.indirect.scatter [tilespmem:s9], [sflag:$0x2], $0x10, s6, s8, $0xb8;
	[tilespmem:$0xAFD0] =	vst v63  }
0x15: {  	_ =	swait.ge [sflag:s3], $0x9C40  }
0x16: {  	s12 =	sadd.s32 $0xFFFFFFFF, s12;
	[sflag:s3] =	ssyncset.done $0x0  }
.LBB2_1:
0x17: {  	p0 =	sne.s32 s12, $0x1;
	s12 =	sadd.s32 $0xFFFFFFFF, s12;
	[sflag:s3] =	ssyncadd.s32 $0xFFFF63C0  }
0x18: {  	[tilespmem:s2], [sflag:$0x2] =	stream.linear.gather [hbm4b:s4+s2], $0x9C8, $0x38;
	[tilespmem:$0xAFD0] =	vst v63  }
0x19: {  	_ =	swait.ge [sflag:s3], $0x9C8  }
0x1a: {  	[sflag:s3] =	ssyncset.done $0x0  }
0x1b: {  	[sflag:s3] =	ssyncadd.s32 $0xFFFFF638  }
0x1c: {  	[tilespmem:s6], [sflag:$0x2] =	stream.linear.gather [hbm4b:s5+s2], $0x9C8, $0x38;
	[tilespmem:$0xAFD0] =	vst v63  }
0x1d: {  	_ =	swait.ge [sflag:s3], $0x9C8  }
0x1e: {  	[sflag:s3] =	ssyncset.done $0x0  }
0x1f: {  	[sflag:s3] =	ssyncadd.s32 $0xFFFFF638  }
0x20: {  	[tilespmem:s9], [sflag:$0x1] =	stream.indirect.gather [hbm4b:s7+s8], $0x10, s2, s8, $0xb8;
	[tilespmem:$0xAFD0] =	vst v63  }
0x21: {  	_ =	swait.ge [sflag:s10], $0x9C40  }
.Ltmp1:
0x22: {  	[sflag:s10] =	ssyncset.done $0x0;
	(pc) =	sbr.rel @p0 .LBB2_1-.Ltmp1, $4  }
0x23: {  	[sflag:s10] =	ssyncadd.s32 $0xFFFF63C0  }
0x24: {  	[hbm4b:s11+s8] =	stream.indirect.scatter [tilespmem:s9], [sflag:$0x2], $0x10, s6, s8, $0xb8;
	[tilespmem:$0xAFD0] =	vst v63  }
0x25: {  	_ =	swait.ge [sflag:s3], $0x9C40  }
0x26: {  	[sflag:s3] =	ssyncset.done $0x0  }
.LBB2_2:
0x27: {  	[sflag:s3] =	ssyncadd.s32 $0xFFFF63C0  }
0x28: {  	_ =	sfence.sel $0x180000  }
0x29: {  	[bflag:$0x0] =	sbarrier.arrive $0xFFFF  }
0x2a: {  	p0 =	sne.s32 s0, $0x0;
	_ =	strace $0x90000047  }
0x2b: {  	s0 =	sadd.s32 @!p0 $0x100000, s1;
	[bflag:$0x2] =	sbarrier.arrive $0xFFFF  }
0x2c: {  	[sflag:s0] =	ssyncadd.tile.s32 @!p0 $0x1;
	_ =	shalt  }
.Lfunc_end2:
_tile_overlayer_lowered:
.L_overlay_start_2:
0x2d: {  	(tag) =	ssettag $0x2  }
0x2e: {  	s0 =	rddreg [dreg:$0x0];
	s2 =	stileid.u32  }
0x2f: {  	s1 =	rddreg [dreg:$0x1];
	p0 =	sne.s32 s2, $0x0  }
0x30: {  	s3 =	rddreg [dreg:$0x2];
	[bflag:$0x3] =	sbarrier.arrive $0xFFFF;
	s2 =	simm.s32 @!p0 $0x1C02  }
0x31: {  	[timem:s3], [sflag:s2] =	dma.local @!p0 [hbm:s0], s1  }
0x32: {  	s0 =	simm.s32 @!p0 $0x2  }
0x33: {  	_ =	swait.ge @!p0 [sflag:s0], s1  }
0x34: {  	s1 =	ssub.s32 @!p0 $0x0, s1;
	[sflag:s0] =	ssyncset.done @!p0 $0x0  }
0x35: {  	[sflag:s0] =	ssyncadd.s32 @!p0 s1  }
0x36: {  	[bflag:$0x3] =	sbarrier.arrive $0xFFFF  }
0x37: {  	_ =	shalt  }

// kernel: kernel.23.cloned.1.call-start
scs
__scs_entry_jumppad:
0x0: {  	(pc) =	sbr.rel $0x88, $3  }
0x1: {  	(tag) =	ssettag $0x0;
	lr =	simm.s32 $0x1  }
0x2: {  	[smem:$0x3F8D] =	sst lr;
	_ =	strace $0xD0000000  }
0x3: {  	_ = 	snop  }
0x4: {  	_ = 	snop  }
0x5: {  	_ = 	snop  }
0x6: {  	_ = 	snop  }
0x7: {  	_ = 	snop  }
__scs_overlays_trampoline_lowered:
0x8: {  	[smem:$0x3F9C] =	sst s0  }
0x9: {  	[smem:$0x3F9D] =	sst s1  }
0xa: {  	[smem:$0x3F9E] =	sst s2  }
0xb: {  	[smem:$0x3F9F] =	sst s3  }
0xc: {  	[smem:$0x3FA0] =	sst s4  }
0xd: {  	[smem:$0x3FA1] =	sst s5  }
0xe: {  	[smem:$0x3FA2] =	sst s6  }
0xf: {  	[smem:$0x3FA3] =	sst s7  }
0x10: {  	[smem:$0x3FA4] =	sst s8  }
0x11: {  	[smem:$0x3FA5] =	sst s9;
	s0 =	simm.s32 @!p0 $0x0  }
0x12: {  	s1 =	sld [smem:$0x3F8B];
	s0 =	simm.s32 @p0 $0x1  }
0x13: {  	[smem:$0x3FA6] =	sst s0;
	s0 =	simm.s32 @!p1 $0x0  }
0x14: {  	s2 =	sld [smem:$0x3F8A];
	s0 =	simm.s32 @p1 $0x1  }
0x15: {  	[smem:$0x3FA7] =	sst s0;
	s0 =	simm.s32 @!p2 $0x0  }
0x16: {  	s3 =	sld [smem:$0x3FDB];
	s0 =	simm.s32 @p2 $0x1  }
0x17: {  	s4 =	simm.s32 $0x1BF5;
	[smem:$0x3FA9] =	sst s0  }
0x18: {  	s0 =	sld [smem:$0x3F8C];
	_ =	swait.ge [sflag:s4], $0x0  }
0x19: {  	s7 =	sld [smem:$0x3F8D]  }
0x1a: {  	s8 =	sadd.s32 $0xFFFFE003, lr  }
0x1b: {  	s9 =	sadd.s32 $0xFFFFFEF7, lr;
	s5 =	simm.s32 $0xFFFFFFFF;
	p2 =	slt.u32 s8, $0xFFFFF086  }
0x1c: {  	p1 =	slt.u32 s9, $0xF7A;
	s5 =	simm.s32 @!p2 $0x0  }
0x1d: {  	s5 =	simm.s32 @p1 $0x1;
	p0 =	seq.s32 s7, s2  }
0x1e: {  	s7 =	smul.u32 @!p0 $0xF7A, s2;
	p2 =	seq.s32 @!p0 s5, $0x0  }
0x1f: {  	s9 =	smul.u32 $0xF7A, s1;
	s8 =	simm.s32 @!p0 $0x1BF5;
	p2 =	por !p2, p0  }
0x20: {  	[sflag:s8] =	ssyncset.s32 @!p0 $0xFFFFF086;
	s6 =	sadd.s32 @!p0 s3, s7;
	s7 =	simm.s32 @!p0 $0x108  }
0x21: {  	s3 =	sadd.s32 s3, s9;
	s6 =	sadd.s32 @!p0 $0x88, s6;
	s7 =	simm.s32 @p2 $0x1082  }
0x22: {  	[simem:s7], [sflag:s8] =	dma.local @!p0 [hbm:s6], $0xF7A  }
0x23: {  	s9 =	sor.u32 $0xD0000000, s2;
	s6 =	simm.s32 $0x108;
	_ =	swait.ge @!p0 [sflag:s8], $0x0  }
0x24: {  	s3 =	sadd.s32 $0x88, s3;
	s6 =	simm.s32 @!p1 $0x1082;
	[sflag:s4] =	ssyncset.s32 $0xFFFFF086  }
0x25: {  	[simem:s6], [sflag:s4] =	dma.local [hbm:s3], $0xF7A  }
0x26: {  	[smem:$0x3F8D] =	sst s1;
	(tag) =	ssettag s2;
	_ =	strace s9  }
0x27: {  	s1 =	sld [smem:$0x3F9D]  }
0x28: {  	s2 =	sld [smem:$0x3F9E]  }
0x29: {  	s4 =	sld [smem:$0x3FA0]  }
0x2a: {  	p0 =	seq.s32 s5, $0x0;
	s5 =	sld [smem:$0x3FA1]  }
0x2b: {  	s6 =	sld [smem:$0x3FA2]  }
0x2c: {  	s7 =	sld [smem:$0x3FA3]  }
0x2d: {  	s3 =	simm.s32 $0x108;
	s8 =	sld [smem:$0x3FA4]  }
0x2e: {  	s3 =	simm.s32 @!p0 $0x1082;
	s9 =	sld [smem:$0x3FA5]  }
0x2f: {  	lr =	sadd.s32 s0, s3;
	s0 =	sld [smem:$0x3F9C]  }
0x30: {  	s3 =	sld [smem:$0x3F9F]  }
0x31: {  	[smem:$0x3FA8] =	sst s10  }
0x32: {  	s10 =	sld [smem:$0x3FA6];
	_ =	sdelay $0x3  }
0x33: {  	p0 =	seq.s32 s10, $0x1;
	s10 =	sld [smem:$0x3FA8];
	_ =	sdelay $0x3  }
0x34: {  	[smem:$0x3FA8] =	sst s10  }
0x35: {  	s10 =	sld [smem:$0x3FA7];
	_ =	sdelay $0x3  }
0x36: {  	p1 =	seq.s32 s10, $0x1;
	s10 =	sld [smem:$0x3FA8];
	_ =	sdelay $0x3  }
0x37: {  	[smem:$0x3FA8] =	sst s10  }
0x38: {  	s10 =	sld [smem:$0x3FA9]  }
0x39: {  	_ = 	snop;
	(pc) =	sbr.ind lr, $3  }
0x3a: {  	_ = 	snop  }
0x3b: {  	_ = 	snop  }
0x3c: {  	p2 =	seq.s32 s10, $0x1;
	s10 =	sld [smem:$0x3FA8]  }
0x3d: {  	_ =	shalt  }
0x3e: {  	_ =	shalt  }
0x3f: {  	_ =	shalt  }
0x40: {  	_ =	shalt  }
0x41: {  	_ =	shalt  }
0x42: {  	_ =	shalt  }
0x43: {  	_ =	shalt  }
0x44: {  	_ =	shalt  }
0x45: {  	_ =	shalt  }
0x46: {  	_ =	shalt  }
0x47: {  	_ =	shalt  }
0x48: {  	_ =	shalt  }
0x49: {  	_ =	shalt  }
0x4a: {  	_ =	shalt  }
0x4b: {  	_ =	shalt  }
0x4c: {  	_ =	shalt  }
0x4d: {  	_ =	shalt  }
0x4e: {  	_ =	shalt  }
0x4f: {  	_ =	shalt  }
0x50: {  	_ =	shalt  }
0x51: {  	_ =	shalt  }
0x52: {  	_ =	shalt  }
0x53: {  	_ =	shalt  }
0x54: {  	_ =	shalt  }
0x55: {  	_ =	shalt  }
0x56: {  	_ =	shalt  }
0x57: {  	_ =	shalt  }
0x58: {  	_ =	shalt  }
0x59: {  	_ =	shalt  }
0x5a: {  	_ =	shalt  }
0x5b: {  	_ =	shalt  }
0x5c: {  	_ =	shalt  }
0x5d: {  	_ =	shalt  }
0x5e: {  	_ =	shalt  }
0x5f: {  	_ =	shalt  }
0x60: {  	_ =	shalt  }
0x61: {  	_ =	shalt  }
0x62: {  	_ =	shalt  }
0x63: {  	_ =	shalt  }
0x64: {  	_ =	shalt  }
0x65: {  	_ =	shalt  }
0x66: {  	_ =	shalt  }
0x67: {  	_ =	shalt  }
0x68: {  	_ =	shalt  }
0x69: {  	_ =	shalt  }
0x6a: {  	_ =	shalt  }
0x6b: {  	_ =	shalt  }
0x6c: {  	_ =	shalt  }
0x6d: {  	_ =	shalt  }
0x6e: {  	_ =	shalt  }
0x6f: {  	_ =	shalt  }
0x70: {  	_ =	shalt  }
0x71: {  	_ =	shalt  }
0x72: {  	_ =	shalt  }
0x73: {  	_ =	shalt  }
0x74: {  	_ =	shalt  }
0x75: {  	_ =	shalt  }
0x76: {  	_ =	shalt  }
0x77: {  	_ =	shalt  }
0x78: {  	_ =	shalt  }
0x79: {  	_ =	shalt  }
0x7a: {  	_ =	shalt  }
0x7b: {  	_ =	shalt  }
0x7c: {  	_ =	shalt  }
0x7d: {  	_ =	shalt  }
0x7e: {  	_ =	shalt  }
0x7f: {  	_ =	shalt  }
0x80: {  	_ =	shalt  }
0x81: {  	_ =	shalt  }
0x82: {  	_ =	shalt  }
0x83: {  	_ =	shalt  }
0x84: {  	_ =	shalt  }
0x85: {  	_ =	shalt  }
0x86: {  	_ =	shalt  }
0x87: {  	_ =	shalt  }
.Lfunc_end0:
.L_simem_size_0:
called_computation.2_lowered:
.L_overlay_start_0:
0x88: {  	s2 =	sld [smem:$0x3FD9]  }
0x89: {  	s3 =	sld [smem:$0x3FFE];
	_ =	sdelay $0x1  }
0x8a: {  	s1 =	srdreg.scid  }
0x8b: {  	s0 =	sand.u32 $0x1, s1  }
0x8c: {  	s17 =	sshll.u32 s0, $0xA;
	s2 =	sadd.s32 s3, s2  }
0x8d: {  	s2 =	sadd.s32 s2, s17  }
0x8e: {  	[smem:$0x3FB4] =	sst s2  }
0x8f: {  	_ = 	snop  }
0x90: {  	(tm) =	ssettm $0x1  }
0x91: {  	s18 =	sld [smem:$0x3FFB];
	_ =	sdelay $0x3  }
0x92: {  	_ =	strace s18  }
0x93: {  	s2 =	sld [smem:$0x3FFC];
	_ =	sdelay $0x3  }
0x94: {  	_ =	strace s2  }
0x95: {  	s2 =	sld [smem:$0x3FFD];
	_ =	sdelay $0x3  }
0x96: {  	_ =	strace s2  }
0x97: {  	_ =	strace $0x8FFFFFFF  }
0x98: {  	s19 =	sld [smem:$0x3FDB];
	_ =	sdelay $0x1  }
0x99: {  	s20 =	simm.s32 $_scs_section_size  }
0x9a: {  	s4 =	simm.s32 $_size__tile_overlayer_lowered;
	s5 =	simm.s32 $_tile_overlayer_lowered  }
0x9b: {  	s6 =	simm.s32 $0x1BFF;
	s21 =	sshll.u32 s5, $0x1;
	s3 =	sadd.s32 s20, s19  }
0x9c: {  	s22 =	simm.s32 $0x0;
	s4 =	sshll.u32 s4, $0x1;
	s5 =	sadd.s32 s21, s3  }
0x9d: {  	[timem:s22], [sflag:s6] =	dma.local [hbm:s5], s4  }
0x9e: {  	_ =	swait.ge [sflag:s6], s4  }
0x9f: {  	s4 =	ssub.s32 $0x0, s4;
	[sflag:s6] =	ssyncset.done $0x0  }
0xa0: {  	[sflag:s6] =	ssyncadd.s32 s4;
	_ =	sdelay $0x1  }
0xa1: {  	s23 =	simm.s32 $0x1B8B  }
0xa2: {  	_ =	swait.ge [sflag:s23], $0x1  }
0xa3: {  	[sflag:s23] =	ssyncset.done $0x0  }
0xa4: {  	[sflag:s23] =	ssyncadd.s32 $0xFFFFFFFF  }
0xa5: {  	s4 =	sld [smem:$0x0]  }
0xa6: {  	s5 =	sand.u32 $0xFFFFFFFE, s1  }
0xa7: {  	p0 =	sne.s32 s1, s5  }
0xa8: {  	s5 =	sshll.u32 @p0 s5, $0xE  }
0xa9: {  	s5 =	sadd.s32 @p0 $0x11B8D, s5;
	s6 =	sshll.u32 @p0 s4, $0x11  }
0xaa: {  	s5 =	sor.u32 @p0 s6, s5  }
0xab: {  	[sflag:s5] =	ssyncadd.remote.s32 @p0 $0x1;
	_ =	sdelay $0x1  }
0xac: {  	s5 =	simm.s32 @p0 $0x1B8D  }
0xad: {  	_ =	swait.eq @p0 [sflag:s5], $0x1  }
0xae: {  	[sflag:s5] =	ssyncadd.s32 @p0 $0xFFFFFFFF  }
0xaf: {  	s6 =	sshll.u32 @!p0 s1, $0xE  }
0xb0: {  	s6 =	sor.u32 @!p0 $0x4000, s6;
	s5 =	simm.s32 @!p0 $0x1B8D  }
0xb1: {  	s4 =	sshll.u32 @!p0 s4, $0x11;
	s6 =	sadd.s32 @!p0 $0x11B8D, s6;
	_ =	swait.eq @!p0 [sflag:s5], $0x1  }
0xb2: {  	s4 =	sor.u32 @!p0 s4, s6;
	[sflag:s5] =	ssyncadd.s32 @!p0 $0xFFFFFFFF  }
0xb3: {  	s25 =	simm.s32 $0x1B8E;
	s24 =	sld [smem:$0x3FFE];
	[sflag:s4] =	ssyncadd.remote.s32 @!p0 $0x1  }
0xb4: {  	s26 =	simm.s32 $execute0_lowered;
	[smem:$0x3FD2] =	sst s25  }
0xb5: {  	s5 =	sshll.u32 s26, $0x1;
	_ =	strace $0x8000004F;
	[dreg:$0x1] =	wrdreg $0xFFFFFFFF  }
0xb6: {  	s28 =	simm.s32 $_size_execute0_lowered;
	s3 =	sadd.s32 s3, s5;
	[dreg:$0x0] =	wrdreg $0x0  }
0xb7: {  	s5 =	sshll.u32 s28, $0x1;
	[dreg:$0x2] =	wrdreg s3  }
0xb8: {  	[dreg:$0x3] =	wrdreg s5  }
0xb9: {  	[dreg:$0x4] =	wrdreg $0xC0  }
0xba: {  	_ =	task [dreg:s22], $0x5FFFF  }
0xbb: {  	[dreg:$0x1] =	wrdreg $0xFFFFFFFF  }
0xbc: {  	[dreg:$0x0] =	wrdreg $0x60  }
0xbd: {  	[dreg:$0x2] =	wrdreg s24  }
0xbe: {  	[dreg:$0x3] =	wrdreg $0xAFD00  }
0xbf: {  	[dreg:$0x4] =	wrdreg $0x9  }
0xc0: {  	_ =	task.clear_ibuf [dreg:s22], $0x5FFFF;
	_ =	strace $0x9000004F  }
0xc1: {  	s29 =	simm.s32 $0x9;
	_ =	strace $0x80000051  }
0xc2: {  	_ =	swait.ge [sflag:s29], $0x1  }
0xc3: {  	[sflag:s29] =	ssyncadd.s32 $0xFFFFFFFF  }
0xc4: {  	_ =	strace $0x90000051  }
0xc5: {  	_ =	sfence  }
0xc6: {  	s30 =	sld [smem:$0x0];
	_ =	sdelay $0x2  }
0xc7: {  	s31 =	sshll.u32 s1, $0xD;
	s1 =	sshrl.u32 s1, $0x2  }
0xc8: {  	s4 =	sand.u32 $0x4000, s31;
	s1 =	sadd.s32 s1, s30  }
0xc9: {  	s0 =	sor.u32 s4, s0;
	s1 =	sshll.u32 s1, $0x11  }
0xca: {  	s0 =	sor.u32 s1, s0  }
0xcb: {  	s0 =	sadd.s32 $0x8F2B, s0  }
0xcc: {  	[sflag:s0] =	ssyncadd.remote.s32 $0x1  }
0xcd: {  	_ =	sfence.sel $0xFFFF  }
0xce: {  	[dreg:$0x0] =	wrdreg $0xFFFFFFFF;
	(pc) =	sbr.abs _section_cstart, $3  }
0xcf: {  	[dreg:$0x1] =	wrdreg $0xFFFFFFFF  }
0xd0: {  	_ =	task.clear_ibuf [dreg:s22], $0x2FFFF;
	_ =	strace $0x9FFFFFFF  }
0xd1: {  	(tm) =	ssettm $0x7FFFFFFF  }
tec
execute0_lowered:
.L_overlay_start_1:
0x0: {  	(tag) =	ssettag $0x1  }
0x1: {  	s15 =	rddreg [dreg:$0x0]  }
0x2: {  	s2 =	rddreg [dreg:$0x1];
	s1 =	stileid.u32  }
0x3: {  	s0 =	rddreg [dreg:$0x2];
	s3 =	simm.s32 $0x0;
	s4 =	srdreg.scid  }
0x4: {  	s16 =	smul.u32 $0x2710, s1;
	[smem:$0x7FF] =	sst s3  }
0x5: {  	s17 =	sand.u32 $0x1, s4;
	s26 =	sshll.u32 s1, $0x1;
	s29 =	sshll.u32 s1, $0x6  }
0x6: {  	_ =	strace $0x80000050;
	s8 =	sor.u32 s17, s26;
	s5 =	sshrl.u32 s16, $0x3  }
0x7: {  	s6 =	sadd.s32 s16, s2;
	s28 =	sadd.s32 s5, s15;
	s5 =	sor.u32 $0x1C02, s29  }
0x8: {  	s7 =	sshrl.u32 s6, $0x3;
	s6 =	simm.s32 $0x2;
	s4 =	sadd.s32 $0x2D3E00, s28  }
0x9: {  	[spmem:s7], [sflag:s5] =	dma.local [hbm:s4], $0x4E2  }
0xa: {  	s8 =	smul.u32 $0x139, s8;
	_ =	swait.ge [sflag:s6], $0x4E2  }
0xb: {  	[sflag:s6] =	ssyncset.done $0x0  }
0xc: {  	s9 =	sadd.s32 s8, s15;
	[sflag:s6] =	ssyncadd.s32 $0xFFFFFB1E  }
0xd: {  	s8 =	sadd.s32 $0x2E2C00, s9;
	[bflag:$0x0] =	sbarrier.arrive $0xFFFF  }
0xe: {  	[tilespmem:s3], [sflag:$0x2] =	stream.linear.gather [hbm4b:s8+s3], $0x9C8, $0x38;
	[tilespmem:$0xD6E0] =	vst v63  }
0xf: {  	_ =	swait.ge [sflag:s6], $0x9C8  }
0x10: {  	[sflag:s6] =	ssyncset.done $0x0  }
0x11: {  	s10 =	simm.s32 $0x9C8;
	s9 =	sadd.s32 $0x5A00, s9;
	[sflag:s6] =	ssyncadd.s32 $0xFFFFF638  }
0x12: {  	[tilespmem:s10], [sflag:$0x2] =	stream.linear.gather [hbm4b:s9+s3], $0x9C8, $0x38;
	[tilespmem:$0xD6E0] =	vst v63  }
0x13: {  	s12 =	simm.s32 $0x9C4;
	_ =	swait.ge [sflag:s6], $0x9C8  }
0x14: {  	s13 =	simm.s32 $0x1390;
	s14 =	simm.s32 $0x1;
	[sflag:s6] =	ssyncset.done $0x0  }
0x15: {  	s11 =	sadd.s32 $0x39400, s15;
	s18 =	smul.u32 $0x27100, s17;
	[sflag:s6] =	ssyncadd.s32 $0xFFFFF638  }
0x16: {  	[tilespmem:s13], [sflag:$0x1] =	stream.indirect.gather [hbm4b:s11+s12], $0x10, s10, s12, $0xb8;
	[tilespmem:$0xD6E0] =	vst v63  }
0x17: {  	s17 =	ssub.s32 $0x2, s17;
	_ =	swait.ge [sflag:s14], $0x9C40  }
0x18: {  	s30 =	sshrl.u32 s17, $0x1;
	s16 =	sadd.s32 s16, s18;
	[sflag:s14] =	ssyncset.done $0x0  }
0x19: {  	s31 =	ssub.s32 s17, s30;
	s16 =	sshrl.u32 s16, $0x3;
	[sflag:s14] =	ssyncadd.s32 $0xFFFF63C0  }
0x1a: {  	[spmem:s2] =	stream.indirect.scatter.add.f32 [tilespmem:s13], [sflag:$0x2], $0x10, s3, s12, $0xb8;
	[tilespmem:$0xD6E0] =	vst v63  }
0x1b: {  	s15 =	sadd.s32 s16, s15;
	s16 =	smax.u32 s31, $0x1;
	_ =	swait.ge [sflag:s6], $0x9C40  }
0x1c: {  	p0 =	sne.s32 s16, $0x1;
	[sflag:s6] =	ssyncset.done $0x0  }
.Ltmp0:
0x1d: {  	[sflag:s6] =	ssyncadd.s32 $0xFFFF63C0;
	(pc) =	sbr.rel @!p0 .LBB2_2-.Ltmp0, $4  }
0x1e: {  	s15 =	sadd.s32 $0x2E5400, s15;
	[bflag:$0x0] =	sbarrier.arrive $0xFFFF  }
0x1f: {  	[hbm:s15], [sflag:s5] =	dma.local [spmem:s7], $0x4E2  }
0x20: {  	_ =	swait.ge [sflag:s6], $0x4E2  }
0x21: {  	s16 =	sadd.s32 $0xFFFFFFFF, s16;
	[sflag:s6] =	ssyncset.done $0x0  }
.LBB2_1:
0x22: {  	p0 =	sne.s32 s16, $0x1;
	s16 =	sadd.s32 $0xFFFFFFFF, s16;
	[sflag:s6] =	ssyncadd.s32 $0xFFFFFB1E  }
0x23: {  	[spmem:s7], [sflag:s5] =	dma.local [hbm:s4], $0x4E2  }
0x24: {  	_ =	swait.ge [sflag:s6], $0x4E2  }
0x25: {  	[sflag:s6] =	ssyncset.done $0x0  }
0x26: {  	[sflag:s6] =	ssyncadd.s32 $0xFFFFFB1E  }
0x27: {  	[bflag:$0x0] =	sbarrier.arrive $0xFFFF  }
0x28: {  	[tilespmem:s3], [sflag:$0x2] =	stream.linear.gather [hbm4b:s8+s3], $0x9C8, $0x38;
	[tilespmem:$0xD6E0] =	vst v63  }
0x29: {  	_ =	swait.ge [sflag:s6], $0x9C8  }
0x2a: {  	[sflag:s6] =	ssyncset.done $0x0  }
0x2b: {  	[sflag:s6] =	ssyncadd.s32 $0xFFFFF638  }
0x2c: {  	[tilespmem:s10], [sflag:$0x2] =	stream.linear.gather [hbm4b:s9+s3], $0x9C8, $0x38;
	[tilespmem:$0xD6E0] =	vst v63  }
0x2d: {  	_ =	swait.ge [sflag:s6], $0x9C8  }
0x2e: {  	[sflag:s6] =	ssyncset.done $0x0  }
0x2f: {  	[sflag:s6] =	ssyncadd.s32 $0xFFFFF638  }
0x30: {  	[tilespmem:s13], [sflag:$0x1] =	stream.indirect.gather [hbm4b:s11+s12], $0x10, s10, s12, $0xb8;
	[tilespmem:$0xD6E0] =	vst v63  }
0x31: {  	_ =	swait.ge [sflag:s14], $0x9C40  }
0x32: {  	[sflag:s14] =	ssyncset.done $0x0  }
0x33: {  	[sflag:s14] =	ssyncadd.s32 $0xFFFF63C0  }
0x34: {  	[spmem:s2] =	stream.indirect.scatter.add.f32 [tilespmem:s13], [sflag:$0x2], $0x10, s3, s12, $0xb8;
	[tilespmem:$0xD6E0] =	vst v63  }
0x35: {  	_ =	swait.ge [sflag:s6], $0x9C40  }
0x36: {  	[sflag:s6] =	ssyncset.done $0x0  }
.Ltmp1:
0x37: {  	[sflag:s6] =	ssyncadd.s32 $0xFFFF63C0;
	(pc) =	sbr.rel @p0 .LBB2_1-.Ltmp1, $4  }
0x38: {  	[bflag:$0x0] =	sbarrier.arrive $0xFFFF  }
0x39: {  	[hbm:s15], [sflag:s5] =	dma.local [spmem:s7], $0x4E2  }
0x3a: {  	_ =	swait.ge [sflag:s6], $0x4E2  }
0x3b: {  	[sflag:s6] =	ssyncset.done $0x0  }
.LBB2_2:
0x3c: {  	[sflag:s6] =	ssyncadd.s32 $0xFFFFFB1E  }
0x3d: {  	_ =	sfence.sel $0x180000  }
0x3e: {  	[bflag:$0x0] =	sbarrier.arrive $0xFFFF  }
0x3f: {  	p0 =	sne.s32 s1, $0x0;
	_ =	strace $0x90000050  }
0x40: {  	s0 =	sadd.s32 @!p0 $0x100000, s0;
	[bflag:$0x2] =	sbarrier.arrive $0xFFFF  }
0x41: {  	[sflag:s0] =	ssyncadd.tile.s32 @!p0 $0x1;
	_ =	shalt  }
.Lfunc_end2:
_tile_overlayer_lowered:
.L_overlay_start_2:
0x42: {  	(tag) =	ssettag $0x2  }
0x43: {  	s0 =	rddreg [dreg:$0x0];
	s2 =	stileid.u32  }
0x44: {  	s1 =	rddreg [dreg:$0x1];
	p0 =	sne.s32 s2, $0x0  }
0x45: {  	s3 =	rddreg [dreg:$0x2];
	[bflag:$0x3] =	sbarrier.arrive $0xFFFF;
	s2 =	simm.s32 @!p0 $0x1C02  }
0x46: {  	[timem:s3], [sflag:s2] =	dma.local @!p0 [hbm:s0], s1  }
0x47: {  	s0 =	simm.s32 @!p0 $0x2  }
0x48: {  	_ =	swait.ge @!p0 [sflag:s0], s1  }
0x49: {  	s1 =	ssub.s32 @!p0 $0x0, s1;
	[sflag:s0] =	ssyncset.done @!p0 $0x0  }
0x4a: {  	[sflag:s0] =	ssyncadd.s32 @!p0 s1  }
0x4b: {  	[bflag:$0x3] =	sbarrier.arrive $0xFFFF  }
0x4c: {  	_ =	shalt  }

// kernel: kernel.26.cloned.1.call-start
scs
__scs_entry_jumppad:
0x0: {  	(pc) =	sbr.rel $0x88, $3  }
0x1: {  	(tag) =	ssettag $0x0;
	lr =	simm.s32 $0x1  }
0x2: {  	[smem:$0x3F8D] =	sst lr;
	_ =	strace $0xD0000000  }
0x3: {  	_ = 	snop  }
0x4: {  	_ = 	snop  }
0x5: {  	_ = 	snop  }
0x6: {  	_ = 	snop  }
0x7: {  	_ = 	snop  }
__scs_overlays_trampoline_lowered:
0x8: {  	[smem:$0x3F9C] =	sst s0  }
0x9: {  	[smem:$0x3F9D] =	sst s1  }
0xa: {  	[smem:$0x3F9E] =	sst s2  }
0xb: {  	[smem:$0x3F9F] =	sst s3  }
0xc: {  	[smem:$0x3FA0] =	sst s4  }
0xd: {  	[smem:$0x3FA1] =	sst s5  }
0xe: {  	[smem:$0x3FA2] =	sst s6  }
0xf: {  	[smem:$0x3FA3] =	sst s7  }
0x10: {  	[smem:$0x3FA4] =	sst s8  }
0x11: {  	[smem:$0x3FA5] =	sst s9;
	s0 =	simm.s32 @!p0 $0x0  }
0x12: {  	s1 =	sld [smem:$0x3F8B];
	s0 =	simm.s32 @p0 $0x1  }
0x13: {  	[smem:$0x3FA6] =	sst s0;
	s0 =	simm.s32 @!p1 $0x0  }
0x14: {  	s2 =	sld [smem:$0x3F8A];
	s0 =	simm.s32 @p1 $0x1  }
0x15: {  	[smem:$0x3FA7] =	sst s0;
	s0 =	simm.s32 @!p2 $0x0  }
0x16: {  	s3 =	sld [smem:$0x3FDB];
	s0 =	simm.s32 @p2 $0x1  }
0x17: {  	s4 =	simm.s32 $0x1BF5;
	[smem:$0x3FA9] =	sst s0  }
0x18: {  	s0 =	sld [smem:$0x3F8C];
	_ =	swait.ge [sflag:s4], $0x0  }
0x19: {  	s7 =	sld [smem:$0x3F8D]  }
0x1a: {  	s8 =	sadd.s32 $0xFFFFE003, lr  }
0x1b: {  	s9 =	sadd.s32 $0xFFFFFEF7, lr;
	s5 =	simm.s32 $0xFFFFFFFF;
	p2 =	slt.u32 s8, $0xFFFFF086  }
0x1c: {  	p1 =	slt.u32 s9, $0xF7A;
	s5 =	simm.s32 @!p2 $0x0  }
0x1d: {  	s5 =	simm.s32 @p1 $0x1;
	p0 =	seq.s32 s7, s2  }
0x1e: {  	s7 =	smul.u32 @!p0 $0xF7A, s2;
	p2 =	seq.s32 @!p0 s5, $0x0  }
0x1f: {  	s9 =	smul.u32 $0xF7A, s1;
	s8 =	simm.s32 @!p0 $0x1BF5;
	p2 =	por !p2, p0  }
0x20: {  	[sflag:s8] =	ssyncset.s32 @!p0 $0xFFFFF086;
	s6 =	sadd.s32 @!p0 s3, s7;
	s7 =	simm.s32 @!p0 $0x108  }
0x21: {  	s3 =	sadd.s32 s3, s9;
	s6 =	sadd.s32 @!p0 $0x88, s6;
	s7 =	simm.s32 @p2 $0x1082  }
0x22: {  	[simem:s7], [sflag:s8] =	dma.local @!p0 [hbm:s6], $0xF7A  }
0x23: {  	s9 =	sor.u32 $0xD0000000, s2;
	s6 =	simm.s32 $0x108;
	_ =	swait.ge @!p0 [sflag:s8], $0x0  }
0x24: {  	s3 =	sadd.s32 $0x88, s3;
	s6 =	simm.s32 @!p1 $0x1082;
	[sflag:s4] =	ssyncset.s32 $0xFFFFF086  }
0x25: {  	[simem:s6], [sflag:s4] =	dma.local [hbm:s3], $0xF7A  }
0x26: {  	[smem:$0x3F8D] =	sst s1;
	(tag) =	ssettag s2;
	_ =	strace s9  }
0x27: {  	s1 =	sld [smem:$0x3F9D]  }
0x28: {  	s2 =	sld [smem:$0x3F9E]  }
0x29: {  	s4 =	sld [smem:$0x3FA0]  }
0x2a: {  	p0 =	seq.s32 s5, $0x0;
	s5 =	sld [smem:$0x3FA1]  }
0x2b: {  	s6 =	sld [smem:$0x3FA2]  }
0x2c: {  	s7 =	sld [smem:$0x3FA3]  }
0x2d: {  	s3 =	simm.s32 $0x108;
	s8 =	sld [smem:$0x3FA4]  }
0x2e: {  	s3 =	simm.s32 @!p0 $0x1082;
	s9 =	sld [smem:$0x3FA5]  }
0x2f: {  	lr =	sadd.s32 s0, s3;
	s0 =	sld [smem:$0x3F9C]  }
0x30: {  	s3 =	sld [smem:$0x3F9F]  }
0x31: {  	[smem:$0x3FA8] =	sst s10  }
0x32: {  	s10 =	sld [smem:$0x3FA6];
	_ =	sdelay $0x3  }
0x33: {  	p0 =	seq.s32 s10, $0x1;
	s10 =	sld [smem:$0x3FA8];
	_ =	sdelay $0x3  }
0x34: {  	[smem:$0x3FA8] =	sst s10  }
0x35: {  	s10 =	sld [smem:$0x3FA7];
	_ =	sdelay $0x3  }
0x36: {  	p1 =	seq.s32 s10, $0x1;
	s10 =	sld [smem:$0x3FA8];
	_ =	sdelay $0x3  }
0x37: {  	[smem:$0x3FA8] =	sst s10  }
0x38: {  	s10 =	sld [smem:$0x3FA9]  }
0x39: {  	_ = 	snop;
	(pc) =	sbr.ind lr, $3  }
0x3a: {  	_ = 	snop  }
0x3b: {  	_ = 	snop  }
0x3c: {  	p2 =	seq.s32 s10, $0x1;
	s10 =	sld [smem:$0x3FA8]  }
0x3d: {  	_ =	shalt  }
0x3e: {  	_ =	shalt  }
0x3f: {  	_ =	shalt  }
0x40: {  	_ =	shalt  }
0x41: {  	_ =	shalt  }
0x42: {  	_ =	shalt  }
0x43: {  	_ =	shalt  }
0x44: {  	_ =	shalt  }
0x45: {  	_ =	shalt  }
0x46: {  	_ =	shalt  }
0x47: {  	_ =	shalt  }
0x48: {  	_ =	shalt  }
0x49: {  	_ =	shalt  }
0x4a: {  	_ =	shalt  }
0x4b: {  	_ =	shalt  }
0x4c: {  	_ =	shalt  }
0x4d: {  	_ =	shalt  }
0x4e: {  	_ =	shalt  }
0x4f: {  	_ =	shalt  }
0x50: {  	_ =	shalt  }
0x51: {  	_ =	shalt  }
0x52: {  	_ =	shalt  }
0x53: {  	_ =	shalt  }
0x54: {  	_ =	shalt  }
0x55: {  	_ =	shalt  }
0x56: {  	_ =	shalt  }
0x57: {  	_ =	shalt  }
0x58: {  	_ =	shalt  }
0x59: {  	_ =	shalt  }
0x5a: {  	_ =	shalt  }
0x5b: {  	_ =	shalt  }
0x5c: {  	_ =	shalt  }
0x5d: {  	_ =	shalt  }
0x5e: {  	_ =	shalt  }
0x5f: {  	_ =	shalt  }
0x60: {  	_ =	shalt  }
0x61: {  	_ =	shalt  }
0x62: {  	_ =	shalt  }
0x63: {  	_ =	shalt  }
0x64: {  	_ =	shalt  }
0x65: {  	_ =	shalt  }
0x66: {  	_ =	shalt  }
0x67: {  	_ =	shalt  }
0x68: {  	_ =	shalt  }
0x69: {  	_ =	shalt  }
0x6a: {  	_ =	shalt  }
0x6b: {  	_ =	shalt  }
0x6c: {  	_ =	shalt  }
0x6d: {  	_ =	shalt  }
0x6e: {  	_ =	shalt  }
0x6f: {  	_ =	shalt  }
0x70: {  	_ =	shalt  }
0x71: {  	_ =	shalt  }
0x72: {  	_ =	shalt  }
0x73: {  	_ =	shalt  }
0x74: {  	_ =	shalt  }
0x75: {  	_ =	shalt  }
0x76: {  	_ =	shalt  }
0x77: {  	_ =	shalt  }
0x78: {  	_ =	shalt  }
0x79: {  	_ =	shalt  }
0x7a: {  	_ =	shalt  }
0x7b: {  	_ =	shalt  }
0x7c: {  	_ =	shalt  }
0x7d: {  	_ =	shalt  }
0x7e: {  	_ =	shalt  }
0x7f: {  	_ =	shalt  }
0x80: {  	_ =	shalt  }
0x81: {  	_ =	shalt  }
0x82: {  	_ =	shalt  }
0x83: {  	_ =	shalt  }
0x84: {  	_ =	shalt  }
0x85: {  	_ =	shalt  }
0x86: {  	_ =	shalt  }
0x87: {  	_ =	shalt  }
.Lfunc_end0:
.L_simem_size_0:
called_computation.3_lowered:
.L_overlay_start_0:
0x88: {  	s2 =	sld [smem:$0x3FD9]  }
0x89: {  	s3 =	sld [smem:$0x3FFE];
	_ =	sdelay $0x1  }
0x8a: {  	s1 =	srdreg.scid  }
0x8b: {  	s0 =	sand.u32 $0x1, s1  }
0x8c: {  	s17 =	sshll.u32 s0, $0xA;
	s2 =	sadd.s32 s3, s2  }
0x8d: {  	s2 =	sadd.s32 s2, s17  }
0x8e: {  	[smem:$0x3FB4] =	sst s2  }
0x8f: {  	_ = 	snop  }
0x90: {  	(tm) =	ssettm $0x1  }
0x91: {  	s18 =	sld [smem:$0x3FFB];
	_ =	sdelay $0x3  }
0x92: {  	_ =	strace s18  }
0x93: {  	s2 =	sld [smem:$0x3FFC];
	_ =	sdelay $0x3  }
0x94: {  	_ =	strace s2  }
0x95: {  	s2 =	sld [smem:$0x3FFD];
	_ =	sdelay $0x3  }
0x96: {  	_ =	strace s2  }
0x97: {  	_ =	strace $0x8FFFFFFF  }
0x98: {  	s19 =	sld [smem:$0x3FDB];
	_ =	sdelay $0x1  }
0x99: {  	s20 =	simm.s32 $_scs_section_size  }
0x9a: {  	s4 =	simm.s32 $_size__tile_overlayer_lowered;
	s5 =	simm.s32 $_tile_overlayer_lowered  }
0x9b: {  	s6 =	simm.s32 $0x1BFF;
	s21 =	sshll.u32 s5, $0x1;
	s3 =	sadd.s32 s20, s19  }
0x9c: {  	s22 =	simm.s32 $0x0;
	s4 =	sshll.u32 s4, $0x1;
	s5 =	sadd.s32 s21, s3  }
0x9d: {  	[timem:s22], [sflag:s6] =	dma.local [hbm:s5], s4  }
0x9e: {  	_ =	swait.ge [sflag:s6], s4  }
0x9f: {  	s4 =	ssub.s32 $0x0, s4;
	[sflag:s6] =	ssyncset.done $0x0  }
0xa0: {  	[sflag:s6] =	ssyncadd.s32 s4;
	_ =	sdelay $0x1  }
0xa1: {  	s23 =	simm.s32 $0x1B8B  }
0xa2: {  	_ =	swait.ge [sflag:s23], $0x1  }
0xa3: {  	[sflag:s23] =	ssyncset.done $0x0  }
0xa4: {  	[sflag:s23] =	ssyncadd.s32 $0xFFFFFFFF  }
0xa5: {  	s4 =	sld [smem:$0x0]  }
0xa6: {  	s5 =	sand.u32 $0xFFFFFFFE, s1  }
0xa7: {  	p0 =	sne.s32 s1, s5  }
0xa8: {  	s5 =	sshll.u32 @p0 s5, $0xE  }
0xa9: {  	s5 =	sadd.s32 @p0 $0x11B8D, s5;
	s6 =	sshll.u32 @p0 s4, $0x11  }
0xaa: {  	s5 =	sor.u32 @p0 s6, s5  }
0xab: {  	[sflag:s5] =	ssyncadd.remote.s32 @p0 $0x1;
	_ =	sdelay $0x1  }
0xac: {  	s5 =	simm.s32 @p0 $0x1B8D  }
0xad: {  	_ =	swait.eq @p0 [sflag:s5], $0x1  }
0xae: {  	[sflag:s5] =	ssyncadd.s32 @p0 $0xFFFFFFFF  }
0xaf: {  	s6 =	sshll.u32 @!p0 s1, $0xE  }
0xb0: {  	s6 =	sor.u32 @!p0 $0x4000, s6;
	s5 =	simm.s32 @!p0 $0x1B8D  }
0xb1: {  	s4 =	sshll.u32 @!p0 s4, $0x11;
	s6 =	sadd.s32 @!p0 $0x11B8D, s6;
	_ =	swait.eq @!p0 [sflag:s5], $0x1  }
0xb2: {  	s4 =	sor.u32 @!p0 s4, s6;
	[sflag:s5] =	ssyncadd.s32 @!p0 $0xFFFFFFFF  }
0xb3: {  	s25 =	simm.s32 $0x1B8E;
	s24 =	sld [smem:$0x3FFE];
	[sflag:s4] =	ssyncadd.remote.s32 @!p0 $0x1  }
0xb4: {  	s26 =	simm.s32 $execute0_lowered;
	[smem:$0x3FD2] =	sst s25  }
0xb5: {  	s5 =	sshll.u32 s26, $0x1;
	_ =	strace $0x8000004C;
	[dreg:$0x1] =	wrdreg $0xFFFFFFFF  }
0xb6: {  	s28 =	simm.s32 $_size_execute0_lowered;
	s3 =	sadd.s32 s3, s5;
	[dreg:$0x0] =	wrdreg $0x0  }
0xb7: {  	s5 =	sshll.u32 s28, $0x1;
	[dreg:$0x2] =	wrdreg s3  }
0xb8: {  	[dreg:$0x3] =	wrdreg s5  }
0xb9: {  	[dreg:$0x4] =	wrdreg $0xC0  }
0xba: {  	_ =	task [dreg:s22], $0x5FFFF  }
0xbb: {  	[dreg:$0x1] =	wrdreg $0xFFFFFFFF  }
0xbc: {  	[dreg:$0x0] =	wrdreg $0x60  }
0xbd: {  	[dreg:$0x2] =	wrdreg s24  }
0xbe: {  	[dreg:$0x3] =	wrdreg $0xAFD00  }
0xbf: {  	[dreg:$0x4] =	wrdreg $0xA  }
0xc0: {  	_ =	task.clear_ibuf [dreg:s22], $0x5FFFF;
	_ =	strace $0x9000004C  }
0xc1: {  	s29 =	simm.s32 $0xA;
	_ =	strace $0x8000004E  }
0xc2: {  	_ =	swait.ge [sflag:s29], $0x1  }
0xc3: {  	[sflag:s29] =	ssyncadd.s32 $0xFFFFFFFF  }
0xc4: {  	_ =	strace $0x9000004E  }
0xc5: {  	_ =	sfence  }
0xc6: {  	s30 =	sld [smem:$0x0];
	_ =	sdelay $0x2  }
0xc7: {  	s31 =	sshll.u32 s1, $0xD;
	s1 =	sshrl.u32 s1, $0x2  }
0xc8: {  	s4 =	sand.u32 $0x4000, s31;
	s1 =	sadd.s32 s1, s30  }
0xc9: {  	s0 =	sor.u32 s4, s0;
	s1 =	sshll.u32 s1, $0x11  }
0xca: {  	s0 =	sor.u32 s1, s0  }
0xcb: {  	s0 =	sadd.s32 $0x8F2B, s0  }
0xcc: {  	[sflag:s0] =	ssyncadd.remote.s32 $0x1  }
0xcd: {  	_ =	sfence.sel $0xFFFF  }
0xce: {  	[dreg:$0x0] =	wrdreg $0xFFFFFFFF;
	(pc) =	sbr.abs _section_cstart, $3  }
0xcf: {  	[dreg:$0x1] =	wrdreg $0xFFFFFFFF  }
0xd0: {  	_ =	task.clear_ibuf [dreg:s22], $0x2FFFF;
	_ =	strace $0x9FFFFFFF  }
0xd1: {  	(tm) =	ssettm $0x7FFFFFFF  }
tec
execute0_lowered:
.L_overlay_start_1:
0x0: {  	(tag) =	ssettag $0x1  }
0x1: {  	s15 =	rddreg [dreg:$0x0]  }
0x2: {  	s2 =	rddreg [dreg:$0x1];
	s1 =	stileid.u32  }
0x3: {  	s0 =	rddreg [dreg:$0x2];
	s3 =	simm.s32 $0x0;
	s4 =	srdreg.scid  }
0x4: {  	s16 =	smul.u32 $0x2710, s1;
	[smem:$0x7FF] =	sst s3  }
0x5: {  	s17 =	sand.u32 $0x1, s4;
	s26 =	sshll.u32 s1, $0x1;
	s29 =	sshll.u32 s1, $0x6  }
0x6: {  	_ =	strace $0x8000004D;
	s8 =	sor.u32 s17, s26;
	s5 =	sshrl.u32 s16, $0x3  }
0x7: {  	s6 =	sadd.s32 s16, s2;
	s28 =	sadd.s32 s5, s15;
	s5 =	sor.u32 $0x1C02, s29  }
0x8: {  	s7 =	sshrl.u32 s6, $0x3;
	s6 =	simm.s32 $0x2;
	s4 =	sadd.s32 $0x2D3E00, s28  }
0x9: {  	[spmem:s7], [sflag:s5] =	dma.local [hbm:s4], $0x4E2  }
0xa: {  	s8 =	smul.u32 $0x139, s8;
	_ =	swait.ge [sflag:s6], $0x4E2  }
0xb: {  	[sflag:s6] =	ssyncset.done $0x0  }
0xc: {  	s9 =	sadd.s32 s8, s15;
	[sflag:s6] =	ssyncadd.s32 $0xFFFFFB1E  }
0xd: {  	s8 =	sadd.s32 $0x2D1600, s9;
	[bflag:$0x0] =	sbarrier.arrive $0xFFFF  }
0xe: {  	[tilespmem:s3], [sflag:$0x2] =	stream.linear.gather [hbm4b:s8+s3], $0x9C8, $0x38;
	[tilespmem:$0xD6E0] =	vst v63  }
0xf: {  	_ =	swait.ge [sflag:s6], $0x9C8  }
0x10: {  	[sflag:s6] =	ssyncset.done $0x0  }
0x11: {  	s10 =	simm.s32 $0x9C8;
	s9 =	sadd.s32 $0x5A00, s9;
	[sflag:s6] =	ssyncadd.s32 $0xFFFFF638  }
0x12: {  	[tilespmem:s10], [sflag:$0x2] =	stream.linear.gather [hbm4b:s9+s3], $0x9C8, $0x38;
	[tilespmem:$0xD6E0] =	vst v63  }
0x13: {  	s12 =	simm.s32 $0x9C4;
	_ =	swait.ge [sflag:s6], $0x9C8  }
0x14: {  	s13 =	simm.s32 $0x1390;
	s14 =	simm.s32 $0x1;
	[sflag:s6] =	ssyncset.done $0x0  }
0x15: {  	s11 =	sadd.s32 $0xFA00, s15;
	s18 =	smul.u32 $0x27100, s17;
	[sflag:s6] =	ssyncadd.s32 $0xFFFFF638  }
0x16: {  	[tilespmem:s13], [sflag:$0x1] =	stream.indirect.gather [hbm4b:s11+s12], $0x10, s10, s12, $0xb8;
	[tilespmem:$0xD6E0] =	vst v63  }
0x17: {  	s17 =	ssub.s32 $0x2, s17;
	_ =	swait.ge [sflag:s14], $0x9C40  }
0x18: {  	s30 =	sshrl.u32 s17, $0x1;
	s16 =	sadd.s32 s16, s18;
	[sflag:s14] =	ssyncset.done $0x0  }
0x19: {  	s31 =	ssub.s32 s17, s30;
	s16 =	sshrl.u32 s16, $0x3;
	[sflag:s14] =	ssyncadd.s32 $0xFFFF63C0  }
0x1a: {  	[spmem:s2] =	stream.indirect.scatter.add.f32 [tilespmem:s13], [sflag:$0x2], $0x10, s3, s12, $0xb8;
	[tilespmem:$0xD6E0] =	vst v63  }
0x1b: {  	s15 =	sadd.s32 s16, s15;
	s16 =	smax.u32 s31, $0x1;
	_ =	swait.ge [sflag:s6], $0x9C40  }
0x1c: {  	p0 =	sne.s32 s16, $0x1;
	[sflag:s6] =	ssyncset.done $0x0  }
.Ltmp0:
0x1d: {  	[sflag:s6] =	ssyncadd.s32 $0xFFFF63C0;
	(pc) =	sbr.rel @!p0 .LBB2_2-.Ltmp0, $4  }
0x1e: {  	s15 =	sadd.s32 $0x2D8E00, s15;
	[bflag:$0x0] =	sbarrier.arrive $0xFFFF  }
0x1f: {  	[hbm:s15], [sflag:s5] =	dma.local [spmem:s7], $0x4E2  }
0x20: {  	_ =	swait.ge [sflag:s6], $0x4E2  }
0x21: {  	s16 =	sadd.s32 $0xFFFFFFFF, s16;
	[sflag:s6] =	ssyncset.done $0x0  }
.LBB2_1:
0x22: {  	p0 =	sne.s32 s16, $0x1;
	s16 =	sadd.s32 $0xFFFFFFFF, s16;
	[sflag:s6] =	ssyncadd.s32 $0xFFFFFB1E  }
0x23: {  	[spmem:s7], [sflag:s5] =	dma.local [hbm:s4], $0x4E2  }
0x24: {  	_ =	swait.ge [sflag:s6], $0x4E2  }
0x25: {  	[sflag:s6] =	ssyncset.done $0x0  }
0x26: {  	[sflag:s6] =	ssyncadd.s32 $0xFFFFFB1E  }
0x27: {  	[bflag:$0x0] =	sbarrier.arrive $0xFFFF  }
0x28: {  	[tilespmem:s3], [sflag:$0x2] =	stream.linear.gather [hbm4b:s8+s3], $0x9C8, $0x38;
	[tilespmem:$0xD6E0] =	vst v63  }
0x29: {  	_ =	swait.ge [sflag:s6], $0x9C8  }
0x2a: {  	[sflag:s6] =	ssyncset.done $0x0  }
0x2b: {  	[sflag:s6] =	ssyncadd.s32 $0xFFFFF638  }
0x2c: {  	[tilespmem:s10], [sflag:$0x2] =	stream.linear.gather [hbm4b:s9+s3], $0x9C8, $0x38;
	[tilespmem:$0xD6E0] =	vst v63  }
0x2d: {  	_ =	swait.ge [sflag:s6], $0x9C8  }
0x2e: {  	[sflag:s6] =	ssyncset.done $0x0  }
0x2f: {  	[sflag:s6] =	ssyncadd.s32 $0xFFFFF638  }
0x30: {  	[tilespmem:s13], [sflag:$0x1] =	stream.indirect.gather [hbm4b:s11+s12], $0x10, s10, s12, $0xb8;
	[tilespmem:$0xD6E0] =	vst v63  }
0x31: {  	_ =	swait.ge [sflag:s14], $0x9C40  }
0x32: {  	[sflag:s14] =	ssyncset.done $0x0  }
0x33: {  	[sflag:s14] =	ssyncadd.s32 $0xFFFF63C0  }
0x34: {  	[spmem:s2] =	stream.indirect.scatter.add.f32 [tilespmem:s13], [sflag:$0x2], $0x10, s3, s12, $0xb8;
	[tilespmem:$0xD6E0] =	vst v63  }
0x35: {  	_ =	swait.ge [sflag:s6], $0x9C40  }
0x36: {  	[sflag:s6] =	ssyncset.done $0x0  }
.Ltmp1:
0x37: {  	[sflag:s6] =	ssyncadd.s32 $0xFFFF63C0;
	(pc) =	sbr.rel @p0 .LBB2_1-.Ltmp1, $4  }
0x38: {  	[bflag:$0x0] =	sbarrier.arrive $0xFFFF  }
0x39: {  	[hbm:s15], [sflag:s5] =	dma.local [spmem:s7], $0x4E2  }
0x3a: {  	_ =	swait.ge [sflag:s6], $0x4E2  }
0x3b: {  	[sflag:s6] =	ssyncset.done $0x0  }
.LBB2_2:
0x3c: {  	[sflag:s6] =	ssyncadd.s32 $0xFFFFFB1E  }
0x3d: {  	_ =	sfence.sel $0x180000  }
0x3e: {  	[bflag:$0x0] =	sbarrier.arrive $0xFFFF  }
0x3f: {  	p0 =	sne.s32 s1, $0x0;
	_ =	strace $0x9000004D  }
0x40: {  	s0 =	sadd.s32 @!p0 $0x100000, s0;
	[bflag:$0x2] =	sbarrier.arrive $0xFFFF  }
0x41: {  	[sflag:s0] =	ssyncadd.tile.s32 @!p0 $0x1;
	_ =	shalt  }
.Lfunc_end2:
_tile_overlayer_lowered:
.L_overlay_start_2:
0x42: {  	(tag) =	ssettag $0x2  }
0x43: {  	s0 =	rddreg [dreg:$0x0];
	s2 =	stileid.u32  }
0x44: {  	s1 =	rddreg [dreg:$0x1];
	p0 =	sne.s32 s2, $0x0  }
0x45: {  	s3 =	rddreg [dreg:$0x2];
	[bflag:$0x3] =	sbarrier.arrive $0xFFFF;
	s2 =	simm.s32 @!p0 $0x1C02  }
0x46: {  	[timem:s3], [sflag:s2] =	dma.local @!p0 [hbm:s0], s1  }
0x47: {  	s0 =	simm.s32 @!p0 $0x2  }
0x48: {  	_ =	swait.ge @!p0 [sflag:s0], s1  }
0x49: {  	s1 =	ssub.s32 @!p0 $0x0, s1;
	[sflag:s0] =	ssyncset.done @!p0 $0x0  }
0x4a: {  	[sflag:s0] =	ssyncadd.s32 @!p0 s1  }
0x4b: {  	[bflag:$0x3] =	sbarrier.arrive $0xFFFF  }
0x4c: {  	_ =	shalt  }

// kernel: kernel.29.cloned.1.call-start
scs
__scs_entry_jumppad:
0x0: {  	(pc) =	sbr.rel $0x88, $3  }
0x1: {  	(tag) =	ssettag $0x0;
	lr =	simm.s32 $0x1  }
0x2: {  	[smem:$0x3F8D] =	sst lr;
	_ =	strace $0xD0000000  }
0x3: {  	_ = 	snop  }
0x4: {  	_ = 	snop  }
0x5: {  	_ = 	snop  }
0x6: {  	_ = 	snop  }
0x7: {  	_ = 	snop  }
__scs_overlays_trampoline_lowered:
0x8: {  	[smem:$0x3F9C] =	sst s0  }
0x9: {  	[smem:$0x3F9D] =	sst s1  }
0xa: {  	[smem:$0x3F9E] =	sst s2  }
0xb: {  	[smem:$0x3F9F] =	sst s3  }
0xc: {  	[smem:$0x3FA0] =	sst s4  }
0xd: {  	[smem:$0x3FA1] =	sst s5  }
0xe: {  	[smem:$0x3FA2] =	sst s6  }
0xf: {  	[smem:$0x3FA3] =	sst s7  }
0x10: {  	[smem:$0x3FA4] =	sst s8  }
0x11: {  	[smem:$0x3FA5] =	sst s9;
	s0 =	simm.s32 @!p0 $0x0  }
0x12: {  	s1 =	sld [smem:$0x3F8B];
	s0 =	simm.s32 @p0 $0x1  }
0x13: {  	[smem:$0x3FA6] =	sst s0;
	s0 =	simm.s32 @!p1 $0x0  }
0x14: {  	s2 =	sld [smem:$0x3F8A];
	s0 =	simm.s32 @p1 $0x1  }
0x15: {  	[smem:$0x3FA7] =	sst s0;
	s0 =	simm.s32 @!p2 $0x0  }
0x16: {  	s3 =	sld [smem:$0x3FDB];
	s0 =	simm.s32 @p2 $0x1  }
0x17: {  	s4 =	simm.s32 $0x1BF5;
	[smem:$0x3FA9] =	sst s0  }
0x18: {  	s0 =	sld [smem:$0x3F8C];
	_ =	swait.ge [sflag:s4], $0x0  }
0x19: {  	s7 =	sld [smem:$0x3F8D]  }
0x1a: {  	s8 =	sadd.s32 $0xFFFFE003, lr  }
0x1b: {  	s9 =	sadd.s32 $0xFFFFFEF7, lr;
	s5 =	simm.s32 $0xFFFFFFFF;
	p2 =	slt.u32 s8, $0xFFFFF086  }
0x1c: {  	p1 =	slt.u32 s9, $0xF7A;
	s5 =	simm.s32 @!p2 $0x0  }
0x1d: {  	s5 =	simm.s32 @p1 $0x1;
	p0 =	seq.s32 s7, s2  }
0x1e: {  	s7 =	smul.u32 @!p0 $0xF7A, s2;
	p2 =	seq.s32 @!p0 s5, $0x0  }
0x1f: {  	s9 =	smul.u32 $0xF7A, s1;
	s8 =	simm.s32 @!p0 $0x1BF5;
	p2 =	por !p2, p0  }
0x20: {  	[sflag:s8] =	ssyncset.s32 @!p0 $0xFFFFF086;
	s6 =	sadd.s32 @!p0 s3, s7;
	s7 =	simm.s32 @!p0 $0x108  }
0x21: {  	s3 =	sadd.s32 s3, s9;
	s6 =	sadd.s32 @!p0 $0x88, s6;
	s7 =	simm.s32 @p2 $0x1082  }
0x22: {  	[simem:s7], [sflag:s8] =	dma.local @!p0 [hbm:s6], $0xF7A  }
0x23: {  	s9 =	sor.u32 $0xD0000000, s2;
	s6 =	simm.s32 $0x108;
	_ =	swait.ge @!p0 [sflag:s8], $0x0  }
0x24: {  	s3 =	sadd.s32 $0x88, s3;
	s6 =	simm.s32 @!p1 $0x1082;
	[sflag:s4] =	ssyncset.s32 $0xFFFFF086  }
0x25: {  	[simem:s6], [sflag:s4] =	dma.local [hbm:s3], $0xF7A  }
0x26: {  	[smem:$0x3F8D] =	sst s1;
	(tag) =	ssettag s2;
	_ =	strace s9  }
0x27: {  	s1 =	sld [smem:$0x3F9D]  }
0x28: {  	s2 =	sld [smem:$0x3F9E]  }
0x29: {  	s4 =	sld [smem:$0x3FA0]  }
0x2a: {  	p0 =	seq.s32 s5, $0x0;
	s5 =	sld [smem:$0x3FA1]  }
0x2b: {  	s6 =	sld [smem:$0x3FA2]  }
0x2c: {  	s7 =	sld [smem:$0x3FA3]  }
0x2d: {  	s3 =	simm.s32 $0x108;
	s8 =	sld [smem:$0x3FA4]  }
0x2e: {  	s3 =	simm.s32 @!p0 $0x1082;
	s9 =	sld [smem:$0x3FA5]  }
0x2f: {  	lr =	sadd.s32 s0, s3;
	s0 =	sld [smem:$0x3F9C]  }
0x30: {  	s3 =	sld [smem:$0x3F9F]  }
0x31: {  	[smem:$0x3FA8] =	sst s10  }
0x32: {  	s10 =	sld [smem:$0x3FA6];
	_ =	sdelay $0x3  }
0x33: {  	p0 =	seq.s32 s10, $0x1;
	s10 =	sld [smem:$0x3FA8];
	_ =	sdelay $0x3  }
0x34: {  	[smem:$0x3FA8] =	sst s10  }
0x35: {  	s10 =	sld [smem:$0x3FA7];
	_ =	sdelay $0x3  }
0x36: {  	p1 =	seq.s32 s10, $0x1;
	s10 =	sld [smem:$0x3FA8];
	_ =	sdelay $0x3  }
0x37: {  	[smem:$0x3FA8] =	sst s10  }
0x38: {  	s10 =	sld [smem:$0x3FA9]  }
0x39: {  	_ = 	snop;
	(pc) =	sbr.ind lr, $3  }
0x3a: {  	_ = 	snop  }
0x3b: {  	_ = 	snop  }
0x3c: {  	p2 =	seq.s32 s10, $0x1;
	s10 =	sld [smem:$0x3FA8]  }
0x3d: {  	_ =	shalt  }
0x3e: {  	_ =	shalt  }
0x3f: {  	_ =	shalt  }
0x40: {  	_ =	shalt  }
0x41: {  	_ =	shalt  }
0x42: {  	_ =	shalt  }
0x43: {  	_ =	shalt  }
0x44: {  	_ =	shalt  }
0x45: {  	_ =	shalt  }
0x46: {  	_ =	shalt  }
0x47: {  	_ =	shalt  }
0x48: {  	_ =	shalt  }
0x49: {  	_ =	shalt  }
0x4a: {  	_ =	shalt  }
0x4b: {  	_ =	shalt  }
0x4c: {  	_ =	shalt  }
0x4d: {  	_ =	shalt  }
0x4e: {  	_ =	shalt  }
0x4f: {  	_ =	shalt  }
0x50: {  	_ =	shalt  }
0x51: {  	_ =	shalt  }
0x52: {  	_ =	shalt  }
0x53: {  	_ =	shalt  }
0x54: {  	_ =	shalt  }
0x55: {  	_ =	shalt  }
0x56: {  	_ =	shalt  }
0x57: {  	_ =	shalt  }
0x58: {  	_ =	shalt  }
0x59: {  	_ =	shalt  }
0x5a: {  	_ =	shalt  }
0x5b: {  	_ =	shalt  }
0x5c: {  	_ =	shalt  }
0x5d: {  	_ =	shalt  }
0x5e: {  	_ =	shalt  }
0x5f: {  	_ =	shalt  }
0x60: {  	_ =	shalt  }
0x61: {  	_ =	shalt  }
0x62: {  	_ =	shalt  }
0x63: {  	_ =	shalt  }
0x64: {  	_ =	shalt  }
0x65: {  	_ =	shalt  }
0x66: {  	_ =	shalt  }
0x67: {  	_ =	shalt  }
0x68: {  	_ =	shalt  }
0x69: {  	_ =	shalt  }
0x6a: {  	_ =	shalt  }
0x6b: {  	_ =	shalt  }
0x6c: {  	_ =	shalt  }
0x6d: {  	_ =	shalt  }
0x6e: {  	_ =	shalt  }
0x6f: {  	_ =	shalt  }
0x70: {  	_ =	shalt  }
0x71: {  	_ =	shalt  }
0x72: {  	_ =	shalt  }
0x73: {  	_ =	shalt  }
0x74: {  	_ =	shalt  }
0x75: {  	_ =	shalt  }
0x76: {  	_ =	shalt  }
0x77: {  	_ =	shalt  }
0x78: {  	_ =	shalt  }
0x79: {  	_ =	shalt  }
0x7a: {  	_ =	shalt  }
0x7b: {  	_ =	shalt  }
0x7c: {  	_ =	shalt  }
0x7d: {  	_ =	shalt  }
0x7e: {  	_ =	shalt  }
0x7f: {  	_ =	shalt  }
0x80: {  	_ =	shalt  }
0x81: {  	_ =	shalt  }
0x82: {  	_ =	shalt  }
0x83: {  	_ =	shalt  }
0x84: {  	_ =	shalt  }
0x85: {  	_ =	shalt  }
0x86: {  	_ =	shalt  }
0x87: {  	_ =	shalt  }
.Lfunc_end0:
.L_simem_size_0:
called_computation.4_lowered:
.L_overlay_start_0:
0x88: {  	s2 =	sld [smem:$0x3FD9]  }
0x89: {  	s3 =	sld [smem:$0x3FFE];
	_ =	sdelay $0x1  }
0x8a: {  	s1 =	srdreg.scid  }
0x8b: {  	s0 =	sand.u32 $0x1, s1  }
0x8c: {  	s17 =	sshll.u32 s0, $0xA;
	s2 =	sadd.s32 s3, s2  }
0x8d: {  	s2 =	sadd.s32 s2, s17  }
0x8e: {  	[smem:$0x3FB4] =	sst s2  }
0x8f: {  	_ = 	snop  }
0x90: {  	(tm) =	ssettm $0x1  }
0x91: {  	s18 =	sld [smem:$0x3FFB];
	_ =	sdelay $0x3  }
0x92: {  	_ =	strace s18  }
0x93: {  	s2 =	sld [smem:$0x3FFC];
	_ =	sdelay $0x3  }
0x94: {  	_ =	strace s2  }
0x95: {  	s2 =	sld [smem:$0x3FFD];
	_ =	sdelay $0x3  }
0x96: {  	_ =	strace s2  }
0x97: {  	_ =	strace $0x8FFFFFFF  }
0x98: {  	s19 =	sld [smem:$0x3FDB];
	_ =	sdelay $0x1  }
0x99: {  	s20 =	simm.s32 $_scs_section_size  }
0x9a: {  	s4 =	simm.s32 $_size__tile_overlayer_lowered;
	s5 =	simm.s32 $_tile_overlayer_lowered  }
0x9b: {  	s6 =	simm.s32 $0x1BFF;
	s21 =	sshll.u32 s5, $0x1;
	s3 =	sadd.s32 s20, s19  }
0x9c: {  	s22 =	simm.s32 $0x0;
	s4 =	sshll.u32 s4, $0x1;
	s5 =	sadd.s32 s21, s3  }
0x9d: {  	[timem:s22], [sflag:s6] =	dma.local [hbm:s5], s4  }
0x9e: {  	_ =	swait.ge [sflag:s6], s4  }
0x9f: {  	s4 =	ssub.s32 $0x0, s4;
	[sflag:s6] =	ssyncset.done $0x0  }
0xa0: {  	[sflag:s6] =	ssyncadd.s32 s4;
	_ =	sdelay $0x1  }
0xa1: {  	s23 =	simm.s32 $0x1B8B  }
0xa2: {  	_ =	swait.ge [sflag:s23], $0x1  }
0xa3: {  	[sflag:s23] =	ssyncset.done $0x0  }
0xa4: {  	[sflag:s23] =	ssyncadd.s32 $0xFFFFFFFF  }
0xa5: {  	s4 =	sld [smem:$0x0]  }
0xa6: {  	s5 =	sand.u32 $0xFFFFFFFE, s1  }
0xa7: {  	p0 =	sne.s32 s1, s5  }
0xa8: {  	s5 =	sshll.u32 @p0 s5, $0xE  }
0xa9: {  	s5 =	sadd.s32 @p0 $0x11B8D, s5;
	s6 =	sshll.u32 @p0 s4, $0x11  }
0xaa: {  	s5 =	sor.u32 @p0 s6, s5  }
0xab: {  	[sflag:s5] =	ssyncadd.remote.s32 @p0 $0x1;
	_ =	sdelay $0x1  }
0xac: {  	s5 =	simm.s32 @p0 $0x1B8D  }
0xad: {  	_ =	swait.eq @p0 [sflag:s5], $0x1  }
0xae: {  	[sflag:s5] =	ssyncadd.s32 @p0 $0xFFFFFFFF  }
0xaf: {  	s6 =	sshll.u32 @!p0 s1, $0xE  }
0xb0: {  	s6 =	sor.u32 @!p0 $0x4000, s6;
	s5 =	simm.s32 @!p0 $0x1B8D  }
0xb1: {  	s4 =	sshll.u32 @!p0 s4, $0x11;
	s6 =	sadd.s32 @!p0 $0x11B8D, s6;
	_ =	swait.eq @!p0 [sflag:s5], $0x1  }
0xb2: {  	s4 =	sor.u32 @!p0 s4, s6;
	[sflag:s5] =	ssyncadd.s32 @!p0 $0xFFFFFFFF  }
0xb3: {  	s25 =	simm.s32 $0x1B8E;
	s24 =	sld [smem:$0x3FFE];
	[sflag:s4] =	ssyncadd.remote.s32 @!p0 $0x1  }
0xb4: {  	s26 =	simm.s32 $execute0_lowered;
	[smem:$0x3FD2] =	sst s25  }
0xb5: {  	s5 =	sshll.u32 s26, $0x1;
	_ =	strace $0x80000055;
	[dreg:$0x1] =	wrdreg $0xFFFFFFFF  }
0xb6: {  	s28 =	simm.s32 $_size_execute0_lowered;
	s3 =	sadd.s32 s3, s5;
	[dreg:$0x0] =	wrdreg $0x0  }
0xb7: {  	s5 =	sshll.u32 s28, $0x1;
	[dreg:$0x2] =	wrdreg s3  }
0xb8: {  	[dreg:$0x3] =	wrdreg s5  }
0xb9: {  	[dreg:$0x4] =	wrdreg $0xC0  }
0xba: {  	_ =	task [dreg:s22], $0x5FFFF  }
0xbb: {  	[dreg:$0x1] =	wrdreg $0xFFFFFFFF  }
0xbc: {  	[dreg:$0x0] =	wrdreg $0x60  }
0xbd: {  	[dreg:$0x2] =	wrdreg s24  }
0xbe: {  	[dreg:$0x3] =	wrdreg $0x9  }
0xbf: {  	_ =	task.clear_ibuf [dreg:s22], $0x4FFFF;
	_ =	strace $0x90000055  }
0xc0: {  	s29 =	simm.s32 $0x9;
	_ =	strace $0x80000057  }
0xc1: {  	_ =	swait.ge [sflag:s29], $0x1  }
0xc2: {  	[sflag:s29] =	ssyncadd.s32 $0xFFFFFFFF  }
0xc3: {  	_ =	strace $0x90000057  }
0xc4: {  	_ =	sfence  }
0xc5: {  	s30 =	sld [smem:$0x0];
	_ =	sdelay $0x2  }
0xc6: {  	s31 =	sshll.u32 s1, $0xD;
	s1 =	sshrl.u32 s1, $0x2  }
0xc7: {  	s4 =	sand.u32 $0x4000, s31;
	s1 =	sadd.s32 s1, s30  }
0xc8: {  	s0 =	sor.u32 s4, s0;
	s1 =	sshll.u32 s1, $0x11  }
0xc9: {  	s0 =	sor.u32 s1, s0  }
0xca: {  	s0 =	sadd.s32 $0x8F2B, s0  }
0xcb: {  	[sflag:s0] =	ssyncadd.remote.s32 $0x1  }
0xcc: {  	_ =	sfence.sel $0xFFFF  }
0xcd: {  	[dreg:$0x0] =	wrdreg $0xFFFFFFFF;
	(pc) =	sbr.abs _section_cstart, $3  }
0xce: {  	[dreg:$0x1] =	wrdreg $0xFFFFFFFF  }
0xcf: {  	_ =	task.clear_ibuf [dreg:s22], $0x2FFFF;
	_ =	strace $0x9FFFFFFF  }
0xd0: {  	(tm) =	ssettm $0x7FFFFFFF  }
0xd1: {  	_ =	shalt  }
tec
execute0_lowered:
.L_overlay_start_1:
0x0: {  	(tag) =	ssettag $0x1  }
0x1: {  	s1 =	srdreg.scid;
	s0 =	stileid.u32  }
0x2: {  	s8 =	sand.u32 $0x1, s1;
	s31 =	sshll.u32 s0, $0x1  }
0x3: {  	s1 =	sor.u32 s8, s31  }
0x4: {  	s11 =	rddreg [dreg:$0x0];
	s2 =	simm.s32 $0x0;
	s3 =	smul.u32 $0x139, s1  }
0x5: {  	[smem:$0x7FF] =	sst s2  }
0x6: {  	s1 =	rddreg [dreg:$0x1];
	s5 =	sadd.s32 s3, s11  }
0x7: {  	_ =	strace $0x80000056;
	s3 =	simm.s32 $0x2;
	s4 =	sadd.s32 $0x36C00, s5  }
0x8: {  	[tilespmem:s2], [sflag:$0x2] =	stream.linear.gather [hbm4b:s4+s2], $0x9C8, $0x38;
	[tilespmem:$0xAFD0] =	vst v63  }
0x9: {  	_ =	swait.ge [sflag:s3], $0x9C8  }
0xa: {  	s6 =	simm.s32 $0x9C8;
	s9 =	simm.s32 $0x1390;
	[sflag:s3] =	ssyncset.done $0x0  }
0xb: {  	s12 =	ssub.s32 $0x2, s8;
	s5 =	sadd.s32 $0x5A00, s5;
	[sflag:s3] =	ssyncadd.s32 $0xFFFFF638  }
0xc: {  	[tilespmem:s6], [sflag:$0x2] =	stream.linear.gather [hbm4b:s5+s2], $0x9C8, $0x38;
	[tilespmem:$0xAFD0] =	vst v63  }
0xd: {  	s10 =	simm.s32 $0x1;
	s13 =	sshrl.u32 s12, $0x1;
	_ =	swait.ge [sflag:s3], $0x9C8  }
0xe: {  	s7 =	sadd.s32 $0x2D8E00, s11;
	s12 =	ssub.s32 s12, s13;
	[sflag:s3] =	ssyncset.done $0x0  }
0xf: {  	s8 =	simm.s32 $0x9C4;
	s12 =	smax.u32 s12, $0x1;
	[sflag:s3] =	ssyncadd.s32 $0xFFFFF638  }
0x10: {  	[tilespmem:s9], [sflag:$0x1] =	stream.indirect.gather [hbm4b:s7+s8], $0x10, s2, s8, $0xb8;
	[tilespmem:$0xAFD0] =	vst v63  }
0x11: {  	p0 =	sne.s32 s12, $0x1;
	_ =	swait.ge [sflag:s10], $0x9C40  }
.Ltmp0:
0x12: {  	[sflag:s10] =	ssyncset.done $0x0;
	(pc) =	sbr.rel @!p0 .LBB2_2-.Ltmp0, $4  }
0x13: {  	s11 =	sadd.s32 $0xAA00, s11;
	[sflag:s10] =	ssyncadd.s32 $0xFFFF63C0  }
0x14: {  	[hbm4b:s11+s8] =	stream.indirect.scatter [tilespmem:s9], [sflag:$0x2], $0x10, s6, s8, $0xb8;
	[tilespmem:$0xAFD0] =	vst v63  }
0x15: {  	_ =	swait.ge [sflag:s3], $0x9C40  }
0x16: {  	s12 =	sadd.s32 $0xFFFFFFFF, s12;
	[sflag:s3] =	ssyncset.done $0x0  }
.LBB2_1:
0x17: {  	p0 =	sne.s32 s12, $0x1;
	s12 =	sadd.s32 $0xFFFFFFFF, s12;
	[sflag:s3] =	ssyncadd.s32 $0xFFFF63C0  }
0x18: {  	[tilespmem:s2], [sflag:$0x2] =	stream.linear.gather [hbm4b:s4+s2], $0x9C8, $0x38;
	[tilespmem:$0xAFD0] =	vst v63  }
0x19: {  	_ =	swait.ge [sflag:s3], $0x9C8  }
0x1a: {  	[sflag:s3] =	ssyncset.done $0x0  }
0x1b: {  	[sflag:s3] =	ssyncadd.s32 $0xFFFFF638  }
0x1c: {  	[tilespmem:s6], [sflag:$0x2] =	stream.linear.gather [hbm4b:s5+s2], $0x9C8, $0x38;
	[tilespmem:$0xAFD0] =	vst v63  }
0x1d: {  	_ =	swait.ge [sflag:s3], $0x9C8  }
0x1e: {  	[sflag:s3] =	ssyncset.done $0x0  }
0x1f: {  	[sflag:s3] =	ssyncadd.s32 $0xFFFFF638  }
0x20: {  	[tilespmem:s9], [sflag:$0x1] =	stream.indirect.gather [hbm4b:s7+s8], $0x10, s2, s8, $0xb8;
	[tilespmem:$0xAFD0] =	vst v63  }
0x21: {  	_ =	swait.ge [sflag:s10], $0x9C40  }
.Ltmp1:
0x22: {  	[sflag:s10] =	ssyncset.done $0x0;
	(pc) =	sbr.rel @p0 .LBB2_1-.Ltmp1, $4  }
0x23: {  	[sflag:s10] =	ssyncadd.s32 $0xFFFF63C0  }
0x24: {  	[hbm4b:s11+s8] =	stream.indirect.scatter [tilespmem:s9], [sflag:$0x2], $0x10, s6, s8, $0xb8;
	[tilespmem:$0xAFD0] =	vst v63  }
0x25: {  	_ =	swait.ge [sflag:s3], $0x9C40  }
0x26: {  	[sflag:s3] =	ssyncset.done $0x0  }
.LBB2_2:
0x27: {  	[sflag:s3] =	ssyncadd.s32 $0xFFFF63C0  }
0x28: {  	_ =	sfence.sel $0x180000  }
0x29: {  	[bflag:$0x0] =	sbarrier.arrive $0xFFFF  }
0x2a: {  	p0 =	sne.s32 s0, $0x0;
	_ =	strace $0x90000056  }
0x2b: {  	s0 =	sadd.s32 @!p0 $0x100000, s1;
	[bflag:$0x2] =	sbarrier.arrive $0xFFFF  }
0x2c: {  	[sflag:s0] =	ssyncadd.tile.s32 @!p0 $0x1;
	_ =	shalt  }
.Lfunc_end2:
_tile_overlayer_lowered:
.L_overlay_start_2:
0x2d: {  	(tag) =	ssettag $0x2  }
0x2e: {  	s0 =	rddreg [dreg:$0x0];
	s2 =	stileid.u32  }
0x2f: {  	s1 =	rddreg [dreg:$0x1];
	p0 =	sne.s32 s2, $0x0  }
0x30: {  	s3 =	rddreg [dreg:$0x2];
	[bflag:$0x3] =	sbarrier.arrive $0xFFFF;
	s2 =	simm.s32 @!p0 $0x1C02  }
0x31: {  	[timem:s3], [sflag:s2] =	dma.local @!p0 [hbm:s0], s1  }
0x32: {  	s0 =	simm.s32 @!p0 $0x2  }
0x33: {  	_ =	swait.ge @!p0 [sflag:s0], s1  }
0x34: {  	s1 =	ssub.s32 @!p0 $0x0, s1;
	[sflag:s0] =	ssyncset.done @!p0 $0x0  }
0x35: {  	[sflag:s0] =	ssyncadd.s32 @!p0 s1  }
0x36: {  	[bflag:$0x3] =	sbarrier.arrive $0xFFFF  }
0x37: {  	_ =	shalt  }

// kernel: kernel.32.cloned.1.call-start
scs
__scs_entry_jumppad:
0x0: {  	(pc) =	sbr.rel $0x88, $3  }
0x1: {  	(tag) =	ssettag $0x0;
	lr =	simm.s32 $0x1  }
0x2: {  	[smem:$0x3F8D] =	sst lr;
	_ =	strace $0xD0000000  }
0x3: {  	_ = 	snop  }
0x4: {  	_ = 	snop  }
0x5: {  	_ = 	snop  }
0x6: {  	_ = 	snop  }
0x7: {  	_ = 	snop  }
__scs_overlays_trampoline_lowered:
0x8: {  	[smem:$0x3F9C] =	sst s0  }
0x9: {  	[smem:$0x3F9D] =	sst s1  }
0xa: {  	[smem:$0x3F9E] =	sst s2  }
0xb: {  	[smem:$0x3F9F] =	sst s3  }
0xc: {  	[smem:$0x3FA0] =	sst s4  }
0xd: {  	[smem:$0x3FA1] =	sst s5  }
0xe: {  	[smem:$0x3FA2] =	sst s6  }
0xf: {  	[smem:$0x3FA3] =	sst s7  }
0x10: {  	[smem:$0x3FA4] =	sst s8  }
0x11: {  	[smem:$0x3FA5] =	sst s9;
	s0 =	simm.s32 @!p0 $0x0  }
0x12: {  	s1 =	sld [smem:$0x3F8B];
	s0 =	simm.s32 @p0 $0x1  }
0x13: {  	[smem:$0x3FA6] =	sst s0;
	s0 =	simm.s32 @!p1 $0x0  }
0x14: {  	s2 =	sld [smem:$0x3F8A];
	s0 =	simm.s32 @p1 $0x1  }
0x15: {  	[smem:$0x3FA7] =	sst s0;
	s0 =	simm.s32 @!p2 $0x0  }
0x16: {  	s3 =	sld [smem:$0x3FDB];
	s0 =	simm.s32 @p2 $0x1  }
0x17: {  	s4 =	simm.s32 $0x1BF5;
	[smem:$0x3FA9] =	sst s0  }
0x18: {  	s0 =	sld [smem:$0x3F8C];
	_ =	swait.ge [sflag:s4], $0x0  }
0x19: {  	s7 =	sld [smem:$0x3F8D]  }
0x1a: {  	s8 =	sadd.s32 $0xFFFFE003, lr  }
0x1b: {  	s9 =	sadd.s32 $0xFFFFFEF7, lr;
	s5 =	simm.s32 $0xFFFFFFFF;
	p2 =	slt.u32 s8, $0xFFFFF086  }
0x1c: {  	p1 =	slt.u32 s9, $0xF7A;
	s5 =	simm.s32 @!p2 $0x0  }
0x1d: {  	s5 =	simm.s32 @p1 $0x1;
	p0 =	seq.s32 s7, s2  }
0x1e: {  	s7 =	smul.u32 @!p0 $0xF7A, s2;
	p2 =	seq.s32 @!p0 s5, $0x0  }
0x1f: {  	s9 =	smul.u32 $0xF7A, s1;
	s8 =	simm.s32 @!p0 $0x1BF5;
	p2 =	por !p2, p0  }
0x20: {  	[sflag:s8] =	ssyncset.s32 @!p0 $0xFFFFF086;
	s6 =	sadd.s32 @!p0 s3, s7;
	s7 =	simm.s32 @!p0 $0x108  }
0x21: {  	s3 =	sadd.s32 s3, s9;
	s6 =	sadd.s32 @!p0 $0x88, s6;
	s7 =	simm.s32 @p2 $0x1082  }
0x22: {  	[simem:s7], [sflag:s8] =	dma.local @!p0 [hbm:s6], $0xF7A  }
0x23: {  	s9 =	sor.u32 $0xD0000000, s2;
	s6 =	simm.s32 $0x108;
	_ =	swait.ge @!p0 [sflag:s8], $0x0  }
0x24: {  	s3 =	sadd.s32 $0x88, s3;
	s6 =	simm.s32 @!p1 $0x1082;
	[sflag:s4] =	ssyncset.s32 $0xFFFFF086  }
0x25: {  	[simem:s6], [sflag:s4] =	dma.local [hbm:s3], $0xF7A  }
0x26: {  	[smem:$0x3F8D] =	sst s1;
	(tag) =	ssettag s2;
	_ =	strace s9  }
0x27: {  	s1 =	sld [smem:$0x3F9D]  }
0x28: {  	s2 =	sld [smem:$0x3F9E]  }
0x29: {  	s4 =	sld [smem:$0x3FA0]  }
0x2a: {  	p0 =	seq.s32 s5, $0x0;
	s5 =	sld [smem:$0x3FA1]  }
0x2b: {  	s6 =	sld [smem:$0x3FA2]  }
0x2c: {  	s7 =	sld [smem:$0x3FA3]  }
0x2d: {  	s3 =	simm.s32 $0x108;
	s8 =	sld [smem:$0x3FA4]  }
0x2e: {  	s3 =	simm.s32 @!p0 $0x1082;
	s9 =	sld [smem:$0x3FA5]  }
0x2f: {  	lr =	sadd.s32 s0, s3;
	s0 =	sld [smem:$0x3F9C]  }
0x30: {  	s3 =	sld [smem:$0x3F9F]  }
0x31: {  	[smem:$0x3FA8] =	sst s10  }
0x32: {  	s10 =	sld [smem:$0x3FA6];
	_ =	sdelay $0x3  }
0x33: {  	p0 =	seq.s32 s10, $0x1;
	s10 =	sld [smem:$0x3FA8];
	_ =	sdelay $0x3  }
0x34: {  	[smem:$0x3FA8] =	sst s10  }
0x35: {  	s10 =	sld [smem:$0x3FA7];
	_ =	sdelay $0x3  }
0x36: {  	p1 =	seq.s32 s10, $0x1;
	s10 =	sld [smem:$0x3FA8];
	_ =	sdelay $0x3  }
0x37: {  	[smem:$0x3FA8] =	sst s10  }
0x38: {  	s10 =	sld [smem:$0x3FA9]  }
0x39: {  	_ = 	snop;
	(pc) =	sbr.ind lr, $3  }
0x3a: {  	_ = 	snop  }
0x3b: {  	_ = 	snop  }
0x3c: {  	p2 =	seq.s32 s10, $0x1;
	s10 =	sld [smem:$0x3FA8]  }
0x3d: {  	_ =	shalt  }
0x3e: {  	_ =	shalt  }
0x3f: {  	_ =	shalt  }
0x40: {  	_ =	shalt  }
0x41: {  	_ =	shalt  }
0x42: {  	_ =	shalt  }
0x43: {  	_ =	shalt  }
0x44: {  	_ =	shalt  }
0x45: {  	_ =	shalt  }
0x46: {  	_ =	shalt  }
0x47: {  	_ =	shalt  }
0x48: {  	_ =	shalt  }
0x49: {  	_ =	shalt  }
0x4a: {  	_ =	shalt  }
0x4b: {  	_ =	shalt  }
0x4c: {  	_ =	shalt  }
0x4d: {  	_ =	shalt  }
0x4e: {  	_ =	shalt  }
0x4f: {  	_ =	shalt  }
0x50: {  	_ =	shalt  }
0x51: {  	_ =	shalt  }
0x52: {  	_ =	shalt  }
0x53: {  	_ =	shalt  }
0x54: {  	_ =	shalt  }
0x55: {  	_ =	shalt  }
0x56: {  	_ =	shalt  }
0x57: {  	_ =	shalt  }
0x58: {  	_ =	shalt  }
0x59: {  	_ =	shalt  }
0x5a: {  	_ =	shalt  }
0x5b: {  	_ =	shalt  }
0x5c: {  	_ =	shalt  }
0x5d: {  	_ =	shalt  }
0x5e: {  	_ =	shalt  }
0x5f: {  	_ =	shalt  }
0x60: {  	_ =	shalt  }
0x61: {  	_ =	shalt  }
0x62: {  	_ =	shalt  }
0x63: {  	_ =	shalt  }
0x64: {  	_ =	shalt  }
0x65: {  	_ =	shalt  }
0x66: {  	_ =	shalt  }
0x67: {  	_ =	shalt  }
0x68: {  	_ =	shalt  }
0x69: {  	_ =	shalt  }
0x6a: {  	_ =	shalt  }
0x6b: {  	_ =	shalt  }
0x6c: {  	_ =	shalt  }
0x6d: {  	_ =	shalt  }
0x6e: {  	_ =	shalt  }
0x6f: {  	_ =	shalt  }
0x70: {  	_ =	shalt  }
0x71: {  	_ =	shalt  }
0x72: {  	_ =	shalt  }
0x73: {  	_ =	shalt  }
0x74: {  	_ =	shalt  }
0x75: {  	_ =	shalt  }
0x76: {  	_ =	shalt  }
0x77: {  	_ =	shalt  }
0x78: {  	_ =	shalt  }
0x79: {  	_ =	shalt  }
0x7a: {  	_ =	shalt  }
0x7b: {  	_ =	shalt  }
0x7c: {  	_ =	shalt  }
0x7d: {  	_ =	shalt  }
0x7e: {  	_ =	shalt  }
0x7f: {  	_ =	shalt  }
0x80: {  	_ =	shalt  }
0x81: {  	_ =	shalt  }
0x82: {  	_ =	shalt  }
0x83: {  	_ =	shalt  }
0x84: {  	_ =	shalt  }
0x85: {  	_ =	shalt  }
0x86: {  	_ =	shalt  }
0x87: {  	_ =	shalt  }
.Lfunc_end0:
.L_simem_size_0:
called_computation.5_lowered:
.L_overlay_start_0:
0x88: {  	s2 =	sld [smem:$0x3FD9]  }
0x89: {  	s3 =	sld [smem:$0x3FFE];
	_ =	sdelay $0x1  }
0x8a: {  	s1 =	srdreg.scid  }
0x8b: {  	s0 =	sand.u32 $0x1, s1  }
0x8c: {  	s16 =	sshll.u32 s0, $0xA;
	s2 =	sadd.s32 s3, s2  }
0x8d: {  	s2 =	sadd.s32 s2, s16  }
0x8e: {  	[smem:$0x3FB4] =	sst s2  }
0x8f: {  	_ = 	snop  }
0x90: {  	(tm) =	ssettm $0x1  }
0x91: {  	s17 =	sld [smem:$0x3FFB];
	_ =	sdelay $0x3  }
0x92: {  	_ =	strace s17  }
0x93: {  	s2 =	sld [smem:$0x3FFC];
	_ =	sdelay $0x3  }
0x94: {  	_ =	strace s2  }
0x95: {  	s2 =	sld [smem:$0x3FFD];
	_ =	sdelay $0x3  }
0x96: {  	_ =	strace s2  }
0x97: {  	_ =	strace $0x8FFFFFFF  }
0x98: {  	s18 =	sld [smem:$0x3FDB];
	_ =	sdelay $0x1  }
0x99: {  	s19 =	simm.s32 $_scs_section_size  }
0x9a: {  	s4 =	simm.s32 $_size__tile_overlayer_lowered;
	s5 =	simm.s32 $_tile_overlayer_lowered  }
0x9b: {  	s22 =	simm.s32 $0x1BFF;
	s21 =	sshll.u32 s5, $0x1;
	s2 =	sadd.s32 s19, s18  }
0x9c: {  	s6 =	simm.s32 $0x0;
	s20 =	sshll.u32 s4, $0x1;
	s4 =	sadd.s32 s21, s2  }
0x9d: {  	[timem:s6], [sflag:s22] =	dma.local [hbm:s4], s20  }
0x9e: {  	_ =	swait.ge [sflag:s22], s20  }
0x9f: {  	s3 =	ssub.s32 $0x0, s20;
	[sflag:s22] =	ssyncset.done $0x0  }
0xa0: {  	[sflag:s22] =	ssyncadd.s32 s3;
	_ =	sdelay $0x1  }
0xa1: {  	s23 =	simm.s32 $0x1B8B  }
0xa2: {  	_ =	swait.ge [sflag:s23], $0x1  }
0xa3: {  	[sflag:s23] =	ssyncset.done $0x0  }
0xa4: {  	s25 =	simm.s32 $0x1B8E;
	s24 =	sld [smem:$0x3FFE];
	[sflag:s23] =	ssyncadd.s32 $0xFFFFFFFF  }
0xa5: {  	s26 =	simm.s32 $execute0_lowered;
	[smem:$0x3FD2] =	sst s25  }
0xa6: {  	s4 =	sshll.u32 s26, $0x1;
	_ =	strace $0x80000052;
	[dreg:$0x1] =	wrdreg $0xFFFFFFFF  }
0xa7: {  	s28 =	simm.s32 $_size_execute0_lowered;
	s2 =	sadd.s32 s2, s4;
	[dreg:$0x0] =	wrdreg $0x0  }
0xa8: {  	s4 =	sshll.u32 s28, $0x1;
	[dreg:$0x2] =	wrdreg s2  }
0xa9: {  	[dreg:$0x3] =	wrdreg s4  }
0xaa: {  	[dreg:$0x4] =	wrdreg $0xC0  }
0xab: {  	_ =	task [dreg:s6], $0x5FFFF  }
0xac: {  	[dreg:$0x1] =	wrdreg $0xFFFFFFFF  }
0xad: {  	[dreg:$0x0] =	wrdreg $0x60  }
0xae: {  	[dreg:$0x2] =	wrdreg s24  }
0xaf: {  	[dreg:$0x3] =	wrdreg $0xA  }
0xb0: {  	_ =	task.clear_ibuf [dreg:s6], $0x4FFFF;
	_ =	strace $0x90000052  }
0xb1: {  	s29 =	simm.s32 $0xA;
	_ =	strace $0x80000054  }
0xb2: {  	_ =	swait.ge [sflag:s29], $0x1  }
0xb3: {  	[sflag:s29] =	ssyncadd.s32 $0xFFFFFFFF  }
0xb4: {  	_ =	strace $0x90000054  }
0xb5: {  	_ =	sfence  }
0xb6: {  	s30 =	sld [smem:$0x0];
	_ =	sdelay $0x2  }
0xb7: {  	s31 =	sshll.u32 s1, $0xD;
	s1 =	sshrl.u32 s1, $0x2  }
0xb8: {  	s3 =	sand.u32 $0x4000, s31;
	s1 =	sadd.s32 s1, s30  }
0xb9: {  	s0 =	sor.u32 s3, s0;
	s1 =	sshll.u32 s1, $0x11  }
0xba: {  	s0 =	sor.u32 s1, s0  }
0xbb: {  	s0 =	sadd.s32 $0x8F2B, s0  }
0xbc: {  	[sflag:s0] =	ssyncadd.remote.s32 $0x1  }
0xbd: {  	_ =	sfence.sel $0xFFFF  }
0xbe: {  	[dreg:$0x0] =	wrdreg $0xFFFFFFFF;
	(pc) =	sbr.abs _section_cstart, $3  }
0xbf: {  	[dreg:$0x1] =	wrdreg $0xFFFFFFFF  }
0xc0: {  	_ =	task.clear_ibuf [dreg:s6], $0x2FFFF;
	_ =	strace $0x9FFFFFFF  }
0xc1: {  	(tm) =	ssettm $0x7FFFFFFF  }
tec
execute0_lowered:
.L_overlay_start_1:
0x0: {  	(tag) =	ssettag $0x1  }
0x1: {  	s1 =	srdreg.scid;
	s0 =	stileid.u32  }
0x2: {  	s8 =	sand.u32 $0x1, s1;
	s31 =	sshll.u32 s0, $0x1  }
0x3: {  	s1 =	sor.u32 s8, s31  }
0x4: {  	s11 =	rddreg [dreg:$0x0];
	s2 =	simm.s32 $0x0;
	s3 =	smul.u32 $0x139, s1  }
0x5: {  	[smem:$0x7FF] =	sst s2  }
0x6: {  	s1 =	rddreg [dreg:$0x1];
	s5 =	sadd.s32 s3, s11  }
0x7: {  	_ =	strace $0x80000053;
	s3 =	simm.s32 $0x2;
	s4 =	sadd.s32 $0x8200, s5  }
0x8: {  	[tilespmem:s2], [sflag:$0x2] =	stream.linear.gather [hbm4b:s4+s2], $0x9C8, $0x38;
	[tilespmem:$0xAFD0] =	vst v63  }
0x9: {  	_ =	swait.ge [sflag:s3], $0x9C8  }
0xa: {  	s6 =	simm.s32 $0x9C8;
	s9 =	simm.s32 $0x1390;
	[sflag:s3] =	ssyncset.done $0x0  }
0xb: {  	s12 =	ssub.s32 $0x2, s8;
	s5 =	sadd.s32 $0x5A00, s5;
	[sflag:s3] =	ssyncadd.s32 $0xFFFFF638  }
0xc: {  	[tilespmem:s6], [sflag:$0x2] =	stream.linear.gather [hbm4b:s5+s2], $0x9C8, $0x38;
	[tilespmem:$0xAFD0] =	vst v63  }
0xd: {  	s10 =	simm.s32 $0x1;
	s13 =	sshrl.u32 s12, $0x1;
	_ =	swait.ge [sflag:s3], $0x9C8  }
0xe: {  	s7 =	sadd.s32 $0x2D8E00, s11;
	s12 =	ssub.s32 s12, s13;
	[sflag:s3] =	ssyncset.done $0x0  }
0xf: {  	s8 =	simm.s32 $0x9C4;
	s12 =	smax.u32 s12, $0x1;
	[sflag:s3] =	ssyncadd.s32 $0xFFFFF638  }
0x10: {  	[tilespmem:s9], [sflag:$0x1] =	stream.indirect.gather [hbm4b:s7+s8], $0x10, s2, s8, $0xb8;
	[tilespmem:$0xAFD0] =	vst v63  }
0x11: {  	p0 =	sne.s32 s12, $0x1;
	_ =	swait.ge [sflag:s10], $0x9C40  }
.Ltmp0:
0x12: {  	[sflag:s10] =	ssyncset.done $0x0;
	(pc) =	sbr.rel @!p0 .LBB2_2-.Ltmp0, $4  }
0x13: {  	s11 =	sadd.s32 $0x39400, s11;
	[sflag:s10] =	ssyncadd.s32 $0xFFFF63C0  }
0x14: {  	[hbm4b:s11+s8] =	stream.indirect.scatter [tilespmem:s9], [sflag:$0x2], $0x10, s6, s8, $0xb8;
	[tilespmem:$0xAFD0] =	vst v63  }
0x15: {  	_ =	swait.ge [sflag:s3], $0x9C40  }
0x16: {  	s12 =	sadd.s32 $0xFFFFFFFF, s12;
	[sflag:s3] =	ssyncset.done $0x0  }
.LBB2_1:
0x17: {  	p0 =	sne.s32 s12, $0x1;
	s12 =	sadd.s32 $0xFFFFFFFF, s12;
	[sflag:s3] =	ssyncadd.s32 $0xFFFF63C0  }
0x18: {  	[tilespmem:s2], [sflag:$0x2] =	stream.linear.gather [hbm4b:s4+s2], $0x9C8, $0x38;
	[tilespmem:$0xAFD0] =	vst v63  }
0x19: {  	_ =	swait.ge [sflag:s3], $0x9C8  }
0x1a: {  	[sflag:s3] =	ssyncset.done $0x0  }
0x1b: {  	[sflag:s3] =	ssyncadd.s32 $0xFFFFF638  }
0x1c: {  	[tilespmem:s6], [sflag:$0x2] =	stream.linear.gather [hbm4b:s5+s2], $0x9C8, $0x38;
	[tilespmem:$0xAFD0] =	vst v63  }
0x1d: {  	_ =	swait.ge [sflag:s3], $0x9C8  }
0x1e: {  	[sflag:s3] =	ssyncset.done $0x0  }
0x1f: {  	[sflag:s3] =	ssyncadd.s32 $0xFFFFF638  }
0x20: {  	[tilespmem:s9], [sflag:$0x1] =	stream.indirect.gather [hbm4b:s7+s8], $0x10, s2, s8, $0xb8;
	[tilespmem:$0xAFD0] =	vst v63  }
0x21: {  	_ =	swait.ge [sflag:s10], $0x9C40  }
.Ltmp1:
0x22: {  	[sflag:s10] =	ssyncset.done $0x0;
	(pc) =	sbr.rel @p0 .LBB2_1-.Ltmp1, $4  }
0x23: {  	[sflag:s10] =	ssyncadd.s32 $0xFFFF63C0  }
0x24: {  	[hbm4b:s11+s8] =	stream.indirect.scatter [tilespmem:s9], [sflag:$0x2], $0x10, s6, s8, $0xb8;
	[tilespmem:$0xAFD0] =	vst v63  }
0x25: {  	_ =	swait.ge [sflag:s3], $0x9C40  }
0x26: {  	[sflag:s3] =	ssyncset.done $0x0  }
.LBB2_2:
0x27: {  	[sflag:s3] =	ssyncadd.s32 $0xFFFF63C0  }
0x28: {  	_ =	sfence.sel $0x180000  }
0x29: {  	[bflag:$0x0] =	sbarrier.arrive $0xFFFF  }
0x2a: {  	p0 =	sne.s32 s0, $0x0;
	_ =	strace $0x90000053  }
0x2b: {  	s0 =	sadd.s32 @!p0 $0x100000, s1;
	[bflag:$0x2] =	sbarrier.arrive $0xFFFF  }
0x2c: {  	[sflag:s0] =	ssyncadd.tile.s32 @!p0 $0x1;
	_ =	shalt  }
.Lfunc_end2:
_tile_overlayer_lowered:
.L_overlay_start_2:
0x2d: {  	(tag) =	ssettag $0x2  }
0x2e: {  	s0 =	rddreg [dreg:$0x0];
	s2 =	stileid.u32  }
0x2f: {  	s1 =	rddreg [dreg:$0x1];
	p0 =	sne.s32 s2, $0x0  }
0x30: {  	s3 =	rddreg [dreg:$0x2];
	[bflag:$0x3] =	sbarrier.arrive $0xFFFF;
	s2 =	simm.s32 @!p0 $0x1C02  }
0x31: {  	[timem:s3], [sflag:s2] =	dma.local @!p0 [hbm:s0], s1  }
0x32: {  	s0 =	simm.s32 @!p0 $0x2  }
0x33: {  	_ =	swait.ge @!p0 [sflag:s0], s1  }
0x34: {  	s1 =	ssub.s32 @!p0 $0x0, s1;
	[sflag:s0] =	ssyncset.done @!p0 $0x0  }
0x35: {  	[sflag:s0] =	ssyncadd.s32 @!p0 s1  }
0x36: {  	[bflag:$0x3] =	sbarrier.arrive $0xFFFF  }
0x37: {  	_ =	shalt  }

// kernel: kernel.35.cloned.1.call-start
scs
__scs_entry_jumppad:
0x0: {  	(pc) =	sbr.rel $0x88, $3  }
0x1: {  	(tag) =	ssettag $0x0;
	lr =	simm.s32 $0x1  }
0x2: {  	[smem:$0x3F8D] =	sst lr;
	_ =	strace $0xD0000000  }
0x3: {  	_ = 	snop  }
0x4: {  	_ = 	snop  }
0x5: {  	_ = 	snop  }
0x6: {  	_ = 	snop  }
0x7: {  	_ = 	snop  }
__scs_overlays_trampoline_lowered:
0x8: {  	[smem:$0x3F9C] =	sst s0  }
0x9: {  	[smem:$0x3F9D] =	sst s1  }
0xa: {  	[smem:$0x3F9E] =	sst s2  }
0xb: {  	[smem:$0x3F9F] =	sst s3  }
0xc: {  	[smem:$0x3FA0] =	sst s4  }
0xd: {  	[smem:$0x3FA1] =	sst s5  }
0xe: {  	[smem:$0x3FA2] =	sst s6  }
0xf: {  	[smem:$0x3FA3] =	sst s7  }
0x10: {  	[smem:$0x3FA4] =	sst s8  }
0x11: {  	[smem:$0x3FA5] =	sst s9;
	s0 =	simm.s32 @!p0 $0x0  }
0x12: {  	s1 =	sld [smem:$0x3F8B];
	s0 =	simm.s32 @p0 $0x1  }
0x13: {  	[smem:$0x3FA6] =	sst s0;
	s0 =	simm.s32 @!p1 $0x0  }
0x14: {  	s2 =	sld [smem:$0x3F8A];
	s0 =	simm.s32 @p1 $0x1  }
0x15: {  	[smem:$0x3FA7] =	sst s0;
	s0 =	simm.s32 @!p2 $0x0  }
0x16: {  	s3 =	sld [smem:$0x3FDB];
	s0 =	simm.s32 @p2 $0x1  }
0x17: {  	s4 =	simm.s32 $0x1BF5;
	[smem:$0x3FA9] =	sst s0  }
0x18: {  	s0 =	sld [smem:$0x3F8C];
	_ =	swait.ge [sflag:s4], $0x0  }
0x19: {  	s7 =	sld [smem:$0x3F8D]  }
0x1a: {  	s8 =	sadd.s32 $0xFFFFE003, lr  }
0x1b: {  	s9 =	sadd.s32 $0xFFFFFEF7, lr;
	s5 =	simm.s32 $0xFFFFFFFF;
	p2 =	slt.u32 s8, $0xFFFFF086  }
0x1c: {  	p1 =	slt.u32 s9, $0xF7A;
	s5 =	simm.s32 @!p2 $0x0  }
0x1d: {  	s5 =	simm.s32 @p1 $0x1;
	p0 =	seq.s32 s7, s2  }
0x1e: {  	s7 =	smul.u32 @!p0 $0xF7A, s2;
	p2 =	seq.s32 @!p0 s5, $0x0  }
0x1f: {  	s9 =	smul.u32 $0xF7A, s1;
	s8 =	simm.s32 @!p0 $0x1BF5;
	p2 =	por !p2, p0  }
0x20: {  	[sflag:s8] =	ssyncset.s32 @!p0 $0xFFFFF086;
	s6 =	sadd.s32 @!p0 s3, s7;
	s7 =	simm.s32 @!p0 $0x108  }
0x21: {  	s3 =	sadd.s32 s3, s9;
	s6 =	sadd.s32 @!p0 $0x88, s6;
	s7 =	simm.s32 @p2 $0x1082  }
0x22: {  	[simem:s7], [sflag:s8] =	dma.local @!p0 [hbm:s6], $0xF7A  }
0x23: {  	s9 =	sor.u32 $0xD0000000, s2;
	s6 =	simm.s32 $0x108;
	_ =	swait.ge @!p0 [sflag:s8], $0x0  }
0x24: {  	s3 =	sadd.s32 $0x88, s3;
	s6 =	simm.s32 @!p1 $0x1082;
	[sflag:s4] =	ssyncset.s32 $0xFFFFF086  }
0x25: {  	[simem:s6], [sflag:s4] =	dma.local [hbm:s3], $0xF7A  }
0x26: {  	[smem:$0x3F8D] =	sst s1;
	(tag) =	ssettag s2;
	_ =	strace s9  }
0x27: {  	s1 =	sld [smem:$0x3F9D]  }
0x28: {  	s2 =	sld [smem:$0x3F9E]  }
0x29: {  	s4 =	sld [smem:$0x3FA0]  }
0x2a: {  	p0 =	seq.s32 s5, $0x0;
	s5 =	sld [smem:$0x3FA1]  }
0x2b: {  	s6 =	sld [smem:$0x3FA2]  }
0x2c: {  	s7 =	sld [smem:$0x3FA3]  }
0x2d: {  	s3 =	simm.s32 $0x108;
	s8 =	sld [smem:$0x3FA4]  }
0x2e: {  	s3 =	simm.s32 @!p0 $0x1082;
	s9 =	sld [smem:$0x3FA5]  }
0x2f: {  	lr =	sadd.s32 s0, s3;
	s0 =	sld [smem:$0x3F9C]  }
0x30: {  	s3 =	sld [smem:$0x3F9F]  }
0x31: {  	[smem:$0x3FA8] =	sst s10  }
0x32: {  	s10 =	sld [smem:$0x3FA6];
	_ =	sdelay $0x3  }
0x33: {  	p0 =	seq.s32 s10, $0x1;
	s10 =	sld [smem:$0x3FA8];
	_ =	sdelay $0x3  }
0x34: {  	[smem:$0x3FA8] =	sst s10  }
0x35: {  	s10 =	sld [smem:$0x3FA7];
	_ =	sdelay $0x3  }
0x36: {  	p1 =	seq.s32 s10, $0x1;
	s10 =	sld [smem:$0x3FA8];
	_ =	sdelay $0x3  }
0x37: {  	[smem:$0x3FA8] =	sst s10  }
0x38: {  	s10 =	sld [smem:$0x3FA9]  }
0x39: {  	_ = 	snop;
	(pc) =	sbr.ind lr, $3  }
0x3a: {  	_ = 	snop  }
0x3b: {  	_ = 	snop  }
0x3c: {  	p2 =	seq.s32 s10, $0x1;
	s10 =	sld [smem:$0x3FA8]  }
0x3d: {  	_ =	shalt  }
0x3e: {  	_ =	shalt  }
0x3f: {  	_ =	shalt  }
0x40: {  	_ =	shalt  }
0x41: {  	_ =	shalt  }
0x42: {  	_ =	shalt  }
0x43: {  	_ =	shalt  }
0x44: {  	_ =	shalt  }
0x45: {  	_ =	shalt  }
0x46: {  	_ =	shalt  }
0x47: {  	_ =	shalt  }
0x48: {  	_ =	shalt  }
0x49: {  	_ =	shalt  }
0x4a: {  	_ =	shalt  }
0x4b: {  	_ =	shalt  }
0x4c: {  	_ =	shalt  }
0x4d: {  	_ =	shalt  }
0x4e: {  	_ =	shalt  }
0x4f: {  	_ =	shalt  }
0x50: {  	_ =	shalt  }
0x51: {  	_ =	shalt  }
0x52: {  	_ =	shalt  }
0x53: {  	_ =	shalt  }
0x54: {  	_ =	shalt  }
0x55: {  	_ =	shalt  }
0x56: {  	_ =	shalt  }
0x57: {  	_ =	shalt  }
0x58: {  	_ =	shalt  }
0x59: {  	_ =	shalt  }
0x5a: {  	_ =	shalt  }
0x5b: {  	_ =	shalt  }
0x5c: {  	_ =	shalt  }
0x5d: {  	_ =	shalt  }
0x5e: {  	_ =	shalt  }
0x5f: {  	_ =	shalt  }
0x60: {  	_ =	shalt  }
0x61: {  	_ =	shalt  }
0x62: {  	_ =	shalt  }
0x63: {  	_ =	shalt  }
0x64: {  	_ =	shalt  }
0x65: {  	_ =	shalt  }
0x66: {  	_ =	shalt  }
0x67: {  	_ =	shalt  }
0x68: {  	_ =	shalt  }
0x69: {  	_ =	shalt  }
0x6a: {  	_ =	shalt  }
0x6b: {  	_ =	shalt  }
0x6c: {  	_ =	shalt  }
0x6d: {  	_ =	shalt  }
0x6e: {  	_ =	shalt  }
0x6f: {  	_ =	shalt  }
0x70: {  	_ =	shalt  }
0x71: {  	_ =	shalt  }
0x72: {  	_ =	shalt  }
0x73: {  	_ =	shalt  }
0x74: {  	_ =	shalt  }
0x75: {  	_ =	shalt  }
0x76: {  	_ =	shalt  }
0x77: {  	_ =	shalt  }
0x78: {  	_ =	shalt  }
0x79: {  	_ =	shalt  }
0x7a: {  	_ =	shalt  }
0x7b: {  	_ =	shalt  }
0x7c: {  	_ =	shalt  }
0x7d: {  	_ =	shalt  }
0x7e: {  	_ =	shalt  }
0x7f: {  	_ =	shalt  }
0x80: {  	_ =	shalt  }
0x81: {  	_ =	shalt  }
0x82: {  	_ =	shalt  }
0x83: {  	_ =	shalt  }
0x84: {  	_ =	shalt  }
0x85: {  	_ =	shalt  }
0x86: {  	_ =	shalt  }
0x87: {  	_ =	shalt  }
.Lfunc_end0:
.L_simem_size_0:
called_computation.6_lowered:
.L_overlay_start_0:
0x88: {  	s2 =	sld [smem:$0x3FD9]  }
0x89: {  	s3 =	sld [smem:$0x3FFE];
	_ =	sdelay $0x1  }
0x8a: {  	s1 =	srdreg.scid  }
0x8b: {  	s0 =	sand.u32 $0x1, s1  }
0x8c: {  	s17 =	sshll.u32 s0, $0xA;
	s2 =	sadd.s32 s3, s2  }
0x8d: {  	s2 =	sadd.s32 s2, s17  }
0x8e: {  	[smem:$0x3FB4] =	sst s2  }
0x8f: {  	_ = 	snop  }
0x90: {  	(tm) =	ssettm $0x1  }
0x91: {  	s18 =	sld [smem:$0x3FFB];
	_ =	sdelay $0x3  }
0x92: {  	_ =	strace s18  }
0x93: {  	s2 =	sld [smem:$0x3FFC];
	_ =	sdelay $0x3  }
0x94: {  	_ =	strace s2  }
0x95: {  	s2 =	sld [smem:$0x3FFD];
	_ =	sdelay $0x3  }
0x96: {  	_ =	strace s2  }
0x97: {  	_ =	strace $0x8FFFFFFF  }
0x98: {  	s19 =	sld [smem:$0x3FDB];
	_ =	sdelay $0x1  }
0x99: {  	s20 =	simm.s32 $_scs_section_size  }
0x9a: {  	s4 =	simm.s32 $_size__tile_overlayer_lowered;
	s5 =	simm.s32 $_tile_overlayer_lowered  }
0x9b: {  	s6 =	simm.s32 $0x1BFF;
	s21 =	sshll.u32 s5, $0x1;
	s3 =	sadd.s32 s20, s19  }
0x9c: {  	s22 =	simm.s32 $0x0;
	s4 =	sshll.u32 s4, $0x1;
	s5 =	sadd.s32 s21, s3  }
0x9d: {  	[timem:s22], [sflag:s6] =	dma.local [hbm:s5], s4  }
0x9e: {  	_ =	swait.ge [sflag:s6], s4  }
0x9f: {  	s4 =	ssub.s32 $0x0, s4;
	[sflag:s6] =	ssyncset.done $0x0  }
0xa0: {  	[sflag:s6] =	ssyncadd.s32 s4;
	_ =	sdelay $0x1  }
0xa1: {  	s23 =	simm.s32 $0x1B8B  }
0xa2: {  	_ =	swait.ge [sflag:s23], $0x1  }
0xa3: {  	[sflag:s23] =	ssyncset.done $0x0  }
0xa4: {  	[sflag:s23] =	ssyncadd.s32 $0xFFFFFFFF  }
0xa5: {  	s4 =	sld [smem:$0x0]  }
0xa6: {  	s5 =	sand.u32 $0xFFFFFFFE, s1  }
0xa7: {  	p0 =	sne.s32 s1, s5  }
0xa8: {  	s5 =	sshll.u32 @p0 s5, $0xE  }
0xa9: {  	s5 =	sadd.s32 @p0 $0x11B8D, s5;
	s6 =	sshll.u32 @p0 s4, $0x11  }
0xaa: {  	s5 =	sor.u32 @p0 s6, s5  }
0xab: {  	[sflag:s5] =	ssyncadd.remote.s32 @p0 $0x1;
	_ =	sdelay $0x1  }
0xac: {  	s5 =	simm.s32 @p0 $0x1B8D  }
0xad: {  	_ =	swait.eq @p0 [sflag:s5], $0x1  }
0xae: {  	[sflag:s5] =	ssyncadd.s32 @p0 $0xFFFFFFFF  }
0xaf: {  	s6 =	sshll.u32 @!p0 s1, $0xE  }
0xb0: {  	s6 =	sor.u32 @!p0 $0x4000, s6;
	s5 =	simm.s32 @!p0 $0x1B8D  }
0xb1: {  	s4 =	sshll.u32 @!p0 s4, $0x11;
	s6 =	sadd.s32 @!p0 $0x11B8D, s6;
	_ =	swait.eq @!p0 [sflag:s5], $0x1  }
0xb2: {  	s4 =	sor.u32 @!p0 s4, s6;
	[sflag:s5] =	ssyncadd.s32 @!p0 $0xFFFFFFFF  }
0xb3: {  	s25 =	simm.s32 $0x1B8E;
	s24 =	sld [smem:$0x3FFE];
	[sflag:s4] =	ssyncadd.remote.s32 @!p0 $0x1  }
0xb4: {  	s26 =	simm.s32 $execute0_lowered;
	[smem:$0x3FD2] =	sst s25  }
0xb5: {  	s5 =	sshll.u32 s26, $0x1;
	_ =	strace $0x8000005B;
	[dreg:$0x1] =	wrdreg $0xFFFFFFFF  }
0xb6: {  	s28 =	simm.s32 $_size_execute0_lowered;
	s3 =	sadd.s32 s3, s5;
	[dreg:$0x0] =	wrdreg $0x0  }
0xb7: {  	s5 =	sshll.u32 s28, $0x1;
	[dreg:$0x2] =	wrdreg s3  }
0xb8: {  	[dreg:$0x3] =	wrdreg s5  }
0xb9: {  	[dreg:$0x4] =	wrdreg $0xC0  }
0xba: {  	_ =	task [dreg:s22], $0x5FFFF  }
0xbb: {  	[dreg:$0x1] =	wrdreg $0xFFFFFFFF  }
0xbc: {  	[dreg:$0x0] =	wrdreg $0x60  }
0xbd: {  	[dreg:$0x2] =	wrdreg s24  }
0xbe: {  	[dreg:$0x3] =	wrdreg $0xAFD00  }
0xbf: {  	[dreg:$0x4] =	wrdreg $0x9  }
0xc0: {  	_ =	task.clear_ibuf [dreg:s22], $0x5FFFF;
	_ =	strace $0x9000005B  }
0xc1: {  	s29 =	simm.s32 $0x9;
	_ =	strace $0x8000005D  }
0xc2: {  	_ =	swait.ge [sflag:s29], $0x1  }
0xc3: {  	[sflag:s29] =	ssyncadd.s32 $0xFFFFFFFF  }
0xc4: {  	_ =	strace $0x9000005D  }
0xc5: {  	_ =	sfence  }
0xc6: {  	s30 =	sld [smem:$0x0];
	_ =	sdelay $0x2  }
0xc7: {  	s31 =	sshll.u32 s1, $0xD;
	s1 =	sshrl.u32 s1, $0x2  }
0xc8: {  	s4 =	sand.u32 $0x4000, s31;
	s1 =	sadd.s32 s1, s30  }
0xc9: {  	s0 =	sor.u32 s4, s0;
	s1 =	sshll.u32 s1, $0x11  }
0xca: {  	s0 =	sor.u32 s1, s0  }
0xcb: {  	s0 =	sadd.s32 $0x8F2B, s0  }
0xcc: {  	[sflag:s0] =	ssyncadd.remote.s32 $0x1  }
0xcd: {  	_ =	sfence.sel $0xFFFF  }
0xce: {  	[dreg:$0x0] =	wrdreg $0xFFFFFFFF;
	(pc) =	sbr.abs _section_cstart, $3  }
0xcf: {  	[dreg:$0x1] =	wrdreg $0xFFFFFFFF  }
0xd0: {  	_ =	task.clear_ibuf [dreg:s22], $0x2FFFF;
	_ =	strace $0x9FFFFFFF  }
0xd1: {  	(tm) =	ssettm $0x7FFFFFFF  }
tec
execute0_lowered:
.L_overlay_start_1:
0x0: {  	(tag) =	ssettag $0x1  }
0x1: {  	s15 =	rddreg [dreg:$0x0]  }
0x2: {  	s2 =	rddreg [dreg:$0x1];
	s1 =	stileid.u32  }
0x3: {  	s0 =	rddreg [dreg:$0x2];
	s3 =	simm.s32 $0x0;
	s4 =	srdreg.scid  }
0x4: {  	s16 =	smul.u32 $0x2710, s1;
	[smem:$0x7FF] =	sst s3  }
0x5: {  	s17 =	sand.u32 $0x1, s4;
	s26 =	sshll.u32 s1, $0x1;
	s29 =	sshll.u32 s1, $0x6  }
0x6: {  	_ =	strace $0x8000005C;
	s8 =	sor.u32 s17, s26;
	s5 =	sshrl.u32 s16, $0x3  }
0x7: {  	s6 =	sadd.s32 s16, s2;
	s28 =	sadd.s32 s5, s15;
	s5 =	sor.u32 $0x1C02, s29  }
0x8: {  	s7 =	sshrl.u32 s6, $0x3;
	s6 =	simm.s32 $0x2;
	s4 =	sadd.s32 $0x2D3E00, s28  }
0x9: {  	[spmem:s7], [sflag:s5] =	dma.local [hbm:s4], $0x4E2  }
0xa: {  	s8 =	smul.u32 $0x139, s8;
	_ =	swait.ge [sflag:s6], $0x4E2  }
0xb: {  	[sflag:s6] =	ssyncset.done $0x0  }
0xc: {  	s9 =	sadd.s32 s8, s15;
	[sflag:s6] =	ssyncadd.s32 $0xFFFFFB1E  }
0xd: {  	s8 =	sadd.s32 $0x2E2C00, s9;
	[bflag:$0x0] =	sbarrier.arrive $0xFFFF  }
0xe: {  	[tilespmem:s3], [sflag:$0x2] =	stream.linear.gather [hbm4b:s8+s3], $0x9C8, $0x38;
	[tilespmem:$0xD6E0] =	vst v63  }
0xf: {  	_ =	swait.ge [sflag:s6], $0x9C8  }
0x10: {  	[sflag:s6] =	ssyncset.done $0x0  }
0x11: {  	s10 =	simm.s32 $0x9C8;
	s9 =	sadd.s32 $0x5A00, s9;
	[sflag:s6] =	ssyncadd.s32 $0xFFFFF638  }
0x12: {  	[tilespmem:s10], [sflag:$0x2] =	stream.linear.gather [hbm4b:s9+s3], $0x9C8, $0x38;
	[tilespmem:$0xD6E0] =	vst v63  }
0x13: {  	s12 =	simm.s32 $0x9C4;
	_ =	swait.ge [sflag:s6], $0x9C8  }
0x14: {  	s13 =	simm.s32 $0x1390;
	s14 =	simm.s32 $0x1;
	[sflag:s6] =	ssyncset.done $0x0  }
0x15: {  	s11 =	sadd.s32 $0x8200, s15;
	s18 =	smul.u32 $0x27100, s17;
	[sflag:s6] =	ssyncadd.s32 $0xFFFFF638  }
0x16: {  	[tilespmem:s13], [sflag:$0x1] =	stream.indirect.gather [hbm4b:s11+s12], $0x10, s10, s12, $0xb8;
	[tilespmem:$0xD6E0] =	vst v63  }
0x17: {  	s17 =	ssub.s32 $0x2, s17;
	_ =	swait.ge [sflag:s14], $0x9C40  }
0x18: {  	s30 =	sshrl.u32 s17, $0x1;
	s16 =	sadd.s32 s16, s18;
	[sflag:s14] =	ssyncset.done $0x0  }
0x19: {  	s31 =	ssub.s32 s17, s30;
	s16 =	sshrl.u32 s16, $0x3;
	[sflag:s14] =	ssyncadd.s32 $0xFFFF63C0  }
0x1a: {  	[spmem:s2] =	stream.indirect.scatter.add.f32 [tilespmem:s13], [sflag:$0x2], $0x10, s3, s12, $0xb8;
	[tilespmem:$0xD6E0] =	vst v63  }
0x1b: {  	s15 =	sadd.s32 s16, s15;
	s16 =	smax.u32 s31, $0x1;
	_ =	swait.ge [sflag:s6], $0x9C40  }
0x1c: {  	p0 =	sne.s32 s16, $0x1;
	[sflag:s6] =	ssyncset.done $0x0  }
.Ltmp0:
0x1d: {  	[sflag:s6] =	ssyncadd.s32 $0xFFFF63C0;
	(pc) =	sbr.rel @!p0 .LBB2_2-.Ltmp0, $4  }
0x1e: {  	s15 =	sadd.s32 $0x2F400, s15;
	[bflag:$0x0] =	sbarrier.arrive $0xFFFF  }
0x1f: {  	[hbm:s15], [sflag:s5] =	dma.local [spmem:s7], $0x4E2  }
0x20: {  	_ =	swait.ge [sflag:s6], $0x4E2  }
0x21: {  	s16 =	sadd.s32 $0xFFFFFFFF, s16;
	[sflag:s6] =	ssyncset.done $0x0  }
.LBB2_1:
0x22: {  	p0 =	sne.s32 s16, $0x1;
	s16 =	sadd.s32 $0xFFFFFFFF, s16;
	[sflag:s6] =	ssyncadd.s32 $0xFFFFFB1E  }
0x23: {  	[spmem:s7], [sflag:s5] =	dma.local [hbm:s4], $0x4E2  }
0x24: {  	_ =	swait.ge [sflag:s6], $0x4E2  }
0x25: {  	[sflag:s6] =	ssyncset.done $0x0  }
0x26: {  	[sflag:s6] =	ssyncadd.s32 $0xFFFFFB1E  }
0x27: {  	[bflag:$0x0] =	sbarrier.arrive $0xFFFF  }
0x28: {  	[tilespmem:s3], [sflag:$0x2] =	stream.linear.gather [hbm4b:s8+s3], $0x9C8, $0x38;
	[tilespmem:$0xD6E0] =	vst v63  }
0x29: {  	_ =	swait.ge [sflag:s6], $0x9C8  }
0x2a: {  	[sflag:s6] =	ssyncset.done $0x0  }
0x2b: {  	[sflag:s6] =	ssyncadd.s32 $0xFFFFF638  }
0x2c: {  	[tilespmem:s10], [sflag:$0x2] =	stream.linear.gather [hbm4b:s9+s3], $0x9C8, $0x38;
	[tilespmem:$0xD6E0] =	vst v63  }
0x2d: {  	_ =	swait.ge [sflag:s6], $0x9C8  }
0x2e: {  	[sflag:s6] =	ssyncset.done $0x0  }
0x2f: {  	[sflag:s6] =	ssyncadd.s32 $0xFFFFF638  }
0x30: {  	[tilespmem:s13], [sflag:$0x1] =	stream.indirect.gather [hbm4b:s11+s12], $0x10, s10, s12, $0xb8;
	[tilespmem:$0xD6E0] =	vst v63  }
0x31: {  	_ =	swait.ge [sflag:s14], $0x9C40  }
0x32: {  	[sflag:s14] =	ssyncset.done $0x0  }
0x33: {  	[sflag:s14] =	ssyncadd.s32 $0xFFFF63C0  }
0x34: {  	[spmem:s2] =	stream.indirect.scatter.add.f32 [tilespmem:s13], [sflag:$0x2], $0x10, s3, s12, $0xb8;
	[tilespmem:$0xD6E0] =	vst v63  }
0x35: {  	_ =	swait.ge [sflag:s6], $0x9C40  }
0x36: {  	[sflag:s6] =	ssyncset.done $0x0  }
.Ltmp1:
0x37: {  	[sflag:s6] =	ssyncadd.s32 $0xFFFF63C0;
	(pc) =	sbr.rel @p0 .LBB2_1-.Ltmp1, $4  }
0x38: {  	[bflag:$0x0] =	sbarrier.arrive $0xFFFF  }
0x39: {  	[hbm:s15], [sflag:s5] =	dma.local [spmem:s7], $0x4E2  }
0x3a: {  	_ =	swait.ge [sflag:s6], $0x4E2  }
0x3b: {  	[sflag:s6] =	ssyncset.done $0x0  }
.LBB2_2:
0x3c: {  	[sflag:s6] =	ssyncadd.s32 $0xFFFFFB1E  }
0x3d: {  	_ =	sfence.sel $0x180000  }
0x3e: {  	[bflag:$0x0] =	sbarrier.arrive $0xFFFF  }
0x3f: {  	p0 =	sne.s32 s1, $0x0;
	_ =	strace $0x9000005C  }
0x40: {  	s0 =	sadd.s32 @!p0 $0x100000, s0;
	[bflag:$0x2] =	sbarrier.arrive $0xFFFF  }
0x41: {  	[sflag:s0] =	ssyncadd.tile.s32 @!p0 $0x1;
	_ =	shalt  }
.Lfunc_end2:
_tile_overlayer_lowered:
.L_overlay_start_2:
0x42: {  	(tag) =	ssettag $0x2  }
0x43: {  	s0 =	rddreg [dreg:$0x0];
	s2 =	stileid.u32  }
0x44: {  	s1 =	rddreg [dreg:$0x1];
	p0 =	sne.s32 s2, $0x0  }
0x45: {  	s3 =	rddreg [dreg:$0x2];
	[bflag:$0x3] =	sbarrier.arrive $0xFFFF;
	s2 =	simm.s32 @!p0 $0x1C02  }
0x46: {  	[timem:s3], [sflag:s2] =	dma.local @!p0 [hbm:s0], s1  }
0x47: {  	s0 =	simm.s32 @!p0 $0x2  }
0x48: {  	_ =	swait.ge @!p0 [sflag:s0], s1  }
0x49: {  	s1 =	ssub.s32 @!p0 $0x0, s1;
	[sflag:s0] =	ssyncset.done @!p0 $0x0  }
0x4a: {  	[sflag:s0] =	ssyncadd.s32 @!p0 s1  }
0x4b: {  	[bflag:$0x3] =	sbarrier.arrive $0xFFFF  }
0x4c: {  	_ =	shalt  }

// kernel: kernel.38.cloned.1.call-start
scs
__scs_entry_jumppad:
0x0: {  	(pc) =	sbr.rel $0x88, $3  }
0x1: {  	(tag) =	ssettag $0x0;
	lr =	simm.s32 $0x1  }
0x2: {  	[smem:$0x3F8D] =	sst lr;
	_ =	strace $0xD0000000  }
0x3: {  	_ = 	snop  }
0x4: {  	_ = 	snop  }
0x5: {  	_ = 	snop  }
0x6: {  	_ = 	snop  }
0x7: {  	_ = 	snop  }
__scs_overlays_trampoline_lowered:
0x8: {  	[smem:$0x3F9C] =	sst s0  }
0x9: {  	[smem:$0x3F9D] =	sst s1  }
0xa: {  	[smem:$0x3F9E] =	sst s2  }
0xb: {  	[smem:$0x3F9F] =	sst s3  }
0xc: {  	[smem:$0x3FA0] =	sst s4  }
0xd: {  	[smem:$0x3FA1] =	sst s5  }
0xe: {  	[smem:$0x3FA2] =	sst s6  }
0xf: {  	[smem:$0x3FA3] =	sst s7  }
0x10: {  	[smem:$0x3FA4] =	sst s8  }
0x11: {  	[smem:$0x3FA5] =	sst s9;
	s0 =	simm.s32 @!p0 $0x0  }
0x12: {  	s1 =	sld [smem:$0x3F8B];
	s0 =	simm.s32 @p0 $0x1  }
0x13: {  	[smem:$0x3FA6] =	sst s0;
	s0 =	simm.s32 @!p1 $0x0  }
0x14: {  	s2 =	sld [smem:$0x3F8A];
	s0 =	simm.s32 @p1 $0x1  }
0x15: {  	[smem:$0x3FA7] =	sst s0;
	s0 =	simm.s32 @!p2 $0x0  }
0x16: {  	s3 =	sld [smem:$0x3FDB];
	s0 =	simm.s32 @p2 $0x1  }
0x17: {  	s4 =	simm.s32 $0x1BF5;
	[smem:$0x3FA9] =	sst s0  }
0x18: {  	s0 =	sld [smem:$0x3F8C];
	_ =	swait.ge [sflag:s4], $0x0  }
0x19: {  	s7 =	sld [smem:$0x3F8D]  }
0x1a: {  	s8 =	sadd.s32 $0xFFFFE003, lr  }
0x1b: {  	s9 =	sadd.s32 $0xFFFFFEF7, lr;
	s5 =	simm.s32 $0xFFFFFFFF;
	p2 =	slt.u32 s8, $0xFFFFF086  }
0x1c: {  	p1 =	slt.u32 s9, $0xF7A;
	s5 =	simm.s32 @!p2 $0x0  }
0x1d: {  	s5 =	simm.s32 @p1 $0x1;
	p0 =	seq.s32 s7, s2  }
0x1e: {  	s7 =	smul.u32 @!p0 $0xF7A, s2;
	p2 =	seq.s32 @!p0 s5, $0x0  }
0x1f: {  	s9 =	smul.u32 $0xF7A, s1;
	s8 =	simm.s32 @!p0 $0x1BF5;
	p2 =	por !p2, p0  }
0x20: {  	[sflag:s8] =	ssyncset.s32 @!p0 $0xFFFFF086;
	s6 =	sadd.s32 @!p0 s3, s7;
	s7 =	simm.s32 @!p0 $0x108  }
0x21: {  	s3 =	sadd.s32 s3, s9;
	s6 =	sadd.s32 @!p0 $0x88, s6;
	s7 =	simm.s32 @p2 $0x1082  }
0x22: {  	[simem:s7], [sflag:s8] =	dma.local @!p0 [hbm:s6], $0xF7A  }
0x23: {  	s9 =	sor.u32 $0xD0000000, s2;
	s6 =	simm.s32 $0x108;
	_ =	swait.ge @!p0 [sflag:s8], $0x0  }
0x24: {  	s3 =	sadd.s32 $0x88, s3;
	s6 =	simm.s32 @!p1 $0x1082;
	[sflag:s4] =	ssyncset.s32 $0xFFFFF086  }
0x25: {  	[simem:s6], [sflag:s4] =	dma.local [hbm:s3], $0xF7A  }
0x26: {  	[smem:$0x3F8D] =	sst s1;
	(tag) =	ssettag s2;
	_ =	strace s9  }
0x27: {  	s1 =	sld [smem:$0x3F9D]  }
0x28: {  	s2 =	sld [smem:$0x3F9E]  }
0x29: {  	s4 =	sld [smem:$0x3FA0]  }
0x2a: {  	p0 =	seq.s32 s5, $0x0;
	s5 =	sld [smem:$0x3FA1]  }
0x2b: {  	s6 =	sld [smem:$0x3FA2]  }
0x2c: {  	s7 =	sld [smem:$0x3FA3]  }
0x2d: {  	s3 =	simm.s32 $0x108;
	s8 =	sld [smem:$0x3FA4]  }
0x2e: {  	s3 =	simm.s32 @!p0 $0x1082;
	s9 =	sld [smem:$0x3FA5]  }
0x2f: {  	lr =	sadd.s32 s0, s3;
	s0 =	sld [smem:$0x3F9C]  }
0x30: {  	s3 =	sld [smem:$0x3F9F]  }
0x31: {  	[smem:$0x3FA8] =	sst s10  }
0x32: {  	s10 =	sld [smem:$0x3FA6];
	_ =	sdelay $0x3  }
0x33: {  	p0 =	seq.s32 s10, $0x1;
	s10 =	sld [smem:$0x3FA8];
	_ =	sdelay $0x3  }
0x34: {  	[smem:$0x3FA8] =	sst s10  }
0x35: {  	s10 =	sld [smem:$0x3FA7];
	_ =	sdelay $0x3  }
0x36: {  	p1 =	seq.s32 s10, $0x1;
	s10 =	sld [smem:$0x3FA8];
	_ =	sdelay $0x3  }
0x37: {  	[smem:$0x3FA8] =	sst s10  }
0x38: {  	s10 =	sld [smem:$0x3FA9]  }
0x39: {  	_ = 	snop;
	(pc) =	sbr.ind lr, $3  }
0x3a: {  	_ = 	snop  }
0x3b: {  	_ = 	snop  }
0x3c: {  	p2 =	seq.s32 s10, $0x1;
	s10 =	sld [smem:$0x3FA8]  }
0x3d: {  	_ =	shalt  }
0x3e: {  	_ =	shalt  }
0x3f: {  	_ =	shalt  }
0x40: {  	_ =	shalt  }
0x41: {  	_ =	shalt  }
0x42: {  	_ =	shalt  }
0x43: {  	_ =	shalt  }
0x44: {  	_ =	shalt  }
0x45: {  	_ =	shalt  }
0x46: {  	_ =	shalt  }
0x47: {  	_ =	shalt  }
0x48: {  	_ =	shalt  }
0x49: {  	_ =	shalt  }
0x4a: {  	_ =	shalt  }
0x4b: {  	_ =	shalt  }
0x4c: {  	_ =	shalt  }
0x4d: {  	_ =	shalt  }
0x4e: {  	_ =	shalt  }
0x4f: {  	_ =	shalt  }
0x50: {  	_ =	shalt  }
0x51: {  	_ =	shalt  }
0x52: {  	_ =	shalt  }
0x53: {  	_ =	shalt  }
0x54: {  	_ =	shalt  }
0x55: {  	_ =	shalt  }
0x56: {  	_ =	shalt  }
0x57: {  	_ =	shalt  }
0x58: {  	_ =	shalt  }
0x59: {  	_ =	shalt  }
0x5a: {  	_ =	shalt  }
0x5b: {  	_ =	shalt  }
0x5c: {  	_ =	shalt  }
0x5d: {  	_ =	shalt  }
0x5e: {  	_ =	shalt  }
0x5f: {  	_ =	shalt  }
0x60: {  	_ =	shalt  }
0x61: {  	_ =	shalt  }
0x62: {  	_ =	shalt  }
0x63: {  	_ =	shalt  }
0x64: {  	_ =	shalt  }
0x65: {  	_ =	shalt  }
0x66: {  	_ =	shalt  }
0x67: {  	_ =	shalt  }
0x68: {  	_ =	shalt  }
0x69: {  	_ =	shalt  }
0x6a: {  	_ =	shalt  }
0x6b: {  	_ =	shalt  }
0x6c: {  	_ =	shalt  }
0x6d: {  	_ =	shalt  }
0x6e: {  	_ =	shalt  }
0x6f: {  	_ =	shalt  }
0x70: {  	_ =	shalt  }
0x71: {  	_ =	shalt  }
0x72: {  	_ =	shalt  }
0x73: {  	_ =	shalt  }
0x74: {  	_ =	shalt  }
0x75: {  	_ =	shalt  }
0x76: {  	_ =	shalt  }
0x77: {  	_ =	shalt  }
0x78: {  	_ =	shalt  }
0x79: {  	_ =	shalt  }
0x7a: {  	_ =	shalt  }
0x7b: {  	_ =	shalt  }
0x7c: {  	_ =	shalt  }
0x7d: {  	_ =	shalt  }
0x7e: {  	_ =	shalt  }
0x7f: {  	_ =	shalt  }
0x80: {  	_ =	shalt  }
0x81: {  	_ =	shalt  }
0x82: {  	_ =	shalt  }
0x83: {  	_ =	shalt  }
0x84: {  	_ =	shalt  }
0x85: {  	_ =	shalt  }
0x86: {  	_ =	shalt  }
0x87: {  	_ =	shalt  }
.Lfunc_end0:
.L_simem_size_0:
called_computation.7_lowered:
.L_overlay_start_0:
0x88: {  	s2 =	sld [smem:$0x3FD9]  }
0x89: {  	s3 =	sld [smem:$0x3FFE];
	_ =	sdelay $0x1  }
0x8a: {  	s1 =	srdreg.scid  }
0x8b: {  	s0 =	sand.u32 $0x1, s1  }
0x8c: {  	s17 =	sshll.u32 s0, $0xA;
	s2 =	sadd.s32 s3, s2  }
0x8d: {  	s2 =	sadd.s32 s2, s17  }
0x8e: {  	[smem:$0x3FB4] =	sst s2  }
0x8f: {  	_ = 	snop  }
0x90: {  	(tm) =	ssettm $0x1  }
0x91: {  	s18 =	sld [smem:$0x3FFB];
	_ =	sdelay $0x3  }
0x92: {  	_ =	strace s18  }
0x93: {  	s2 =	sld [smem:$0x3FFC];
	_ =	sdelay $0x3  }
0x94: {  	_ =	strace s2  }
0x95: {  	s2 =	sld [smem:$0x3FFD];
	_ =	sdelay $0x3  }
0x96: {  	_ =	strace s2  }
0x97: {  	_ =	strace $0x8FFFFFFF  }
0x98: {  	s19 =	sld [smem:$0x3FDB];
	_ =	sdelay $0x1  }
0x99: {  	s20 =	simm.s32 $_scs_section_size  }
0x9a: {  	s4 =	simm.s32 $_size__tile_overlayer_lowered;
	s5 =	simm.s32 $_tile_overlayer_lowered  }
0x9b: {  	s6 =	simm.s32 $0x1BFF;
	s21 =	sshll.u32 s5, $0x1;
	s3 =	sadd.s32 s20, s19  }
0x9c: {  	s22 =	simm.s32 $0x0;
	s4 =	sshll.u32 s4, $0x1;
	s5 =	sadd.s32 s21, s3  }
0x9d: {  	[timem:s22], [sflag:s6] =	dma.local [hbm:s5], s4  }
0x9e: {  	_ =	swait.ge [sflag:s6], s4  }
0x9f: {  	s4 =	ssub.s32 $0x0, s4;
	[sflag:s6] =	ssyncset.done $0x0  }
0xa0: {  	[sflag:s6] =	ssyncadd.s32 s4;
	_ =	sdelay $0x1  }
0xa1: {  	s23 =	simm.s32 $0x1B8B  }
0xa2: {  	_ =	swait.ge [sflag:s23], $0x1  }
0xa3: {  	[sflag:s23] =	ssyncset.done $0x0  }
0xa4: {  	[sflag:s23] =	ssyncadd.s32 $0xFFFFFFFF  }
0xa5: {  	s4 =	sld [smem:$0x0]  }
0xa6: {  	s5 =	sand.u32 $0xFFFFFFFE, s1  }
0xa7: {  	p0 =	sne.s32 s1, s5  }
0xa8: {  	s5 =	sshll.u32 @p0 s5, $0xE  }
0xa9: {  	s5 =	sadd.s32 @p0 $0x11B8D, s5;
	s6 =	sshll.u32 @p0 s4, $0x11  }
0xaa: {  	s5 =	sor.u32 @p0 s6, s5  }
0xab: {  	[sflag:s5] =	ssyncadd.remote.s32 @p0 $0x1;
	_ =	sdelay $0x1  }
0xac: {  	s5 =	simm.s32 @p0 $0x1B8D  }
0xad: {  	_ =	swait.eq @p0 [sflag:s5], $0x1  }
0xae: {  	[sflag:s5] =	ssyncadd.s32 @p0 $0xFFFFFFFF  }
0xaf: {  	s6 =	sshll.u32 @!p0 s1, $0xE  }
0xb0: {  	s6 =	sor.u32 @!p0 $0x4000, s6;
	s5 =	simm.s32 @!p0 $0x1B8D  }
0xb1: {  	s4 =	sshll.u32 @!p0 s4, $0x11;
	s6 =	sadd.s32 @!p0 $0x11B8D, s6;
	_ =	swait.eq @!p0 [sflag:s5], $0x1  }
0xb2: {  	s4 =	sor.u32 @!p0 s4, s6;
	[sflag:s5] =	ssyncadd.s32 @!p0 $0xFFFFFFFF  }
0xb3: {  	s25 =	simm.s32 $0x1B8E;
	s24 =	sld [smem:$0x3FFE];
	[sflag:s4] =	ssyncadd.remote.s32 @!p0 $0x1  }
0xb4: {  	s26 =	simm.s32 $execute0_lowered;
	[smem:$0x3FD2] =	sst s25  }
0xb5: {  	s5 =	sshll.u32 s26, $0x1;
	_ =	strace $0x80000058;
	[dreg:$0x1] =	wrdreg $0xFFFFFFFF  }
0xb6: {  	s28 =	simm.s32 $_size_execute0_lowered;
	s3 =	sadd.s32 s3, s5;
	[dreg:$0x0] =	wrdreg $0x0  }
0xb7: {  	s5 =	sshll.u32 s28, $0x1;
	[dreg:$0x2] =	wrdreg s3  }
0xb8: {  	[dreg:$0x3] =	wrdreg s5  }
0xb9: {  	[dreg:$0x4] =	wrdreg $0xC0  }
0xba: {  	_ =	task [dreg:s22], $0x5FFFF  }
0xbb: {  	[dreg:$0x1] =	wrdreg $0xFFFFFFFF  }
0xbc: {  	[dreg:$0x0] =	wrdreg $0x60  }
0xbd: {  	[dreg:$0x2] =	wrdreg s24  }
0xbe: {  	[dreg:$0x3] =	wrdreg $0xAFD00  }
0xbf: {  	[dreg:$0x4] =	wrdreg $0xA  }
0xc0: {  	_ =	task.clear_ibuf [dreg:s22], $0x5FFFF;
	_ =	strace $0x90000058  }
0xc1: {  	s29 =	simm.s32 $0xA;
	_ =	strace $0x8000005A  }
0xc2: {  	_ =	swait.ge [sflag:s29], $0x1  }
0xc3: {  	[sflag:s29] =	ssyncadd.s32 $0xFFFFFFFF  }
0xc4: {  	_ =	strace $0x9000005A  }
0xc5: {  	_ =	sfence  }
0xc6: {  	s30 =	sld [smem:$0x0];
	_ =	sdelay $0x2  }
0xc7: {  	s31 =	sshll.u32 s1, $0xD;
	s1 =	sshrl.u32 s1, $0x2  }
0xc8: {  	s4 =	sand.u32 $0x4000, s31;
	s1 =	sadd.s32 s1, s30  }
0xc9: {  	s0 =	sor.u32 s4, s0;
	s1 =	sshll.u32 s1, $0x11  }
0xca: {  	s0 =	sor.u32 s1, s0  }
0xcb: {  	s0 =	sadd.s32 $0x8F2B, s0  }
0xcc: {  	[sflag:s0] =	ssyncadd.remote.s32 $0x1  }
0xcd: {  	_ =	sfence.sel $0xFFFF  }
0xce: {  	[dreg:$0x0] =	wrdreg $0xFFFFFFFF;
	(pc) =	sbr.abs _section_cstart, $3  }
0xcf: {  	[dreg:$0x1] =	wrdreg $0xFFFFFFFF  }
0xd0: {  	_ =	task.clear_ibuf [dreg:s22], $0x2FFFF;
	_ =	strace $0x9FFFFFFF  }
0xd1: {  	(tm) =	ssettm $0x7FFFFFFF  }
tec
execute0_lowered:
.L_overlay_start_1:
0x0: {  	(tag) =	ssettag $0x1  }
0x1: {  	s15 =	rddreg [dreg:$0x0]  }
0x2: {  	s2 =	rddreg [dreg:$0x1];
	s1 =	stileid.u32  }
0x3: {  	s0 =	rddreg [dreg:$0x2];
	s3 =	simm.s32 $0x0;
	s4 =	srdreg.scid  }
0x4: {  	s16 =	smul.u32 $0x2710, s1;
	[smem:$0x7FF] =	sst s3  }
0x5: {  	s17 =	sand.u32 $0x1, s4;
	s26 =	sshll.u32 s1, $0x1;
	s29 =	sshll.u32 s1, $0x6  }
0x6: {  	_ =	strace $0x80000059;
	s8 =	sor.u32 s17, s26;
	s5 =	sshrl.u32 s16, $0x3  }
0x7: {  	s6 =	sadd.s32 s16, s2;
	s28 =	sadd.s32 s5, s15;
	s5 =	sor.u32 $0x1C02, s29  }
0x8: {  	s7 =	sshrl.u32 s6, $0x3;
	s6 =	simm.s32 $0x2;
	s4 =	sadd.s32 $0x2D3E00, s28  }
0x9: {  	[spmem:s7], [sflag:s5] =	dma.local [hbm:s4], $0x4E2  }
0xa: {  	s8 =	smul.u32 $0x139, s8;
	_ =	swait.ge [sflag:s6], $0x4E2  }
0xb: {  	[sflag:s6] =	ssyncset.done $0x0  }
0xc: {  	s9 =	sadd.s32 s8, s15;
	[sflag:s6] =	ssyncadd.s32 $0xFFFFFB1E  }
0xd: {  	s8 =	sadd.s32 $0x2D1600, s9;
	[bflag:$0x0] =	sbarrier.arrive $0xFFFF  }
0xe: {  	[tilespmem:s3], [sflag:$0x2] =	stream.linear.gather [hbm4b:s8+s3], $0x9C8, $0x38;
	[tilespmem:$0xD6E0] =	vst v63  }
0xf: {  	_ =	swait.ge [sflag:s6], $0x9C8  }
0x10: {  	[sflag:s6] =	ssyncset.done $0x0  }
0x11: {  	s10 =	simm.s32 $0x9C8;
	s9 =	sadd.s32 $0x5A00, s9;
	[sflag:s6] =	ssyncadd.s32 $0xFFFFF638  }
0x12: {  	[tilespmem:s10], [sflag:$0x2] =	stream.linear.gather [hbm4b:s9+s3], $0x9C8, $0x38;
	[tilespmem:$0xD6E0] =	vst v63  }
0x13: {  	s12 =	simm.s32 $0x9C4;
	_ =	swait.ge [sflag:s6], $0x9C8  }
0x14: {  	s13 =	simm.s32 $0x1390;
	s14 =	simm.s32 $0x1;
	[sflag:s6] =	ssyncset.done $0x0  }
0x15: {  	s11 =	sadd.s32 $0x39400, s15;
	s18 =	smul.u32 $0x27100, s17;
	[sflag:s6] =	ssyncadd.s32 $0xFFFFF638  }
0x16: {  	[tilespmem:s13], [sflag:$0x1] =	stream.indirect.gather [hbm4b:s11+s12], $0x10, s10, s12, $0xb8;
	[tilespmem:$0xD6E0] =	vst v63  }
0x17: {  	s17 =	ssub.s32 $0x2, s17;
	_ =	swait.ge [sflag:s14], $0x9C40  }
0x18: {  	s30 =	sshrl.u32 s17, $0x1;
	s16 =	sadd.s32 s16, s18;
	[sflag:s14] =	ssyncset.done $0x0  }
0x19: {  	s31 =	ssub.s32 s17, s30;
	s16 =	sshrl.u32 s16, $0x3;
	[sflag:s14] =	ssyncadd.s32 $0xFFFF63C0  }
0x1a: {  	[spmem:s2] =	stream.indirect.scatter.add.f32 [tilespmem:s13], [sflag:$0x2], $0x10, s3, s12, $0xb8;
	[tilespmem:$0xD6E0] =	vst v63  }
0x1b: {  	s15 =	sadd.s32 s16, s15;
	s16 =	smax.u32 s31, $0x1;
	_ =	swait.ge [sflag:s6], $0x9C40  }
0x1c: {  	p0 =	sne.s32 s16, $0x1;
	[sflag:s6] =	ssyncset.done $0x0  }
.Ltmp0:
0x1d: {  	[sflag:s6] =	ssyncadd.s32 $0xFFFF63C0;
	(pc) =	sbr.rel @!p0 .LBB2_2-.Ltmp0, $4  }
0x1e: {  	s15 =	sadd.s32 $0x2E5400, s15;
	[bflag:$0x0] =	sbarrier.arrive $0xFFFF  }
0x1f: {  	[hbm:s15], [sflag:s5] =	dma.local [spmem:s7], $0x4E2  }
0x20: {  	_ =	swait.ge [sflag:s6], $0x4E2  }
0x21: {  	s16 =	sadd.s32 $0xFFFFFFFF, s16;
	[sflag:s6] =	ssyncset.done $0x0  }
.LBB2_1:
0x22: {  	p0 =	sne.s32 s16, $0x1;
	s16 =	sadd.s32 $0xFFFFFFFF, s16;
	[sflag:s6] =	ssyncadd.s32 $0xFFFFFB1E  }
0x23: {  	[spmem:s7], [sflag:s5] =	dma.local [hbm:s4], $0x4E2  }
0x24: {  	_ =	swait.ge [sflag:s6], $0x4E2  }
0x25: {  	[sflag:s6] =	ssyncset.done $0x0  }
0x26: {  	[sflag:s6] =	ssyncadd.s32 $0xFFFFFB1E  }
0x27: {  	[bflag:$0x0] =	sbarrier.arrive $0xFFFF  }
0x28: {  	[tilespmem:s3], [sflag:$0x2] =	stream.linear.gather [hbm4b:s8+s3], $0x9C8, $0x38;
	[tilespmem:$0xD6E0] =	vst v63  }
0x29: {  	_ =	swait.ge [sflag:s6], $0x9C8  }
0x2a: {  	[sflag:s6] =	ssyncset.done $0x0  }
0x2b: {  	[sflag:s6] =	ssyncadd.s32 $0xFFFFF638  }
0x2c: {  	[tilespmem:s10], [sflag:$0x2] =	stream.linear.gather [hbm4b:s9+s3], $0x9C8, $0x38;
	[tilespmem:$0xD6E0] =	vst v63  }
0x2d: {  	_ =	swait.ge [sflag:s6], $0x9C8  }
0x2e: {  	[sflag:s6] =	ssyncset.done $0x0  }
0x2f: {  	[sflag:s6] =	ssyncadd.s32 $0xFFFFF638  }
0x30: {  	[tilespmem:s13], [sflag:$0x1] =	stream.indirect.gather [hbm4b:s11+s12], $0x10, s10, s12, $0xb8;
	[tilespmem:$0xD6E0] =	vst v63  }
0x31: {  	_ =	swait.ge [sflag:s14], $0x9C40  }
0x32: {  	[sflag:s14] =	ssyncset.done $0x0  }
0x33: {  	[sflag:s14] =	ssyncadd.s32 $0xFFFF63C0  }
0x34: {  	[spmem:s2] =	stream.indirect.scatter.add.f32 [tilespmem:s13], [sflag:$0x2], $0x10, s3, s12, $0xb8;
	[tilespmem:$0xD6E0] =	vst v63  }
0x35: {  	_ =	swait.ge [sflag:s6], $0x9C40  }
0x36: {  	[sflag:s6] =	ssyncset.done $0x0  }
.Ltmp1:
0x37: {  	[sflag:s6] =	ssyncadd.s32 $0xFFFF63C0;
	(pc) =	sbr.rel @p0 .LBB2_1-.Ltmp1, $4  }
0x38: {  	[bflag:$0x0] =	sbarrier.arrive $0xFFFF  }
0x39: {  	[hbm:s15], [sflag:s5] =	dma.local [spmem:s7], $0x4E2  }
0x3a: {  	_ =	swait.ge [sflag:s6], $0x4E2  }
0x3b: {  	[sflag:s6] =	ssyncset.done $0x0  }
.LBB2_2:
0x3c: {  	[sflag:s6] =	ssyncadd.s32 $0xFFFFFB1E  }
0x3d: {  	_ =	sfence.sel $0x180000  }
0x3e: {  	[bflag:$0x0] =	sbarrier.arrive $0xFFFF  }
0x3f: {  	p0 =	sne.s32 s1, $0x0;
	_ =	strace $0x90000059  }
0x40: {  	s0 =	sadd.s32 @!p0 $0x100000, s0;
	[bflag:$0x2] =	sbarrier.arrive $0xFFFF  }
0x41: {  	[sflag:s0] =	ssyncadd.tile.s32 @!p0 $0x1;
	_ =	shalt  }
.Lfunc_end2:
_tile_overlayer_lowered:
.L_overlay_start_2:
0x42: {  	(tag) =	ssettag $0x2  }
0x43: {  	s0 =	rddreg [dreg:$0x0];
	s2 =	stileid.u32  }
0x44: {  	s1 =	rddreg [dreg:$0x1];
	p0 =	sne.s32 s2, $0x0  }
0x45: {  	s3 =	rddreg [dreg:$0x2];
	[bflag:$0x3] =	sbarrier.arrive $0xFFFF;
	s2 =	simm.s32 @!p0 $0x1C02  }
0x46: {  	[timem:s3], [sflag:s2] =	dma.local @!p0 [hbm:s0], s1  }
0x47: {  	s0 =	simm.s32 @!p0 $0x2  }
0x48: {  	_ =	swait.ge @!p0 [sflag:s0], s1  }
0x49: {  	s1 =	ssub.s32 @!p0 $0x0, s1;
	[sflag:s0] =	ssyncset.done @!p0 $0x0  }
0x4a: {  	[sflag:s0] =	ssyncadd.s32 @!p0 s1  }
0x4b: {  	[bflag:$0x3] =	sbarrier.arrive $0xFFFF  }
0x4c: {  	_ =	shalt  }

</sc_bundles>
